<compile_context>
chip_gen: v7x
topology: tpu7x:2x2x1
jax: 0.10.2.dev20260603
libtpu: 0.0.44.dev20260713+nightly
codegen_flags: <defaults>
</compile_context>

<pallas_src>
import functools

import jax
import jax.numpy as jnp
from jax import lax
from jax.experimental import pallas as pl
from jax.experimental.pallas import tpu as pltpu
from jax.experimental.pallas import tpu_sc as plsc

N = 10000
NPAD = 10240
E = 320000
D = 128
DE = 16
G = 64
L = 16

NC = 2
NS = 16
NW = NC * NS
EPW = E // NW
CHR = 80
CH = 80
NCH = EPW // CHR
CPS = 25
SLABS = NCH // CPS
SLAB_E = CPS * CHR
NPT = NPAD // NS
NBUF = 4

EB = 32768
EGRID = 10
EPAD2 = EB * EGRID


def _pad16(w):
    r, c = w.shape
    return jnp.pad(w, ((0, (-r) % L), (0, (-c) % L)))


def _padb(b):
    return jnp.pad(b, (0, (-b.shape[0]) % L)).reshape(1, L)



def _pre_node_body(x_ref, wn_ref, bm_ref, wu_ref, bu_ref, updt_ref, projt_ref):
    x = x_ref[...]
    projt = lax.dot_general(wn_ref[...], x, (((0,), (1,)), ((), ())),
                            preferred_element_type=jnp.float32)
    updt = lax.dot_general(wu_ref[...], x, (((0,), (1,)), ((), ())),
                           preferred_element_type=jnp.float32)
    for f in range(L):
        projt_ref[pl.ds(f * NPAD, NPAD)] = projt[f] + bm_ref[0, f]
        updt_ref[pl.ds(f * NPAD, NPAD)] = updt[f] + bu_ref[0, f]


def _pre_edge_body(et_ref, wet_ref, *out_refs):
    val = jnp.dot(wet_ref[...], et_ref[...], preferred_element_type=jnp.float32)
    for f in range(L):
        out_refs[f][...] = val[f]



def _sc_body(src_hbm, dst_hbm, projt_hbm, *rest):
    epre_refs = rest[:L]
    (out_hbm, src_v, dst_v, rows_v, epre_v, stageT_v, stage_v, proj_sh, agg_sh,
     gsem, ssem, esem) = rest[L:]
    cid = lax.axis_index("c")
    sid = lax.axis_index("s")
    wid = cid * NS + sid
    rowbase = sid * NPT
    iota16 = jnp.arange(L, dtype=jnp.int32)

    for f in range(L):
        pltpu.async_copy(projt_hbm.at[pl.ds(f * NPAD + rowbase, NPT)],
                         stageT_v.at[pl.ds(f * NPT, NPT)], esem)
    for f in range(L):
        pltpu.make_async_copy(projt_hbm.at[pl.ds(f * NPAD + rowbase, NPT)],
                              stageT_v.at[pl.ds(f * NPT, NPT)], esem).wait()
    base_tr = iota16 * NPT

    @plsc.parallel_loop(0, NPT, unroll=8)
    def _tr(j):
        stage_v[j] = plsc.load_gather(stageT_v, [base_tr + j])
    pltpu.sync_copy(stage_v, proj_sh.at[pl.ds(rowbase, NPT)])

    def _zero(i, _):
        stage_v[i] = jnp.zeros((L,), jnp.float32)
        return 0
    lax.fori_loop(0, NPT, _zero, 0)
    pltpu.sync_copy(stage_v, agg_sh.at[pl.ds(rowbase, NPT)])

    pltpu.sync_copy(src_hbm.at[wid], src_v)
    pltpu.sync_copy(dst_hbm.at[wid], dst_v)

    plsc.subcore_barrier()

    eoff = wid * EPW

    def _start_slab(s_next, par_next):
        for f in range(L):
            pltpu.async_copy(
                epre_refs[f].at[pl.ds(eoff + s_next * SLAB_E, SLAB_E)],
                epre_v.at[pl.ds((par_next * L + f) * SLAB_E, SLAB_E)], esem)

    def _wait_slab(s, par):
        for f in range(L):
            pltpu.make_async_copy(
                epre_refs[f].at[pl.ds(eoff + s * SLAB_E, SLAB_E)],
                epre_v.at[pl.ds((par * L + f) * SLAB_E, SLAB_E)], esem).wait()

    _start_slab(0, 0)
    for k in range(NBUF - 1):
        pltpu.async_copy(proj_sh.at[src_v.at[k]], rows_v.at[k], gsem)

    def _slab(s, _):
        par = lax.rem(s, 2)

        @pl.when(s + 1 < SLABS)
        def _():
            _start_slab(s + 1, 1 - par)

        _wait_slab(s, par)
        base_vec = (par * L + iota16) * SLAB_E

        def _chunk(c, _):
            g = s * CPS + c
            p = lax.rem(g, NBUF)
            pn = lax.rem(g + NBUF - 1, NBUF)

            @pl.when(g >= NBUF - 1)
            def _():
                pltpu.make_async_copy(
                    rows_v.at[pn], agg_sh.at[dst_v.at[g - (NBUF - 1)]], ssem).wait()

            @pl.when(g + NBUF - 1 < NCH)
            def _():
                pltpu.async_copy(
                    proj_sh.at[src_v.at[g + NBUF - 1]], rows_v.at[pn], gsem)

            pltpu.make_async_copy(
                proj_sh.at[src_v.at[g]], rows_v.at[p], gsem).wait()

            @plsc.parallel_loop(0, CH, unroll=8)
            def _edge(j):
                col = plsc.load_gather(epre_v, [base_vec + (c * CHR + j)])
                rows_v[p, j] = jnp.maximum(rows_v[p, j] + col, 0.0)

            pltpu.async_copy(rows_v.at[p], agg_sh.at[dst_v.at[g]], ssem, add=True)
            return 0
        lax.fori_loop(0, CPS, _chunk, 0)
        return 0
    lax.fori_loop(0, SLABS, _slab, 0)

    for g in range(NCH - (NBUF - 1), NCH):
        pltpu.make_async_copy(
            rows_v.at[g % NBUF], agg_sh.at[dst_v.at[g]], ssem).wait()

    plsc.subcore_barrier()

    pltpu.sync_copy(agg_sh.at[pl.ds(rowbase, NPT)], stage_v)

    @plsc.parallel_loop(0, NPT, unroll=8)
    def _trout(j):
        plsc.store_scatter(stageT_v, [base_tr + j], stage_v[j])
    for f in range(L):
        pltpu.async_copy(stageT_v.at[pl.ds(f * NPT, NPT)],
                         out_hbm.at[pl.ds((cid * L + f) * NPAD + rowbase, NPT)],
                         esem)
    for f in range(L):
        pltpu.make_async_copy(
            stageT_v.at[pl.ds(f * NPT, NPT)],
            out_hbm.at[pl.ds((cid * L + f) * NPAD + rowbase, NPT)], esem).wait()



def _head_body(parts_ref, updt_ref, batch_ref, wuat_ref,
               w1t_ref, b1c_ref, w2t_ref, b2c_ref, w3t_ref, b3c_ref,
               w4t_ref, b4c_ref, out_ref):
    agg_t = jnp.stack(
        [parts_ref[pl.ds(f * NPAD, N)] + parts_ref[pl.ds((L + f) * NPAD, N)]
         for f in range(L)])
    upd_t = jnp.stack([updt_ref[pl.ds(f * NPAD, N)] for f in range(L)])
    x1 = jnp.maximum(
        upd_t + jnp.dot(wuat_ref[...], agg_t, preferred_element_type=jnp.float32),
        0.0)
    x2 = jax.nn.sigmoid(jnp.dot(w1t_ref[...], x1, preferred_element_type=jnp.float32) + b1c_ref[...])
    x3 = jax.nn.sigmoid(jnp.dot(w2t_ref[...], x2, preferred_element_type=jnp.float32) + b2c_ref[...])
    onehot = jnp.where(
        lax.broadcasted_iota(jnp.int32, (G, N), 0) == batch_ref[...], 1.0, 0.0)
    pooled_t = lax.dot_general(x3, onehot, (((1,), (1,)), ((), ())),
                               preferred_element_type=jnp.float32)
    x4 = jax.nn.sigmoid(jnp.dot(w3t_ref[...], pooled_t, preferred_element_type=jnp.float32) + b3c_ref[...])
    out_ref[...] = jnp.dot(w4t_ref[...], x4, preferred_element_type=jnp.float32) + b4c_ref[...]



def kernel(edge_index, node_attr, edge_attr, batch,
           W_msg, b_msg, W_upd, b_upd,
           W1, b1, W2, b2, W3, b3, W4, b4):
    wn = _pad16(W_msg[:D])
    we = _pad16(W_msg[D:])
    wu_n = _pad16(W_upd[:D])
    wu_a = _pad16(W_upd[D:])
    bm = _padb(b_msg)
    bu = _padb(b_upd)
    w1, b1p = _pad16(W1), _padb(b1)
    w2, b2p = _pad16(W2), _padb(b2)
    w3, b3p = _pad16(W3), _padb(b3)
    w4, b4p = _pad16(W4), _padb(b4)

    f32 = jnp.float32
    node_attr_p = jnp.pad(node_attr, ((0, NPAD - N), (0, 0)))
    node_updt, projt = pl.pallas_call(
        _pre_node_body,
        out_shape=(jax.ShapeDtypeStruct((L * NPAD,), f32),
                   jax.ShapeDtypeStruct((L * NPAD,), f32)),
    )(node_attr_p, wn, bm, wu_n, bu)

    epre_list = pl.pallas_call(
        _pre_edge_body,
        grid=(EGRID,),
        in_specs=[pl.BlockSpec((DE, EB), lambda i: (0, i)),
                  pl.BlockSpec((L, L), lambda i: (0, 0))],
        out_specs=[pl.BlockSpec((EB,), lambda i: (i,)) for _ in range(L)],
        out_shape=[jax.ShapeDtypeStruct((EPAD2,), f32) for _ in range(L)],
    )(edge_attr.T, we.T)

    src3 = edge_index[0].reshape(NW, NCH, CH)
    dst3 = edge_index[1].reshape(NW, NCH, CH)

    sc_call = functools.partial(
        pl.kernel,
        out_type=jax.ShapeDtypeStruct((NC * L * NPAD,), f32),
        mesh=plsc.VectorSubcoreMesh(core_axis_name="c", subcore_axis_name="s"),
        scratch_types=[
            pltpu.VMEM((NCH, CH), jnp.int32),
            pltpu.VMEM((NCH, CH), jnp.int32),
            pltpu.VMEM((NBUF, CH, L), f32),
            pltpu.VMEM((2 * L * SLAB_E + CH,), f32),
            pltpu.VMEM((L * NPT,), f32),
            pltpu.VMEM((NPT, L), f32),
            pltpu.VMEM_SHARED((NPAD, L), f32),
            pltpu.VMEM_SHARED((NPAD, L), f32),
            pltpu.SemaphoreType.DMA,
            pltpu.SemaphoreType.DMA,
            pltpu.SemaphoreType.DMA,
        ],
        compiler_params=pltpu.CompilerParams(use_tc_tiling_on_sc=False,
                                             needs_layout_passes=False),
    )(_sc_body)
    partials = sc_call(src3, dst3, projt, *epre_list)

    out16t = pl.pallas_call(
        _head_body,
        out_shape=jax.ShapeDtypeStruct((L, G), f32),
    )(partials, node_updt, batch.reshape(1, N), wu_a.T,
      w1.T, b1p.T, w2.T, b2p.T, w3.T, b3p.T, w4.T, b4p.T)

    return out16t[0].reshape(G, 1)

# --- scband reference (transcript-rebuilt; emitter-appended) ---
"""Pipeline reference for scband-model13-64630667870282 (READ-ONLY COPY).

The authoritative reference and input builder live on the scoring server;
editing this copy changes nothing except your own understanding.
"""

import jax, jax.numpy as jnp
import numpy as np

N = 10000
E = 320000
D = 128
DE = 16
G = 64
H1 = 10


def _glorot(key, shape):
    fan_in, fan_out = shape[0], shape[1]
    lim = np.sqrt(6.0 / (fan_in + fan_out))
    return jax.random.uniform(key, shape, dtype=jnp.float32, minval=-lim, maxval=lim)


def setup_inputs(seed: int = 0) -> dict:
    key = jax.random.key(seed)
    ks = jax.random.split(key, 16)
    node_attr = jax.random.normal(ks[0], (N, D), dtype=jnp.float32)
    edge_attr = jax.random.normal(ks[1], (E, DE), dtype=jnp.float32)
    edge_index = jax.random.randint(ks[2], (2, E), 0, N, dtype=jnp.int32)
    batch = jnp.sort(jax.random.randint(ks[3], (N,), 0, G, dtype=jnp.int32))
    # MPL_1 parameters: message MLP over [x_src || edge_attr], update over [x_dst || agg]
    W_msg = _glorot(ks[4], (D + DE, H1))
    b_msg = jnp.zeros((H1,), dtype=jnp.float32)
    W_upd = _glorot(ks[5], (D + H1, H1))
    b_upd = jnp.zeros((H1,), dtype=jnp.float32)
    W1 = _glorot(ks[6], (10, 10)); b1 = jnp.zeros((10,), dtype=jnp.float32)
    W2 = _glorot(ks[7], (10, 5)); b2 = jnp.zeros((5,), dtype=jnp.float32)
    W3 = _glorot(ks[8], (5, 5)); b3 = jnp.zeros((5,), dtype=jnp.float32)
    W4 = _glorot(ks[9], (5, 1)); b4 = jnp.zeros((1,), dtype=jnp.float32)
    return {
        "edge_index": edge_index, "node_attr": node_attr, "edge_attr": edge_attr,
        "batch": batch,
        "W_msg": W_msg, "b_msg": b_msg, "W_upd": W_upd, "b_upd": b_upd,
        "W1": W1, "b1": b1, "W2": W2, "b2": b2,
        "W3": W3, "b3": b3, "W4": W4, "b4": b4,
    }


def reference(edge_index, node_attr, edge_attr, batch,
              W_msg, b_msg, W_upd, b_upd,
              W1, b1, W2, b2, W3, b3, W4, b4):
    src = edge_index[0]
    dst = edge_index[1]
    # MPL_1: gather source node features, form edge messages, scatter-add to dst
    x_src = jnp.take(node_attr, src, axis=0)
    msg_in = jnp.concatenate([x_src, edge_attr], axis=1)
    msg = jax.nn.relu(msg_in @ W_msg + b_msg)
    agg = jax.ops.segment_sum(msg, dst, num_segments=N)
    upd_in = jnp.concatenate([node_attr, agg], axis=1)
    x = jax.nn.relu(upd_in @ W_upd + b_upd)
    # head MLP
    x = jax.nn.sigmoid(x @ W1 + b1)
    x = jax.nn.sigmoid(x @ W2 + b2)
    # segment_coo(x, batch, reduce='sum') -> per-graph pooling
    x = jax.ops.segment_sum(x, batch, num_segments=G)
    x = jax.nn.sigmoid(x @ W3 + b3)
    x = x @ W4 + b4
    return x

if __name__ == "__main__":
    import jax
    _d = setup_inputs()
    print(jax.jit(kernel)(*tuple(_d.values())))

</pallas_src>

<mosaic_0001>
#map = affine_map<(d0, d1) -> (0, 0, 0)>
#map1 = affine_map<(d0, d1) -> (0)>
module attributes {stable_mosaic.version = 14 : i64} {
  func.func @_sc_body(%arg0: i32, %arg1: i32, %arg2: memref<32x125x80xi32, #tpu.memory_space<hbm>>, %arg3: memref<32x125x80xi32, #tpu.memory_space<hbm>>, %arg4: memref<163840xf32, #tpu.memory_space<hbm>>, %arg5: memref<327680xf32, #tpu.memory_space<hbm>>, %arg6: memref<327680xf32, #tpu.memory_space<hbm>>, %arg7: memref<327680xf32, #tpu.memory_space<hbm>>, %arg8: memref<327680xf32, #tpu.memory_space<hbm>>, %arg9: memref<327680xf32, #tpu.memory_space<hbm>>, %arg10: memref<327680xf32, #tpu.memory_space<hbm>>, %arg11: memref<327680xf32, #tpu.memory_space<hbm>>, %arg12: memref<327680xf32, #tpu.memory_space<hbm>>, %arg13: memref<327680xf32, #tpu.memory_space<hbm>>, %arg14: memref<327680xf32, #tpu.memory_space<hbm>>, %arg15: memref<327680xf32, #tpu.memory_space<hbm>>, %arg16: memref<327680xf32, #tpu.memory_space<hbm>>, %arg17: memref<327680xf32, #tpu.memory_space<hbm>>, %arg18: memref<327680xf32, #tpu.memory_space<hbm>>, %arg19: memref<327680xf32, #tpu.memory_space<hbm>>, %arg20: memref<327680xf32, #tpu.memory_space<hbm>>, %arg21: memref<327680xf32, #tpu.memory_space<hbm>>, %arg22: memref<125x80xi32, #tpu.memory_space<vmem>>, %arg23: memref<125x80xi32, #tpu.memory_space<vmem>>, %arg24: memref<4x80x16xf32, #tpu.memory_space<vmem>>, %arg25: memref<64080xf32, #tpu.memory_space<vmem>>, %arg26: memref<10240xf32, #tpu.memory_space<vmem>>, %arg27: memref<640x16xf32, #tpu.memory_space<vmem>>, %arg28: memref<10240x16xf32, #tpu.memory_space<vmem_shared>>, %arg29: memref<10240x16xf32, #tpu.memory_space<vmem_shared>>, %arg30: memref<!tpu.dma_semaphore, #tpu.memory_space<semaphore_mem>>, %arg31: memref<!tpu.dma_semaphore, #tpu.memory_space<semaphore_mem>>, %arg32: memref<!tpu.dma_semaphore, #tpu.memory_space<semaphore_mem>>) attributes {dimension_semantics = [#tpu.dimension_semantics<core_parallel>, #tpu.dimension_semantics<subcore_parallel>], iteration_bounds = array<i64: 2, 16>, scalar_prefetch = 0 : i64, scratch_operands = 11 : i64, tpu.core_type = #tpu.core_type<sc_vector_subcore>, window_params = [{transform_indices = #map}, {transform_indices = #map}, {transform_indices = #map1}, {transform_indices = #map1}, {transform_indices = #map1}, {transform_indices = #map1}, {transform_indices = #map1}, {transform_indices = #map1}, {transform_indices = #map1}, {transform_indices = #map1}, {transform_indices = #map1}, {transform_indices = #map1}, {transform_indices = #map1}, {transform_indices = #map1}, {transform_indices = #map1}, {transform_indices = #map1}, {transform_indices = #map1}, {transform_indices = #map1}, {transform_indices = #map1}, {transform_indices = #map1}]} {
    %mul3A = arith.constant 16 : i32
    %mul3A_0 = arith.muli %arg0, %mul3A : i32
    %add3A = arith.addi %mul3A_0, %arg1 : i32
    %mul3A_1 = arith.constant 640 : i32
    %mul3A_2 = arith.muli %arg1, %mul3A_1 : i32
    %iota3A = tpu.iota {dimensions = array<i32: 0>} : vector<16xi32>
    %add3A_3 = arith.constant 0 : i32
    %add3A_4 = arith.addi %add3A_3, %mul3A_2 : i32
    %dma_start3A = arith.constant 0 : i32
    %dma_start3A_5 = tpu.memref_slice %arg26[%dma_start3A] : memref<10240xf32, #tpu.memory_space<vmem>> -> memref<640xf32, #tpu.memory_space<vmem>>
    %dma_start3A_6 = tpu.memref_slice %arg4[%add3A_4] : memref<163840xf32, #tpu.memory_space<hbm>> -> memref<640xf32, #tpu.memory_space<hbm>>
    %dma_start3A_7 = arith.constant 0 : i32
    %dma_start3A_8 = tpu.memref_slice %arg26[%dma_start3A_7] : memref<10240xf32, #tpu.memory_space<vmem>> -> memref<640xf32, #tpu.memory_space<vmem>>
    %dma_start3A_9 = tpu.memref_slice %arg4[%add3A_4] : memref<163840xf32, #tpu.memory_space<hbm>> -> memref<640xf32, #tpu.memory_space<hbm>>
    tpu.enqueue_dma source(%dma_start3A_9 : memref<640xf32, #tpu.memory_space<hbm>>) target(%dma_start3A_8 : memref<640xf32, #tpu.memory_space<vmem>>) target_semaphore(%arg32 : memref<!tpu.dma_semaphore, #tpu.memory_space<semaphore_mem>>)
    %add3A_10 = arith.constant 10240 : i32
    %add3A_11 = arith.addi %add3A_10, %mul3A_2 : i32
    %dma_start3A_12 = arith.constant 640 : i32
    %dma_start3A_13 = tpu.memref_slice %arg26[%dma_start3A_12] : memref<10240xf32, #tpu.memory_space<vmem>> -> memref<640xf32, #tpu.memory_space<vmem>>
    %dma_start3A_14 = tpu.memref_slice %arg4[%add3A_11] : memref<163840xf32, #tpu.memory_space<hbm>> -> memref<640xf32, #tpu.memory_space<hbm>>
    %dma_start3A_15 = arith.constant 640 : i32
    %dma_start3A_16 = tpu.memref_slice %arg26[%dma_start3A_15] : memref<10240xf32, #tpu.memory_space<vmem>> -> memref<640xf32, #tpu.memory_space<vmem>>
    %dma_start3A_17 = tpu.memref_slice %arg4[%add3A_11] : memref<163840xf32, #tpu.memory_space<hbm>> -> memref<640xf32, #tpu.memory_space<hbm>>
    tpu.enqueue_dma source(%dma_start3A_17 : memref<640xf32, #tpu.memory_space<hbm>>) target(%dma_start3A_16 : memref<640xf32, #tpu.memory_space<vmem>>) target_semaphore(%arg32 : memref<!tpu.dma_semaphore, #tpu.memory_space<semaphore_mem>>)
    %add3A_18 = arith.constant 20480 : i32
    %add3A_19 = arith.addi %add3A_18, %mul3A_2 : i32
    %dma_start3A_20 = arith.constant 1280 : i32
    %dma_start3A_21 = tpu.memref_slice %arg26[%dma_start3A_20] : memref<10240xf32, #tpu.memory_space<vmem>> -> memref<640xf32, #tpu.memory_space<vmem>>
    %dma_start3A_22 = tpu.memref_slice %arg4[%add3A_19] : memref<163840xf32, #tpu.memory_space<hbm>> -> memref<640xf32, #tpu.memory_space<hbm>>
    %dma_start3A_23 = arith.constant 1280 : i32
    %dma_start3A_24 = tpu.memref_slice %arg26[%dma_start3A_23] : memref<10240xf32, #tpu.memory_space<vmem>> -> memref<640xf32, #tpu.memory_space<vmem>>
    %dma_start3A_25 = tpu.memref_slice %arg4[%add3A_19] : memref<163840xf32, #tpu.memory_space<hbm>> -> memref<640xf32, #tpu.memory_space<hbm>>
    tpu.enqueue_dma source(%dma_start3A_25 : memref<640xf32, #tpu.memory_space<hbm>>) target(%dma_start3A_24 : memref<640xf32, #tpu.memory_space<vmem>>) target_semaphore(%arg32 : memref<!tpu.dma_semaphore, #tpu.memory_space<semaphore_mem>>)
    %add3A_26 = arith.constant 30720 : i32
    %add3A_27 = arith.addi %add3A_26, %mul3A_2 : i32
    %dma_start3A_28 = arith.constant 1920 : i32
    %dma_start3A_29 = tpu.memref_slice %arg26[%dma_start3A_28] : memref<10240xf32, #tpu.memory_space<vmem>> -> memref<640xf32, #tpu.memory_space<vmem>>
    %dma_start3A_30 = tpu.memref_slice %arg4[%add3A_27] : memref<163840xf32, #tpu.memory_space<hbm>> -> memref<640xf32, #tpu.memory_space<hbm>>
    %dma_start3A_31 = arith.constant 1920 : i32
    %dma_start3A_32 = tpu.memref_slice %arg26[%dma_start3A_31] : memref<10240xf32, #tpu.memory_space<vmem>> -> memref<640xf32, #tpu.memory_space<vmem>>
    %dma_start3A_33 = tpu.memref_slice %arg4[%add3A_27] : memref<163840xf32, #tpu.memory_space<hbm>> -> memref<640xf32, #tpu.memory_space<hbm>>
    tpu.enqueue_dma source(%dma_start3A_33 : memref<640xf32, #tpu.memory_space<hbm>>) target(%dma_start3A_32 : memref<640xf32, #tpu.memory_space<vmem>>) target_semaphore(%arg32 : memref<!tpu.dma_semaphore, #tpu.memory_space<semaphore_mem>>)
    %add3A_34 = arith.constant 40960 : i32
    %add3A_35 = arith.addi %add3A_34, %mul3A_2 : i32
    %dma_start3A_36 = arith.constant 2560 : i32
    %dma_start3A_37 = tpu.memref_slice %arg26[%dma_start3A_36] : memref<10240xf32, #tpu.memory_space<vmem>> -> memref<640xf32, #tpu.memory_space<vmem>>
    %dma_start3A_38 = tpu.memref_slice %arg4[%add3A_35] : memref<163840xf32, #tpu.memory_space<hbm>> -> memref<640xf32, #tpu.memory_space<hbm>>
    %dma_start3A_39 = arith.constant 2560 : i32
    %dma_start3A_40 = tpu.memref_slice %arg26[%dma_start3A_39] : memref<10240xf32, #tpu.memory_space<vmem>> -> memref<640xf32, #tpu.memory_space<vmem>>
    %dma_start3A_41 = tpu.memref_slice %arg4[%add3A_35] : memref<163840xf32, #tpu.memory_space<hbm>> -> memref<640xf32, #tpu.memory_space<hbm>>
    tpu.enqueue_dma source(%dma_start3A_41 : memref<640xf32, #tpu.memory_space<hbm>>) target(%dma_start3A_40 : memref<640xf32, #tpu.memory_space<vmem>>) target_semaphore(%arg32 : memref<!tpu.dma_semaphore, #tpu.memory_space<semaphore_mem>>)
    %add3A_42 = arith.constant 51200 : i32
    %add3A_43 = arith.addi %add3A_42, %mul3A_2 : i32
    %dma_start3A_44 = arith.constant 3200 : i32
    %dma_start3A_45 = tpu.memref_slice %arg26[%dma_start3A_44] : memref<10240xf32, #tpu.memory_space<vmem>> -> memref<640xf32, #tpu.memory_space<vmem>>
    %dma_start3A_46 = tpu.memref_slice %arg4[%add3A_43] : memref<163840xf32, #tpu.memory_space<hbm>> -> memref<640xf32, #tpu.memory_space<hbm>>
    %dma_start3A_47 = arith.constant 3200 : i32
    %dma_start3A_48 = tpu.memref_slice %arg26[%dma_start3A_47] : memref<10240xf32, #tpu.memory_space<vmem>> -> memref<640xf32, #tpu.memory_space<vmem>>
    %dma_start3A_49 = tpu.memref_slice %arg4[%add3A_43] : memref<163840xf32, #tpu.memory_space<hbm>> -> memref<640xf32, #tpu.memory_space<hbm>>
    tpu.enqueue_dma source(%dma_start3A_49 : memref<640xf32, #tpu.memory_space<hbm>>) target(%dma_start3A_48 : memref<640xf32, #tpu.memory_space<vmem>>) target_semaphore(%arg32 : memref<!tpu.dma_semaphore, #tpu.memory_space<semaphore_mem>>)
    %add3A_50 = arith.constant 61440 : i32
    %add3A_51 = arith.addi %add3A_50, %mul3A_2 : i32
    %dma_start3A_52 = arith.constant 3840 : i32
    %dma_start3A_53 = tpu.memref_slice %arg26[%dma_start3A_52] : memref<10240xf32, #tpu.memory_space<vmem>> -> memref<640xf32, #tpu.memory_space<vmem>>
    %dma_start3A_54 = tpu.memref_slice %arg4[%add3A_51] : memref<163840xf32, #tpu.memory_space<hbm>> -> memref<640xf32, #tpu.memory_space<hbm>>
    %dma_start3A_55 = arith.constant 3840 : i32
    %dma_start3A_56 = tpu.memref_slice %arg26[%dma_start3A_55] : memref<10240xf32, #tpu.memory_space<vmem>> -> memref<640xf32, #tpu.memory_space<vmem>>
    %dma_start3A_57 = tpu.memref_slice %arg4[%add3A_51] : memref<163840xf32, #tpu.memory_space<hbm>> -> memref<640xf32, #tpu.memory_space<hbm>>
    tpu.enqueue_dma source(%dma_start3A_57 : memref<640xf32, #tpu.memory_space<hbm>>) target(%dma_start3A_56 : memref<640xf32, #tpu.memory_space<vmem>>) target_semaphore(%arg32 : memref<!tpu.dma_semaphore, #tpu.memory_space<semaphore_mem>>)
    %add3A_58 = arith.constant 71680 : i32
    %add3A_59 = arith.addi %add3A_58, %mul3A_2 : i32
    %dma_start3A_60 = arith.constant 4480 : i32
    %dma_start3A_61 = tpu.memref_slice %arg26[%dma_start3A_60] : memref<10240xf32, #tpu.memory_space<vmem>> -> memref<640xf32, #tpu.memory_space<vmem>>
    %dma_start3A_62 = tpu.memref_slice %arg4[%add3A_59] : memref<163840xf32, #tpu.memory_space<hbm>> -> memref<640xf32, #tpu.memory_space<hbm>>
    %dma_start3A_63 = arith.constant 4480 : i32
    %dma_start3A_64 = tpu.memref_slice %arg26[%dma_start3A_63] : memref<10240xf32, #tpu.memory_space<vmem>> -> memref<640xf32, #tpu.memory_space<vmem>>
    %dma_start3A_65 = tpu.memref_slice %arg4[%add3A_59] : memref<163840xf32, #tpu.memory_space<hbm>> -> memref<640xf32, #tpu.memory_space<hbm>>
    tpu.enqueue_dma source(%dma_start3A_65 : memref<640xf32, #tpu.memory_space<hbm>>) target(%dma_start3A_64 : memref<640xf32, #tpu.memory_space<vmem>>) target_semaphore(%arg32 : memref<!tpu.dma_semaphore, #tpu.memory_space<semaphore_mem>>)
    %add3A_66 = arith.constant 81920 : i32
    %add3A_67 = arith.addi %add3A_66, %mul3A_2 : i32
    %dma_start3A_68 = arith.constant 5120 : i32
    %dma_start3A_69 = tpu.memref_slice %arg26[%dma_start3A_68] : memref<10240xf32, #tpu.memory_space<vmem>> -> memref<640xf32, #tpu.memory_space<vmem>>
    %dma_start3A_70 = tpu.memref_slice %arg4[%add3A_67] : memref<163840xf32, #tpu.memory_space<hbm>> -> memref<640xf32, #tpu.memory_space<hbm>>
    %dma_start3A_71 = arith.constant 5120 : i32
    %dma_start3A_72 = tpu.memref_slice %arg26[%dma_start3A_71] : memref<10240xf32, #tpu.memory_space<vmem>> -> memref<640xf32, #tpu.memory_space<vmem>>
    %dma_start3A_73 = tpu.memref_slice %arg4[%add3A_67] : memref<163840xf32, #tpu.memory_space<hbm>> -> memref<640xf32, #tpu.memory_space<hbm>>
    tpu.enqueue_dma source(%dma_start3A_73 : memref<640xf32, #tpu.memory_space<hbm>>) target(%dma_start3A_72 : memref<640xf32, #tpu.memory_space<vmem>>) target_semaphore(%arg32 : memref<!tpu.dma_semaphore, #tpu.memory_space<semaphore_mem>>)
    %add3A_74 = arith.constant 92160 : i32
    %add3A_75 = arith.addi %add3A_74, %mul3A_2 : i32
    %dma_start3A_76 = arith.constant 5760 : i32
    %dma_start3A_77 = tpu.memref_slice %arg26[%dma_start3A_76] : memref<10240xf32, #tpu.memory_space<vmem>> -> memref<640xf32, #tpu.memory_space<vmem>>
    %dma_start3A_78 = tpu.memref_slice %arg4[%add3A_75] : memref<163840xf32, #tpu.memory_space<hbm>> -> memref<640xf32, #tpu.memory_space<hbm>>
    %dma_start3A_79 = arith.constant 5760 : i32
    %dma_start3A_80 = tpu.memref_slice %arg26[%dma_start3A_79] : memref<10240xf32, #tpu.memory_space<vmem>> -> memref<640xf32, #tpu.memory_space<vmem>>
    %dma_start3A_81 = tpu.memref_slice %arg4[%add3A_75] : memref<163840xf32, #tpu.memory_space<hbm>> -> memref<640xf32, #tpu.memory_space<hbm>>
    tpu.enqueue_dma source(%dma_start3A_81 : memref<640xf32, #tpu.memory_space<hbm>>) target(%dma_start3A_80 : memref<640xf32, #tpu.memory_space<vmem>>) target_semaphore(%arg32 : memref<!tpu.dma_semaphore, #tpu.memory_space<semaphore_mem>>)
    %add3A_82 = arith.constant 102400 : i32
    %add3A_83 = arith.addi %add3A_82, %mul3A_2 : i32
    %dma_start3A_84 = arith.constant 6400 : i32
    %dma_start3A_85 = tpu.memref_slice %arg26[%dma_start3A_84] : memref<10240xf32, #tpu.memory_space<vmem>> -> memref<640xf32, #tpu.memory_space<vmem>>
    %dma_start3A_86 = tpu.memref_slice %arg4[%add3A_83] : memref<163840xf32, #tpu.memory_space<hbm>> -> memref<640xf32, #tpu.memory_space<hbm>>
    %dma_start3A_87 = arith.constant 6400 : i32
    %dma_start3A_88 = tpu.memref_slice %arg26[%dma_start3A_87] : memref<10240xf32, #tpu.memory_space<vmem>> -> memref<640xf32, #tpu.memory_space<vmem>>
    %dma_start3A_89 = tpu.memref_slice %arg4[%add3A_83] : memref<163840xf32, #tpu.memory_space<hbm>> -> memref<640xf32, #tpu.memory_space<hbm>>
    tpu.enqueue_dma source(%dma_start3A_89 : memref<640xf32, #tpu.memory_space<hbm>>) target(%dma_start3A_88 : memref<640xf32, #tpu.memory_space<vmem>>) target_semaphore(%arg32 : memref<!tpu.dma_semaphore, #tpu.memory_space<semaphore_mem>>)
    %add3A_90 = arith.constant 112640 : i32
    %add3A_91 = arith.addi %add3A_90, %mul3A_2 : i32
    %dma_start3A_92 = arith.constant 7040 : i32
    %dma_start3A_93 = tpu.memref_slice %arg26[%dma_start3A_92] : memref<10240xf32, #tpu.memory_space<vmem>> -> memref<640xf32, #tpu.memory_space<vmem>>
    %dma_start3A_94 = tpu.memref_slice %arg4[%add3A_91] : memref<163840xf32, #tpu.memory_space<hbm>> -> memref<640xf32, #tpu.memory_space<hbm>>
    %dma_start3A_95 = arith.constant 7040 : i32
    %dma_start3A_96 = tpu.memref_slice %arg26[%dma_start3A_95] : memref<10240xf32, #tpu.memory_space<vmem>> -> memref<640xf32, #tpu.memory_space<vmem>>
    %dma_start3A_97 = tpu.memref_slice %arg4[%add3A_91] : memref<163840xf32, #tpu.memory_space<hbm>> -> memref<640xf32, #tpu.memory_space<hbm>>
    tpu.enqueue_dma source(%dma_start3A_97 : memref<640xf32, #tpu.memory_space<hbm>>) target(%dma_start3A_96 : memref<640xf32, #tpu.memory_space<vmem>>) target_semaphore(%arg32 : memref<!tpu.dma_semaphore, #tpu.memory_space<semaphore_mem>>)
    %add3A_98 = arith.constant 122880 : i32
    %add3A_99 = arith.addi %add3A_98, %mul3A_2 : i32
    %dma_start3A_100 = arith.constant 7680 : i32
    %dma_start3A_101 = tpu.memref_slice %arg26[%dma_start3A_100] : memref<10240xf32, #tpu.memory_space<vmem>> -> memref<640xf32, #tpu.memory_space<vmem>>
    %dma_start3A_102 = tpu.memref_slice %arg4[%add3A_99] : memref<163840xf32, #tpu.memory_space<hbm>> -> memref<640xf32, #tpu.memory_space<hbm>>
    %dma_start3A_103 = arith.constant 7680 : i32
    %dma_start3A_104 = tpu.memref_slice %arg26[%dma_start3A_103] : memref<10240xf32, #tpu.memory_space<vmem>> -> memref<640xf32, #tpu.memory_space<vmem>>
    %dma_start3A_105 = tpu.memref_slice %arg4[%add3A_99] : memref<163840xf32, #tpu.memory_space<hbm>> -> memref<640xf32, #tpu.memory_space<hbm>>
    tpu.enqueue_dma source(%dma_start3A_105 : memref<640xf32, #tpu.memory_space<hbm>>) target(%dma_start3A_104 : memref<640xf32, #tpu.memory_space<vmem>>) target_semaphore(%arg32 : memref<!tpu.dma_semaphore, #tpu.memory_space<semaphore_mem>>)
    %add3A_106 = arith.constant 133120 : i32
    %add3A_107 = arith.addi %add3A_106, %mul3A_2 : i32
    %dma_start3A_108 = arith.constant 8320 : i32
    %dma_start3A_109 = tpu.memref_slice %arg26[%dma_start3A_108] : memref<10240xf32, #tpu.memory_space<vmem>> -> memref<640xf32, #tpu.memory_space<vmem>>
    %dma_start3A_110 = tpu.memref_slice %arg4[%add3A_107] : memref<163840xf32, #tpu.memory_space<hbm>> -> memref<640xf32, #tpu.memory_space<hbm>>
    %dma_start3A_111 = arith.constant 8320 : i32
    %dma_start3A_112 = tpu.memref_slice %arg26[%dma_start3A_111] : memref<10240xf32, #tpu.memory_space<vmem>> -> memref<640xf32, #tpu.memory_space<vmem>>
    %dma_start3A_113 = tpu.memref_slice %arg4[%add3A_107] : memref<163840xf32, #tpu.memory_space<hbm>> -> memref<640xf32, #tpu.memory_space<hbm>>
    tpu.enqueue_dma source(%dma_start3A_113 : memref<640xf32, #tpu.memory_space<hbm>>) target(%dma_start3A_112 : memref<640xf32, #tpu.memory_space<vmem>>) target_semaphore(%arg32 : memref<!tpu.dma_semaphore, #tpu.memory_space<semaphore_mem>>)
    %add3A_114 = arith.constant 143360 : i32
    %add3A_115 = arith.addi %add3A_114, %mul3A_2 : i32
    %dma_start3A_116 = arith.constant 8960 : i32
    %dma_start3A_117 = tpu.memref_slice %arg26[%dma_start3A_116] : memref<10240xf32, #tpu.memory_space<vmem>> -> memref<640xf32, #tpu.memory_space<vmem>>
    %dma_start3A_118 = tpu.memref_slice %arg4[%add3A_115] : memref<163840xf32, #tpu.memory_space<hbm>> -> memref<640xf32, #tpu.memory_space<hbm>>
    %dma_start3A_119 = arith.constant 8960 : i32
    %dma_start3A_120 = tpu.memref_slice %arg26[%dma_start3A_119] : memref<10240xf32, #tpu.memory_space<vmem>> -> memref<640xf32, #tpu.memory_space<vmem>>
    %dma_start3A_121 = tpu.memref_slice %arg4[%add3A_115] : memref<163840xf32, #tpu.memory_space<hbm>> -> memref<640xf32, #tpu.memory_space<hbm>>
    tpu.enqueue_dma source(%dma_start3A_121 : memref<640xf32, #tpu.memory_space<hbm>>) target(%dma_start3A_120 : memref<640xf32, #tpu.memory_space<vmem>>) target_semaphore(%arg32 : memref<!tpu.dma_semaphore, #tpu.memory_space<semaphore_mem>>)
    %add3A_122 = arith.constant 153600 : i32
    %add3A_123 = arith.addi %add3A_122, %mul3A_2 : i32
    %dma_start3A_124 = arith.constant 9600 : i32
    %dma_start3A_125 = tpu.memref_slice %arg26[%dma_start3A_124] : memref<10240xf32, #tpu.memory_space<vmem>> -> memref<640xf32, #tpu.memory_space<vmem>>
    %dma_start3A_126 = tpu.memref_slice %arg4[%add3A_123] : memref<163840xf32, #tpu.memory_space<hbm>> -> memref<640xf32, #tpu.memory_space<hbm>>
    %dma_start3A_127 = arith.constant 9600 : i32
    %dma_start3A_128 = tpu.memref_slice %arg26[%dma_start3A_127] : memref<10240xf32, #tpu.memory_space<vmem>> -> memref<640xf32, #tpu.memory_space<vmem>>
    %dma_start3A_129 = tpu.memref_slice %arg4[%add3A_123] : memref<163840xf32, #tpu.memory_space<hbm>> -> memref<640xf32, #tpu.memory_space<hbm>>
    tpu.enqueue_dma source(%dma_start3A_129 : memref<640xf32, #tpu.memory_space<hbm>>) target(%dma_start3A_128 : memref<640xf32, #tpu.memory_space<vmem>>) target_semaphore(%arg32 : memref<!tpu.dma_semaphore, #tpu.memory_space<semaphore_mem>>)
    %add3A_130 = arith.constant 0 : i32
    %add3A_131 = arith.addi %add3A_130, %mul3A_2 : i32
    %dma_wait3A = arith.constant 0 : i32
    %dma_wait3A_132 = tpu.memref_slice %arg26[%dma_wait3A] : memref<10240xf32, #tpu.memory_space<vmem>> -> memref<640xf32, #tpu.memory_space<vmem>>
    %dma_wait3A_133 = tpu.memref_slice %arg4[%add3A_131] : memref<163840xf32, #tpu.memory_space<hbm>> -> memref<640xf32, #tpu.memory_space<hbm>>
    %dma_wait3A_134 = arith.constant 0 : i32
    %dma_wait3A_135 = tpu.memref_slice %arg26[%dma_wait3A_134] : memref<10240xf32, #tpu.memory_space<vmem>> -> memref<640xf32, #tpu.memory_space<vmem>>
    %dma_wait3A_136 = tpu.memref_slice %arg4[%add3A_131] : memref<163840xf32, #tpu.memory_space<hbm>> -> memref<640xf32, #tpu.memory_space<hbm>>
    tpu.wait_dma2 semaphore(%arg32 : memref<!tpu.dma_semaphore, #tpu.memory_space<semaphore_mem>>) src(%dma_wait3A_136 : memref<640xf32, #tpu.memory_space<hbm>>) dst(%dma_wait3A_135 : memref<640xf32, #tpu.memory_space<vmem>>)
    %add3A_137 = arith.constant 10240 : i32
    %add3A_138 = arith.addi %add3A_137, %mul3A_2 : i32
    %dma_wait3A_139 = arith.constant 640 : i32
    %dma_wait3A_140 = tpu.memref_slice %arg26[%dma_wait3A_139] : memref<10240xf32, #tpu.memory_space<vmem>> -> memref<640xf32, #tpu.memory_space<vmem>>
    %dma_wait3A_141 = tpu.memref_slice %arg4[%add3A_138] : memref<163840xf32, #tpu.memory_space<hbm>> -> memref<640xf32, #tpu.memory_space<hbm>>
    %dma_wait3A_142 = arith.constant 640 : i32
    %dma_wait3A_143 = tpu.memref_slice %arg26[%dma_wait3A_142] : memref<10240xf32, #tpu.memory_space<vmem>> -> memref<640xf32, #tpu.memory_space<vmem>>
    %dma_wait3A_144 = tpu.memref_slice %arg4[%add3A_138] : memref<163840xf32, #tpu.memory_space<hbm>> -> memref<640xf32, #tpu.memory_space<hbm>>
    tpu.wait_dma2 semaphore(%arg32 : memref<!tpu.dma_semaphore, #tpu.memory_space<semaphore_mem>>) src(%dma_wait3A_144 : memref<640xf32, #tpu.memory_space<hbm>>) dst(%dma_wait3A_143 : memref<640xf32, #tpu.memory_space<vmem>>)
    %add3A_145 = arith.constant 20480 : i32
    %add3A_146 = arith.addi %add3A_145, %mul3A_2 : i32
    %dma_wait3A_147 = arith.constant 1280 : i32
    %dma_wait3A_148 = tpu.memref_slice %arg26[%dma_wait3A_147] : memref<10240xf32, #tpu.memory_space<vmem>> -> memref<640xf32, #tpu.memory_space<vmem>>
    %dma_wait3A_149 = tpu.memref_slice %arg4[%add3A_146] : memref<163840xf32, #tpu.memory_space<hbm>> -> memref<640xf32, #tpu.memory_space<hbm>>
    %dma_wait3A_150 = arith.constant 1280 : i32
    %dma_wait3A_151 = tpu.memref_slice %arg26[%dma_wait3A_150] : memref<10240xf32, #tpu.memory_space<vmem>> -> memref<640xf32, #tpu.memory_space<vmem>>
    %dma_wait3A_152 = tpu.memref_slice %arg4[%add3A_146] : memref<163840xf32, #tpu.memory_space<hbm>> -> memref<640xf32, #tpu.memory_space<hbm>>
    tpu.wait_dma2 semaphore(%arg32 : memref<!tpu.dma_semaphore, #tpu.memory_space<semaphore_mem>>) src(%dma_wait3A_152 : memref<640xf32, #tpu.memory_space<hbm>>) dst(%dma_wait3A_151 : memref<640xf32, #tpu.memory_space<vmem>>)
    %add3A_153 = arith.constant 30720 : i32
    %add3A_154 = arith.addi %add3A_153, %mul3A_2 : i32
    %dma_wait3A_155 = arith.constant 1920 : i32
    %dma_wait3A_156 = tpu.memref_slice %arg26[%dma_wait3A_155] : memref<10240xf32, #tpu.memory_space<vmem>> -> memref<640xf32, #tpu.memory_space<vmem>>
    %dma_wait3A_157 = tpu.memref_slice %arg4[%add3A_154] : memref<163840xf32, #tpu.memory_space<hbm>> -> memref<640xf32, #tpu.memory_space<hbm>>
    %dma_wait3A_158 = arith.constant 1920 : i32
    %dma_wait3A_159 = tpu.memref_slice %arg26[%dma_wait3A_158] : memref<10240xf32, #tpu.memory_space<vmem>> -> memref<640xf32, #tpu.memory_space<vmem>>
    %dma_wait3A_160 = tpu.memref_slice %arg4[%add3A_154] : memref<163840xf32, #tpu.memory_space<hbm>> -> memref<640xf32, #tpu.memory_space<hbm>>
    tpu.wait_dma2 semaphore(%arg32 : memref<!tpu.dma_semaphore, #tpu.memory_space<semaphore_mem>>) src(%dma_wait3A_160 : memref<640xf32, #tpu.memory_space<hbm>>) dst(%dma_wait3A_159 : memref<640xf32, #tpu.memory_space<vmem>>)
    %add3A_161 = arith.constant 40960 : i32
    %add3A_162 = arith.addi %add3A_161, %mul3A_2 : i32
    %dma_wait3A_163 = arith.constant 2560 : i32
    %dma_wait3A_164 = tpu.memref_slice %arg26[%dma_wait3A_163] : memref<10240xf32, #tpu.memory_space<vmem>> -> memref<640xf32, #tpu.memory_space<vmem>>
    %dma_wait3A_165 = tpu.memref_slice %arg4[%add3A_162] : memref<163840xf32, #tpu.memory_space<hbm>> -> memref<640xf32, #tpu.memory_space<hbm>>
    %dma_wait3A_166 = arith.constant 2560 : i32
    %dma_wait3A_167 = tpu.memref_slice %arg26[%dma_wait3A_166] : memref<10240xf32, #tpu.memory_space<vmem>> -> memref<640xf32, #tpu.memory_space<vmem>>
    %dma_wait3A_168 = tpu.memref_slice %arg4[%add3A_162] : memref<163840xf32, #tpu.memory_space<hbm>> -> memref<640xf32, #tpu.memory_space<hbm>>
    tpu.wait_dma2 semaphore(%arg32 : memref<!tpu.dma_semaphore, #tpu.memory_space<semaphore_mem>>) src(%dma_wait3A_168 : memref<640xf32, #tpu.memory_space<hbm>>) dst(%dma_wait3A_167 : memref<640xf32, #tpu.memory_space<vmem>>)
    %add3A_169 = arith.constant 51200 : i32
    %add3A_170 = arith.addi %add3A_169, %mul3A_2 : i32
    %dma_wait3A_171 = arith.constant 3200 : i32
    %dma_wait3A_172 = tpu.memref_slice %arg26[%dma_wait3A_171] : memref<10240xf32, #tpu.memory_space<vmem>> -> memref<640xf32, #tpu.memory_space<vmem>>
    %dma_wait3A_173 = tpu.memref_slice %arg4[%add3A_170] : memref<163840xf32, #tpu.memory_space<hbm>> -> memref<640xf32, #tpu.memory_space<hbm>>
    %dma_wait3A_174 = arith.constant 3200 : i32
    %dma_wait3A_175 = tpu.memref_slice %arg26[%dma_wait3A_174] : memref<10240xf32, #tpu.memory_space<vmem>> -> memref<640xf32, #tpu.memory_space<vmem>>
    %dma_wait3A_176 = tpu.memref_slice %arg4[%add3A_170] : memref<163840xf32, #tpu.memory_space<hbm>> -> memref<640xf32, #tpu.memory_space<hbm>>
    tpu.wait_dma2 semaphore(%arg32 : memref<!tpu.dma_semaphore, #tpu.memory_space<semaphore_mem>>) src(%dma_wait3A_176 : memref<640xf32, #tpu.memory_space<hbm>>) dst(%dma_wait3A_175 : memref<640xf32, #tpu.memory_space<vmem>>)
    %add3A_177 = arith.constant 61440 : i32
    %add3A_178 = arith.addi %add3A_177, %mul3A_2 : i32
    %dma_wait3A_179 = arith.constant 3840 : i32
    %dma_wait3A_180 = tpu.memref_slice %arg26[%dma_wait3A_179] : memref<10240xf32, #tpu.memory_space<vmem>> -> memref<640xf32, #tpu.memory_space<vmem>>
    %dma_wait3A_181 = tpu.memref_slice %arg4[%add3A_178] : memref<163840xf32, #tpu.memory_space<hbm>> -> memref<640xf32, #tpu.memory_space<hbm>>
    %dma_wait3A_182 = arith.constant 3840 : i32
    %dma_wait3A_183 = tpu.memref_slice %arg26[%dma_wait3A_182] : memref<10240xf32, #tpu.memory_space<vmem>> -> memref<640xf32, #tpu.memory_space<vmem>>
    %dma_wait3A_184 = tpu.memref_slice %arg4[%add3A_178] : memref<163840xf32, #tpu.memory_space<hbm>> -> memref<640xf32, #tpu.memory_space<hbm>>
    tpu.wait_dma2 semaphore(%arg32 : memref<!tpu.dma_semaphore, #tpu.memory_space<semaphore_mem>>) src(%dma_wait3A_184 : memref<640xf32, #tpu.memory_space<hbm>>) dst(%dma_wait3A_183 : memref<640xf32, #tpu.memory_space<vmem>>)
    %add3A_185 = arith.constant 71680 : i32
    %add3A_186 = arith.addi %add3A_185, %mul3A_2 : i32
    %dma_wait3A_187 = arith.constant 4480 : i32
    %dma_wait3A_188 = tpu.memref_slice %arg26[%dma_wait3A_187] : memref<10240xf32, #tpu.memory_space<vmem>> -> memref<640xf32, #tpu.memory_space<vmem>>
    %dma_wait3A_189 = tpu.memref_slice %arg4[%add3A_186] : memref<163840xf32, #tpu.memory_space<hbm>> -> memref<640xf32, #tpu.memory_space<hbm>>
    %dma_wait3A_190 = arith.constant 4480 : i32
    %dma_wait3A_191 = tpu.memref_slice %arg26[%dma_wait3A_190] : memref<10240xf32, #tpu.memory_space<vmem>> -> memref<640xf32, #tpu.memory_space<vmem>>
    %dma_wait3A_192 = tpu.memref_slice %arg4[%add3A_186] : memref<163840xf32, #tpu.memory_space<hbm>> -> memref<640xf32, #tpu.memory_space<hbm>>
    tpu.wait_dma2 semaphore(%arg32 : memref<!tpu.dma_semaphore, #tpu.memory_space<semaphore_mem>>) src(%dma_wait3A_192 : memref<640xf32, #tpu.memory_space<hbm>>) dst(%dma_wait3A_191 : memref<640xf32, #tpu.memory_space<vmem>>)
    %add3A_193 = arith.constant 81920 : i32
    %add3A_194 = arith.addi %add3A_193, %mul3A_2 : i32
    %dma_wait3A_195 = arith.constant 5120 : i32
    %dma_wait3A_196 = tpu.memref_slice %arg26[%dma_wait3A_195] : memref<10240xf32, #tpu.memory_space<vmem>> -> memref<640xf32, #tpu.memory_space<vmem>>
    %dma_wait3A_197 = tpu.memref_slice %arg4[%add3A_194] : memref<163840xf32, #tpu.memory_space<hbm>> -> memref<640xf32, #tpu.memory_space<hbm>>
    %dma_wait3A_198 = arith.constant 5120 : i32
    %dma_wait3A_199 = tpu.memref_slice %arg26[%dma_wait3A_198] : memref<10240xf32, #tpu.memory_space<vmem>> -> memref<640xf32, #tpu.memory_space<vmem>>
    %dma_wait3A_200 = tpu.memref_slice %arg4[%add3A_194] : memref<163840xf32, #tpu.memory_space<hbm>> -> memref<640xf32, #tpu.memory_space<hbm>>
    tpu.wait_dma2 semaphore(%arg32 : memref<!tpu.dma_semaphore, #tpu.memory_space<semaphore_mem>>) src(%dma_wait3A_200 : memref<640xf32, #tpu.memory_space<hbm>>) dst(%dma_wait3A_199 : memref<640xf32, #tpu.memory_space<vmem>>)
    %add3A_201 = arith.constant 92160 : i32
    %add3A_202 = arith.addi %add3A_201, %mul3A_2 : i32
    %dma_wait3A_203 = arith.constant 5760 : i32
    %dma_wait3A_204 = tpu.memref_slice %arg26[%dma_wait3A_203] : memref<10240xf32, #tpu.memory_space<vmem>> -> memref<640xf32, #tpu.memory_space<vmem>>
    %dma_wait3A_205 = tpu.memref_slice %arg4[%add3A_202] : memref<163840xf32, #tpu.memory_space<hbm>> -> memref<640xf32, #tpu.memory_space<hbm>>
    %dma_wait3A_206 = arith.constant 5760 : i32
    %dma_wait3A_207 = tpu.memref_slice %arg26[%dma_wait3A_206] : memref<10240xf32, #tpu.memory_space<vmem>> -> memref<640xf32, #tpu.memory_space<vmem>>
    %dma_wait3A_208 = tpu.memref_slice %arg4[%add3A_202] : memref<163840xf32, #tpu.memory_space<hbm>> -> memref<640xf32, #tpu.memory_space<hbm>>
    tpu.wait_dma2 semaphore(%arg32 : memref<!tpu.dma_semaphore, #tpu.memory_space<semaphore_mem>>) src(%dma_wait3A_208 : memref<640xf32, #tpu.memory_space<hbm>>) dst(%dma_wait3A_207 : memref<640xf32, #tpu.memory_space<vmem>>)
    %add3A_209 = arith.constant 102400 : i32
    %add3A_210 = arith.addi %add3A_209, %mul3A_2 : i32
    %dma_wait3A_211 = arith.constant 6400 : i32
    %dma_wait3A_212 = tpu.memref_slice %arg26[%dma_wait3A_211] : memref<10240xf32, #tpu.memory_space<vmem>> -> memref<640xf32, #tpu.memory_space<vmem>>
    %dma_wait3A_213 = tpu.memref_slice %arg4[%add3A_210] : memref<163840xf32, #tpu.memory_space<hbm>> -> memref<640xf32, #tpu.memory_space<hbm>>
    %dma_wait3A_214 = arith.constant 6400 : i32
    %dma_wait3A_215 = tpu.memref_slice %arg26[%dma_wait3A_214] : memref<10240xf32, #tpu.memory_space<vmem>> -> memref<640xf32, #tpu.memory_space<vmem>>
    %dma_wait3A_216 = tpu.memref_slice %arg4[%add3A_210] : memref<163840xf32, #tpu.memory_space<hbm>> -> memref<640xf32, #tpu.memory_space<hbm>>
    tpu.wait_dma2 semaphore(%arg32 : memref<!tpu.dma_semaphore, #tpu.memory_space<semaphore_mem>>) src(%dma_wait3A_216 : memref<640xf32, #tpu.memory_space<hbm>>) dst(%dma_wait3A_215 : memref<640xf32, #tpu.memory_space<vmem>>)
    %add3A_217 = arith.constant 112640 : i32
    %add3A_218 = arith.addi %add3A_217, %mul3A_2 : i32
    %dma_wait3A_219 = arith.constant 7040 : i32
    %dma_wait3A_220 = tpu.memref_slice %arg26[%dma_wait3A_219] : memref<10240xf32, #tpu.memory_space<vmem>> -> memref<640xf32, #tpu.memory_space<vmem>>
    %dma_wait3A_221 = tpu.memref_slice %arg4[%add3A_218] : memref<163840xf32, #tpu.memory_space<hbm>> -> memref<640xf32, #tpu.memory_space<hbm>>
    %dma_wait3A_222 = arith.constant 7040 : i32
    %dma_wait3A_223 = tpu.memref_slice %arg26[%dma_wait3A_222] : memref<10240xf32, #tpu.memory_space<vmem>> -> memref<640xf32, #tpu.memory_space<vmem>>
    %dma_wait3A_224 = tpu.memref_slice %arg4[%add3A_218] : memref<163840xf32, #tpu.memory_space<hbm>> -> memref<640xf32, #tpu.memory_space<hbm>>
    tpu.wait_dma2 semaphore(%arg32 : memref<!tpu.dma_semaphore, #tpu.memory_space<semaphore_mem>>) src(%dma_wait3A_224 : memref<640xf32, #tpu.memory_space<hbm>>) dst(%dma_wait3A_223 : memref<640xf32, #tpu.memory_space<vmem>>)
    %add3A_225 = arith.constant 122880 : i32
    %add3A_226 = arith.addi %add3A_225, %mul3A_2 : i32
    %dma_wait3A_227 = arith.constant 7680 : i32
    %dma_wait3A_228 = tpu.memref_slice %arg26[%dma_wait3A_227] : memref<10240xf32, #tpu.memory_space<vmem>> -> memref<640xf32, #tpu.memory_space<vmem>>
    %dma_wait3A_229 = tpu.memref_slice %arg4[%add3A_226] : memref<163840xf32, #tpu.memory_space<hbm>> -> memref<640xf32, #tpu.memory_space<hbm>>
    %dma_wait3A_230 = arith.constant 7680 : i32
    %dma_wait3A_231 = tpu.memref_slice %arg26[%dma_wait3A_230] : memref<10240xf32, #tpu.memory_space<vmem>> -> memref<640xf32, #tpu.memory_space<vmem>>
    %dma_wait3A_232 = tpu.memref_slice %arg4[%add3A_226] : memref<163840xf32, #tpu.memory_space<hbm>> -> memref<640xf32, #tpu.memory_space<hbm>>
    tpu.wait_dma2 semaphore(%arg32 : memref<!tpu.dma_semaphore, #tpu.memory_space<semaphore_mem>>) src(%dma_wait3A_232 : memref<640xf32, #tpu.memory_space<hbm>>) dst(%dma_wait3A_231 : memref<640xf32, #tpu.memory_space<vmem>>)
    %add3A_233 = arith.constant 133120 : i32
    %add3A_234 = arith.addi %add3A_233, %mul3A_2 : i32
    %dma_wait3A_235 = arith.constant 8320 : i32
    %dma_wait3A_236 = tpu.memref_slice %arg26[%dma_wait3A_235] : memref<10240xf32, #tpu.memory_space<vmem>> -> memref<640xf32, #tpu.memory_space<vmem>>
    %dma_wait3A_237 = tpu.memref_slice %arg4[%add3A_234] : memref<163840xf32, #tpu.memory_space<hbm>> -> memref<640xf32, #tpu.memory_space<hbm>>
    %dma_wait3A_238 = arith.constant 8320 : i32
    %dma_wait3A_239 = tpu.memref_slice %arg26[%dma_wait3A_238] : memref<10240xf32, #tpu.memory_space<vmem>> -> memref<640xf32, #tpu.memory_space<vmem>>
    %dma_wait3A_240 = tpu.memref_slice %arg4[%add3A_234] : memref<163840xf32, #tpu.memory_space<hbm>> -> memref<640xf32, #tpu.memory_space<hbm>>
    tpu.wait_dma2 semaphore(%arg32 : memref<!tpu.dma_semaphore, #tpu.memory_space<semaphore_mem>>) src(%dma_wait3A_240 : memref<640xf32, #tpu.memory_space<hbm>>) dst(%dma_wait3A_239 : memref<640xf32, #tpu.memory_space<vmem>>)
    %add3A_241 = arith.constant 143360 : i32
    %add3A_242 = arith.addi %add3A_241, %mul3A_2 : i32
    %dma_wait3A_243 = arith.constant 8960 : i32
    %dma_wait3A_244 = tpu.memref_slice %arg26[%dma_wait3A_243] : memref<10240xf32, #tpu.memory_space<vmem>> -> memref<640xf32, #tpu.memory_space<vmem>>
    %dma_wait3A_245 = tpu.memref_slice %arg4[%add3A_242] : memref<163840xf32, #tpu.memory_space<hbm>> -> memref<640xf32, #tpu.memory_space<hbm>>
    %dma_wait3A_246 = arith.constant 8960 : i32
    %dma_wait3A_247 = tpu.memref_slice %arg26[%dma_wait3A_246] : memref<10240xf32, #tpu.memory_space<vmem>> -> memref<640xf32, #tpu.memory_space<vmem>>
    %dma_wait3A_248 = tpu.memref_slice %arg4[%add3A_242] : memref<163840xf32, #tpu.memory_space<hbm>> -> memref<640xf32, #tpu.memory_space<hbm>>
    tpu.wait_dma2 semaphore(%arg32 : memref<!tpu.dma_semaphore, #tpu.memory_space<semaphore_mem>>) src(%dma_wait3A_248 : memref<640xf32, #tpu.memory_space<hbm>>) dst(%dma_wait3A_247 : memref<640xf32, #tpu.memory_space<vmem>>)
    %add3A_249 = arith.constant 153600 : i32
    %add3A_250 = arith.addi %add3A_249, %mul3A_2 : i32
    %dma_wait3A_251 = arith.constant 9600 : i32
    %dma_wait3A_252 = tpu.memref_slice %arg26[%dma_wait3A_251] : memref<10240xf32, #tpu.memory_space<vmem>> -> memref<640xf32, #tpu.memory_space<vmem>>
    %dma_wait3A_253 = tpu.memref_slice %arg4[%add3A_250] : memref<163840xf32, #tpu.memory_space<hbm>> -> memref<640xf32, #tpu.memory_space<hbm>>
    %dma_wait3A_254 = arith.constant 9600 : i32
    %dma_wait3A_255 = tpu.memref_slice %arg26[%dma_wait3A_254] : memref<10240xf32, #tpu.memory_space<vmem>> -> memref<640xf32, #tpu.memory_space<vmem>>
    %dma_wait3A_256 = tpu.memref_slice %arg4[%add3A_250] : memref<163840xf32, #tpu.memory_space<hbm>> -> memref<640xf32, #tpu.memory_space<hbm>>
    tpu.wait_dma2 semaphore(%arg32 : memref<!tpu.dma_semaphore, #tpu.memory_space<semaphore_mem>>) src(%dma_wait3A_256 : memref<640xf32, #tpu.memory_space<hbm>>) dst(%dma_wait3A_255 : memref<640xf32, #tpu.memory_space<vmem>>)
    %mul3A_257 = arith.constant 640 : i32
    %mul3A_258 = vector.broadcast %mul3A_257 : i32 to vector<16xi32>
    %mul3A_259 = arith.muli %iota3A, %mul3A_258 : vector<16xi32>
    %parallel_loop3A = arith.constant 0 : i32
    %parallel_loop3A_260 = arith.constant 640 : i32
    %parallel_loop3A_261 = arith.constant 1 : i32
    scf.for %parallel_loop3A_897 = %parallel_loop3A to %parallel_loop3A_260 step %parallel_loop3A_261  : i32 {
      %parallel_loop3A_898 = vector.broadcast %parallel_loop3A_897 : i32 to vector<16xi32>
      %parallel_loop3A_899 = arith.addi %mul3A_259, %parallel_loop3A_898 : vector<16xi32>
      %parallel_loop3A_900 = tpu.vector_load_idx %arg26[%parallel_loop3A_899] : memref<10240xf32, #tpu.memory_space<vmem>>[vector<16xi32>], vector<16xf32>,
      %parallel_loop3A_901 = arith.index_cast %parallel_loop3A_897 : i32 to index
      %parallel_loop3A_902 = arith.constant 0 : index
      %parallel_loop3A_903 = tpu.vector_load %arg27[%parallel_loop3A_901, %parallel_loop3A_902] {strides = array<i32>} : memref<640x16xf32, #tpu.memory_space<vmem>>, vector<16xf32>,
      tpu.vector_store %arg27[%parallel_loop3A_901, %parallel_loop3A_902], %parallel_loop3A_900 {strides = array<i32>} : memref<640x16xf32, #tpu.memory_space<vmem>>, vector<16xf32>,
    } {sc.loop_unroll_factor = 8 : i64, sc.parallel_access}
    "tpu.region"() ({
      %run_scoped3A = tpu.sem_alloc : memref<!tpu.dma_semaphore, #tpu.memory_space<semaphore_mem>>
      %dma_start3A_897 = arith.constant 0 : i32
      %dma_start3A_898 = tpu.memref_slice %arg28[%mul3A_2, %dma_start3A_897] : memref<10240x16xf32, #tpu.memory_space<vmem_shared>> -> memref<640x16xf32, #tpu.memory_space<vmem_shared>>
      %dma_start3A_899 = arith.constant 0 : i32
      %dma_start3A_900 = tpu.memref_slice %arg28[%mul3A_2, %dma_start3A_899] : memref<10240x16xf32, #tpu.memory_space<vmem_shared>> -> memref<640x16xf32, #tpu.memory_space<vmem_shared>>
      tpu.enqueue_dma source(%arg27 : memref<640x16xf32, #tpu.memory_space<vmem>>) target(%dma_start3A_900 : memref<640x16xf32, #tpu.memory_space<vmem_shared>>) target_semaphore(%run_scoped3A : memref<!tpu.dma_semaphore, #tpu.memory_space<semaphore_mem>>)
      %dma_wait3A_901 = arith.constant 0 : i32
      %dma_wait3A_902 = tpu.memref_slice %arg28[%mul3A_2, %dma_wait3A_901] : memref<10240x16xf32, #tpu.memory_space<vmem_shared>> -> memref<640x16xf32, #tpu.memory_space<vmem_shared>>
      %dma_wait3A_903 = arith.constant 0 : i32
      %dma_wait3A_904 = tpu.memref_slice %arg28[%mul3A_2, %dma_wait3A_903] : memref<10240x16xf32, #tpu.memory_space<vmem_shared>> -> memref<640x16xf32, #tpu.memory_space<vmem_shared>>
      tpu.wait_dma2 semaphore(%run_scoped3A : memref<!tpu.dma_semaphore, #tpu.memory_space<semaphore_mem>>) src(%arg27 : memref<640x16xf32, #tpu.memory_space<vmem>>) dst(%dma_wait3A_904 : memref<640x16xf32, #tpu.memory_space<vmem_shared>>)
      tpu.yield
    }) : () -> ()
    %scan3A = arith.constant 0 : i32
    %scan3A_262 = arith.constant 0 : i32
    %scan3A_263 = arith.constant 640 : i32
    %scan3A_264 = arith.addi %scan3A_262, %scan3A_263 : i32
    %scan3A_265 = arith.constant 1 : i32
    %scan3A_266 = scf.for %scan3A_897 = %scan3A_262 to %scan3A_264 step %scan3A_265 iter_args(%scan3A_898 = %scan3A) -> (i32)  : i32 {
      %broadcast_in_dim3A = arith.constant 0.000000e+00 : f32
      %broadcast_in_dim3A_899 = vector.broadcast %broadcast_in_dim3A : f32 to vector<16xf32>
      %swap3A = arith.index_cast %scan3A_897 : i32 to index
      %swap3A_900 = arith.constant 0 : index
      %swap3A_901 = tpu.vector_load %arg27[%swap3A, %swap3A_900] {strides = array<i32>} : memref<640x16xf32, #tpu.memory_space<vmem>>, vector<16xf32>,
      tpu.vector_store %arg27[%swap3A, %swap3A_900], %broadcast_in_dim3A_899 {strides = array<i32>} : memref<640x16xf32, #tpu.memory_space<vmem>>, vector<16xf32>,
      %scan3A_902 = arith.constant 0 : i32
      scf.yield %scan3A_902 : i32
    }
    %scan3A_267 = arith.constant 640 : i32
    "tpu.region"() ({
      %run_scoped3A = tpu.sem_alloc : memref<!tpu.dma_semaphore, #tpu.memory_space<semaphore_mem>>
      %dma_start3A_897 = arith.constant 0 : i32
      %dma_start3A_898 = tpu.memref_slice %arg29[%mul3A_2, %dma_start3A_897] : memref<10240x16xf32, #tpu.memory_space<vmem_shared>> -> memref<640x16xf32, #tpu.memory_space<vmem_shared>>
      %dma_start3A_899 = arith.constant 0 : i32
      %dma_start3A_900 = tpu.memref_slice %arg29[%mul3A_2, %dma_start3A_899] : memref<10240x16xf32, #tpu.memory_space<vmem_shared>> -> memref<640x16xf32, #tpu.memory_space<vmem_shared>>
      tpu.enqueue_dma source(%arg27 : memref<640x16xf32, #tpu.memory_space<vmem>>) target(%dma_start3A_900 : memref<640x16xf32, #tpu.memory_space<vmem_shared>>) target_semaphore(%run_scoped3A : memref<!tpu.dma_semaphore, #tpu.memory_space<semaphore_mem>>)
      %dma_wait3A_901 = arith.constant 0 : i32
      %dma_wait3A_902 = tpu.memref_slice %arg29[%mul3A_2, %dma_wait3A_901] : memref<10240x16xf32, #tpu.memory_space<vmem_shared>> -> memref<640x16xf32, #tpu.memory_space<vmem_shared>>
      %dma_wait3A_903 = arith.constant 0 : i32
      %dma_wait3A_904 = tpu.memref_slice %arg29[%mul3A_2, %dma_wait3A_903] : memref<10240x16xf32, #tpu.memory_space<vmem_shared>> -> memref<640x16xf32, #tpu.memory_space<vmem_shared>>
      tpu.wait_dma2 semaphore(%run_scoped3A : memref<!tpu.dma_semaphore, #tpu.memory_space<semaphore_mem>>) src(%arg27 : memref<640x16xf32, #tpu.memory_space<vmem>>) dst(%dma_wait3A_904 : memref<640x16xf32, #tpu.memory_space<vmem_shared>>)
      tpu.yield
    }) : () -> ()
    "tpu.region"() ({
      %run_scoped3A = tpu.sem_alloc : memref<!tpu.dma_semaphore, #tpu.memory_space<semaphore_mem>>
      %dma_start3A_897 = arith.constant 0 : i32
      %dma_start3A_898 = arith.constant 0 : i32
      %dma_start3A_899 = tpu.memref_slice %arg2[%add3A, %dma_start3A_897, %dma_start3A_898] : memref<32x125x80xi32, #tpu.memory_space<hbm>> -> memref<1x125x80xi32, #tpu.memory_space<hbm>>
      %dma_start3A_900 = tpu.memref_squeeze %dma_start3A_899 : memref<1x125x80xi32, #tpu.memory_space<hbm>> -> memref<125x80xi32, #tpu.memory_space<hbm>>
      %dma_start3A_901 = arith.constant 0 : i32
      %dma_start3A_902 = arith.constant 0 : i32
      %dma_start3A_903 = tpu.memref_slice %arg2[%add3A, %dma_start3A_901, %dma_start3A_902] : memref<32x125x80xi32, #tpu.memory_space<hbm>> -> memref<1x125x80xi32, #tpu.memory_space<hbm>>
      %dma_start3A_904 = tpu.memref_squeeze %dma_start3A_903 : memref<1x125x80xi32, #tpu.memory_space<hbm>> -> memref<125x80xi32, #tpu.memory_space<hbm>>
      tpu.enqueue_dma source(%dma_start3A_904 : memref<125x80xi32, #tpu.memory_space<hbm>>) target(%arg22 : memref<125x80xi32, #tpu.memory_space<vmem>>) target_semaphore(%run_scoped3A : memref<!tpu.dma_semaphore, #tpu.memory_space<semaphore_mem>>)
      %dma_wait3A_905 = arith.constant 0 : i32
      %dma_wait3A_906 = arith.constant 0 : i32
      %dma_wait3A_907 = tpu.memref_slice %arg2[%add3A, %dma_wait3A_905, %dma_wait3A_906] : memref<32x125x80xi32, #tpu.memory_space<hbm>> -> memref<1x125x80xi32, #tpu.memory_space<hbm>>
      %dma_wait3A_908 = tpu.memref_squeeze %dma_wait3A_907 : memref<1x125x80xi32, #tpu.memory_space<hbm>> -> memref<125x80xi32, #tpu.memory_space<hbm>>
      %dma_wait3A_909 = arith.constant 0 : i32
      %dma_wait3A_910 = arith.constant 0 : i32
      %dma_wait3A_911 = tpu.memref_slice %arg2[%add3A, %dma_wait3A_909, %dma_wait3A_910] : memref<32x125x80xi32, #tpu.memory_space<hbm>> -> memref<1x125x80xi32, #tpu.memory_space<hbm>>
      %dma_wait3A_912 = tpu.memref_squeeze %dma_wait3A_911 : memref<1x125x80xi32, #tpu.memory_space<hbm>> -> memref<125x80xi32, #tpu.memory_space<hbm>>
      tpu.wait_dma2 semaphore(%run_scoped3A : memref<!tpu.dma_semaphore, #tpu.memory_space<semaphore_mem>>) src(%dma_wait3A_912 : memref<125x80xi32, #tpu.memory_space<hbm>>) dst(%arg22 : memref<125x80xi32, #tpu.memory_space<vmem>>)
      tpu.yield
    }) : () -> ()
    "tpu.region"() ({
      %run_scoped3A = tpu.sem_alloc : memref<!tpu.dma_semaphore, #tpu.memory_space<semaphore_mem>>
      %dma_start3A_897 = arith.constant 0 : i32
      %dma_start3A_898 = arith.constant 0 : i32
      %dma_start3A_899 = tpu.memref_slice %arg3[%add3A, %dma_start3A_897, %dma_start3A_898] : memref<32x125x80xi32, #tpu.memory_space<hbm>> -> memref<1x125x80xi32, #tpu.memory_space<hbm>>
      %dma_start3A_900 = tpu.memref_squeeze %dma_start3A_899 : memref<1x125x80xi32, #tpu.memory_space<hbm>> -> memref<125x80xi32, #tpu.memory_space<hbm>>
      %dma_start3A_901 = arith.constant 0 : i32
      %dma_start3A_902 = arith.constant 0 : i32
      %dma_start3A_903 = tpu.memref_slice %arg3[%add3A, %dma_start3A_901, %dma_start3A_902] : memref<32x125x80xi32, #tpu.memory_space<hbm>> -> memref<1x125x80xi32, #tpu.memory_space<hbm>>
      %dma_start3A_904 = tpu.memref_squeeze %dma_start3A_903 : memref<1x125x80xi32, #tpu.memory_space<hbm>> -> memref<125x80xi32, #tpu.memory_space<hbm>>
      tpu.enqueue_dma source(%dma_start3A_904 : memref<125x80xi32, #tpu.memory_space<hbm>>) target(%arg23 : memref<125x80xi32, #tpu.memory_space<vmem>>) target_semaphore(%run_scoped3A : memref<!tpu.dma_semaphore, #tpu.memory_space<semaphore_mem>>)
      %dma_wait3A_905 = arith.constant 0 : i32
      %dma_wait3A_906 = arith.constant 0 : i32
      %dma_wait3A_907 = tpu.memref_slice %arg3[%add3A, %dma_wait3A_905, %dma_wait3A_906] : memref<32x125x80xi32, #tpu.memory_space<hbm>> -> memref<1x125x80xi32, #tpu.memory_space<hbm>>
      %dma_wait3A_908 = tpu.memref_squeeze %dma_wait3A_907 : memref<1x125x80xi32, #tpu.memory_space<hbm>> -> memref<125x80xi32, #tpu.memory_space<hbm>>
      %dma_wait3A_909 = arith.constant 0 : i32
      %dma_wait3A_910 = arith.constant 0 : i32
      %dma_wait3A_911 = tpu.memref_slice %arg3[%add3A, %dma_wait3A_909, %dma_wait3A_910] : memref<32x125x80xi32, #tpu.memory_space<hbm>> -> memref<1x125x80xi32, #tpu.memory_space<hbm>>
      %dma_wait3A_912 = tpu.memref_squeeze %dma_wait3A_911 : memref<1x125x80xi32, #tpu.memory_space<hbm>> -> memref<125x80xi32, #tpu.memory_space<hbm>>
      tpu.wait_dma2 semaphore(%run_scoped3A : memref<!tpu.dma_semaphore, #tpu.memory_space<semaphore_mem>>) src(%dma_wait3A_912 : memref<125x80xi32, #tpu.memory_space<hbm>>) dst(%arg23 : memref<125x80xi32, #tpu.memory_space<vmem>>)
      tpu.yield
    }) : () -> ()
    %barrier3A = arith.constant 0 : index
    tpu.barrier barrier_id(%barrier3A)
    %mul3A_268 = arith.constant 10000 : i32
    %mul3A_269 = arith.muli %add3A, %mul3A_268 : i32
    %add3A_270 = arith.constant 0 : i32
    %add3A_271 = arith.addi %mul3A_269, %add3A_270 : i32
    %dma_start3A_272 = arith.constant 0 : i32
    %dma_start3A_273 = tpu.memref_slice %arg25[%dma_start3A_272] : memref<64080xf32, #tpu.memory_space<vmem>> -> memref<2000xf32, #tpu.memory_space<vmem>>
    %dma_start3A_274 = tpu.memref_slice %arg5[%add3A_271] : memref<327680xf32, #tpu.memory_space<hbm>> -> memref<2000xf32, #tpu.memory_space<hbm>>
    %dma_start3A_275 = arith.constant 0 : i32
    %dma_start3A_276 = tpu.memref_slice %arg25[%dma_start3A_275] : memref<64080xf32, #tpu.memory_space<vmem>> -> memref<2000xf32, #tpu.memory_space<vmem>>
    %dma_start3A_277 = tpu.memref_slice %arg5[%add3A_271] : memref<327680xf32, #tpu.memory_space<hbm>> -> memref<2000xf32, #tpu.memory_space<hbm>>
    tpu.enqueue_dma source(%dma_start3A_277 : memref<2000xf32, #tpu.memory_space<hbm>>) target(%dma_start3A_276 : memref<2000xf32, #tpu.memory_space<vmem>>) target_semaphore(%arg32 : memref<!tpu.dma_semaphore, #tpu.memory_space<semaphore_mem>>)
    %add3A_278 = arith.constant 0 : i32
    %add3A_279 = arith.addi %mul3A_269, %add3A_278 : i32
    %dma_start3A_280 = arith.constant 2000 : i32
    %dma_start3A_281 = tpu.memref_slice %arg25[%dma_start3A_280] : memref<64080xf32, #tpu.memory_space<vmem>> -> memref<2000xf32, #tpu.memory_space<vmem>>
    %dma_start3A_282 = tpu.memref_slice %arg6[%add3A_279] : memref<327680xf32, #tpu.memory_space<hbm>> -> memref<2000xf32, #tpu.memory_space<hbm>>
    %dma_start3A_283 = arith.constant 2000 : i32
    %dma_start3A_284 = tpu.memref_slice %arg25[%dma_start3A_283] : memref<64080xf32, #tpu.memory_space<vmem>> -> memref<2000xf32, #tpu.memory_space<vmem>>
    %dma_start3A_285 = tpu.memref_slice %arg6[%add3A_279] : memref<327680xf32, #tpu.memory_space<hbm>> -> memref<2000xf32, #tpu.memory_space<hbm>>
    tpu.enqueue_dma source(%dma_start3A_285 : memref<2000xf32, #tpu.memory_space<hbm>>) target(%dma_start3A_284 : memref<2000xf32, #tpu.memory_space<vmem>>) target_semaphore(%arg32 : memref<!tpu.dma_semaphore, #tpu.memory_space<semaphore_mem>>)
    %add3A_286 = arith.constant 0 : i32
    %add3A_287 = arith.addi %mul3A_269, %add3A_286 : i32
    %dma_start3A_288 = arith.constant 4000 : i32
    %dma_start3A_289 = tpu.memref_slice %arg25[%dma_start3A_288] : memref<64080xf32, #tpu.memory_space<vmem>> -> memref<2000xf32, #tpu.memory_space<vmem>>
    %dma_start3A_290 = tpu.memref_slice %arg7[%add3A_287] : memref<327680xf32, #tpu.memory_space<hbm>> -> memref<2000xf32, #tpu.memory_space<hbm>>
    %dma_start3A_291 = arith.constant 4000 : i32
    %dma_start3A_292 = tpu.memref_slice %arg25[%dma_start3A_291] : memref<64080xf32, #tpu.memory_space<vmem>> -> memref<2000xf32, #tpu.memory_space<vmem>>
    %dma_start3A_293 = tpu.memref_slice %arg7[%add3A_287] : memref<327680xf32, #tpu.memory_space<hbm>> -> memref<2000xf32, #tpu.memory_space<hbm>>
    tpu.enqueue_dma source(%dma_start3A_293 : memref<2000xf32, #tpu.memory_space<hbm>>) target(%dma_start3A_292 : memref<2000xf32, #tpu.memory_space<vmem>>) target_semaphore(%arg32 : memref<!tpu.dma_semaphore, #tpu.memory_space<semaphore_mem>>)
    %add3A_294 = arith.constant 0 : i32
    %add3A_295 = arith.addi %mul3A_269, %add3A_294 : i32
    %dma_start3A_296 = arith.constant 6000 : i32
    %dma_start3A_297 = tpu.memref_slice %arg25[%dma_start3A_296] : memref<64080xf32, #tpu.memory_space<vmem>> -> memref<2000xf32, #tpu.memory_space<vmem>>
    %dma_start3A_298 = tpu.memref_slice %arg8[%add3A_295] : memref<327680xf32, #tpu.memory_space<hbm>> -> memref<2000xf32, #tpu.memory_space<hbm>>
    %dma_start3A_299 = arith.constant 6000 : i32
    %dma_start3A_300 = tpu.memref_slice %arg25[%dma_start3A_299] : memref<64080xf32, #tpu.memory_space<vmem>> -> memref<2000xf32, #tpu.memory_space<vmem>>
    %dma_start3A_301 = tpu.memref_slice %arg8[%add3A_295] : memref<327680xf32, #tpu.memory_space<hbm>> -> memref<2000xf32, #tpu.memory_space<hbm>>
    tpu.enqueue_dma source(%dma_start3A_301 : memref<2000xf32, #tpu.memory_space<hbm>>) target(%dma_start3A_300 : memref<2000xf32, #tpu.memory_space<vmem>>) target_semaphore(%arg32 : memref<!tpu.dma_semaphore, #tpu.memory_space<semaphore_mem>>)
    %add3A_302 = arith.constant 0 : i32
    %add3A_303 = arith.addi %mul3A_269, %add3A_302 : i32
    %dma_start3A_304 = arith.constant 8000 : i32
    %dma_start3A_305 = tpu.memref_slice %arg25[%dma_start3A_304] : memref<64080xf32, #tpu.memory_space<vmem>> -> memref<2000xf32, #tpu.memory_space<vmem>>
    %dma_start3A_306 = tpu.memref_slice %arg9[%add3A_303] : memref<327680xf32, #tpu.memory_space<hbm>> -> memref<2000xf32, #tpu.memory_space<hbm>>
    %dma_start3A_307 = arith.constant 8000 : i32
    %dma_start3A_308 = tpu.memref_slice %arg25[%dma_start3A_307] : memref<64080xf32, #tpu.memory_space<vmem>> -> memref<2000xf32, #tpu.memory_space<vmem>>
    %dma_start3A_309 = tpu.memref_slice %arg9[%add3A_303] : memref<327680xf32, #tpu.memory_space<hbm>> -> memref<2000xf32, #tpu.memory_space<hbm>>
    tpu.enqueue_dma source(%dma_start3A_309 : memref<2000xf32, #tpu.memory_space<hbm>>) target(%dma_start3A_308 : memref<2000xf32, #tpu.memory_space<vmem>>) target_semaphore(%arg32 : memref<!tpu.dma_semaphore, #tpu.memory_space<semaphore_mem>>)
    %add3A_310 = arith.constant 0 : i32
    %add3A_311 = arith.addi %mul3A_269, %add3A_310 : i32
    %dma_start3A_312 = arith.constant 10000 : i32
    %dma_start3A_313 = tpu.memref_slice %arg25[%dma_start3A_312] : memref<64080xf32, #tpu.memory_space<vmem>> -> memref<2000xf32, #tpu.memory_space<vmem>>
    %dma_start3A_314 = tpu.memref_slice %arg10[%add3A_311] : memref<327680xf32, #tpu.memory_space<hbm>> -> memref<2000xf32, #tpu.memory_space<hbm>>
    %dma_start3A_315 = arith.constant 10000 : i32
    %dma_start3A_316 = tpu.memref_slice %arg25[%dma_start3A_315] : memref<64080xf32, #tpu.memory_space<vmem>> -> memref<2000xf32, #tpu.memory_space<vmem>>
    %dma_start3A_317 = tpu.memref_slice %arg10[%add3A_311] : memref<327680xf32, #tpu.memory_space<hbm>> -> memref<2000xf32, #tpu.memory_space<hbm>>
    tpu.enqueue_dma source(%dma_start3A_317 : memref<2000xf32, #tpu.memory_space<hbm>>) target(%dma_start3A_316 : memref<2000xf32, #tpu.memory_space<vmem>>) target_semaphore(%arg32 : memref<!tpu.dma_semaphore, #tpu.memory_space<semaphore_mem>>)
    %add3A_318 = arith.constant 0 : i32
    %add3A_319 = arith.addi %mul3A_269, %add3A_318 : i32
    %dma_start3A_320 = arith.constant 12000 : i32
    %dma_start3A_321 = tpu.memref_slice %arg25[%dma_start3A_320] : memref<64080xf32, #tpu.memory_space<vmem>> -> memref<2000xf32, #tpu.memory_space<vmem>>
    %dma_start3A_322 = tpu.memref_slice %arg11[%add3A_319] : memref<327680xf32, #tpu.memory_space<hbm>> -> memref<2000xf32, #tpu.memory_space<hbm>>
    %dma_start3A_323 = arith.constant 12000 : i32
    %dma_start3A_324 = tpu.memref_slice %arg25[%dma_start3A_323] : memref<64080xf32, #tpu.memory_space<vmem>> -> memref<2000xf32, #tpu.memory_space<vmem>>
    %dma_start3A_325 = tpu.memref_slice %arg11[%add3A_319] : memref<327680xf32, #tpu.memory_space<hbm>> -> memref<2000xf32, #tpu.memory_space<hbm>>
    tpu.enqueue_dma source(%dma_start3A_325 : memref<2000xf32, #tpu.memory_space<hbm>>) target(%dma_start3A_324 : memref<2000xf32, #tpu.memory_space<vmem>>) target_semaphore(%arg32 : memref<!tpu.dma_semaphore, #tpu.memory_space<semaphore_mem>>)
    %add3A_326 = arith.constant 0 : i32
    %add3A_327 = arith.addi %mul3A_269, %add3A_326 : i32
    %dma_start3A_328 = arith.constant 14000 : i32
    %dma_start3A_329 = tpu.memref_slice %arg25[%dma_start3A_328] : memref<64080xf32, #tpu.memory_space<vmem>> -> memref<2000xf32, #tpu.memory_space<vmem>>
    %dma_start3A_330 = tpu.memref_slice %arg12[%add3A_327] : memref<327680xf32, #tpu.memory_space<hbm>> -> memref<2000xf32, #tpu.memory_space<hbm>>
    %dma_start3A_331 = arith.constant 14000 : i32
    %dma_start3A_332 = tpu.memref_slice %arg25[%dma_start3A_331] : memref<64080xf32, #tpu.memory_space<vmem>> -> memref<2000xf32, #tpu.memory_space<vmem>>
    %dma_start3A_333 = tpu.memref_slice %arg12[%add3A_327] : memref<327680xf32, #tpu.memory_space<hbm>> -> memref<2000xf32, #tpu.memory_space<hbm>>
    tpu.enqueue_dma source(%dma_start3A_333 : memref<2000xf32, #tpu.memory_space<hbm>>) target(%dma_start3A_332 : memref<2000xf32, #tpu.memory_space<vmem>>) target_semaphore(%arg32 : memref<!tpu.dma_semaphore, #tpu.memory_space<semaphore_mem>>)
    %add3A_334 = arith.constant 0 : i32
    %add3A_335 = arith.addi %mul3A_269, %add3A_334 : i32
    %dma_start3A_336 = arith.constant 16000 : i32
    %dma_start3A_337 = tpu.memref_slice %arg25[%dma_start3A_336] : memref<64080xf32, #tpu.memory_space<vmem>> -> memref<2000xf32, #tpu.memory_space<vmem>>
    %dma_start3A_338 = tpu.memref_slice %arg13[%add3A_335] : memref<327680xf32, #tpu.memory_space<hbm>> -> memref<2000xf32, #tpu.memory_space<hbm>>
    %dma_start3A_339 = arith.constant 16000 : i32
    %dma_start3A_340 = tpu.memref_slice %arg25[%dma_start3A_339] : memref<64080xf32, #tpu.memory_space<vmem>> -> memref<2000xf32, #tpu.memory_space<vmem>>
    %dma_start3A_341 = tpu.memref_slice %arg13[%add3A_335] : memref<327680xf32, #tpu.memory_space<hbm>> -> memref<2000xf32, #tpu.memory_space<hbm>>
    tpu.enqueue_dma source(%dma_start3A_341 : memref<2000xf32, #tpu.memory_space<hbm>>) target(%dma_start3A_340 : memref<2000xf32, #tpu.memory_space<vmem>>) target_semaphore(%arg32 : memref<!tpu.dma_semaphore, #tpu.memory_space<semaphore_mem>>)
    %add3A_342 = arith.constant 0 : i32
    %add3A_343 = arith.addi %mul3A_269, %add3A_342 : i32
    %dma_start3A_344 = arith.constant 18000 : i32
    %dma_start3A_345 = tpu.memref_slice %arg25[%dma_start3A_344] : memref<64080xf32, #tpu.memory_space<vmem>> -> memref<2000xf32, #tpu.memory_space<vmem>>
    %dma_start3A_346 = tpu.memref_slice %arg14[%add3A_343] : memref<327680xf32, #tpu.memory_space<hbm>> -> memref<2000xf32, #tpu.memory_space<hbm>>
    %dma_start3A_347 = arith.constant 18000 : i32
    %dma_start3A_348 = tpu.memref_slice %arg25[%dma_start3A_347] : memref<64080xf32, #tpu.memory_space<vmem>> -> memref<2000xf32, #tpu.memory_space<vmem>>
    %dma_start3A_349 = tpu.memref_slice %arg14[%add3A_343] : memref<327680xf32, #tpu.memory_space<hbm>> -> memref<2000xf32, #tpu.memory_space<hbm>>
    tpu.enqueue_dma source(%dma_start3A_349 : memref<2000xf32, #tpu.memory_space<hbm>>) target(%dma_start3A_348 : memref<2000xf32, #tpu.memory_space<vmem>>) target_semaphore(%arg32 : memref<!tpu.dma_semaphore, #tpu.memory_space<semaphore_mem>>)
    %add3A_350 = arith.constant 0 : i32
    %add3A_351 = arith.addi %mul3A_269, %add3A_350 : i32
    %dma_start3A_352 = arith.constant 20000 : i32
    %dma_start3A_353 = tpu.memref_slice %arg25[%dma_start3A_352] : memref<64080xf32, #tpu.memory_space<vmem>> -> memref<2000xf32, #tpu.memory_space<vmem>>
    %dma_start3A_354 = tpu.memref_slice %arg15[%add3A_351] : memref<327680xf32, #tpu.memory_space<hbm>> -> memref<2000xf32, #tpu.memory_space<hbm>>
    %dma_start3A_355 = arith.constant 20000 : i32
    %dma_start3A_356 = tpu.memref_slice %arg25[%dma_start3A_355] : memref<64080xf32, #tpu.memory_space<vmem>> -> memref<2000xf32, #tpu.memory_space<vmem>>
    %dma_start3A_357 = tpu.memref_slice %arg15[%add3A_351] : memref<327680xf32, #tpu.memory_space<hbm>> -> memref<2000xf32, #tpu.memory_space<hbm>>
    tpu.enqueue_dma source(%dma_start3A_357 : memref<2000xf32, #tpu.memory_space<hbm>>) target(%dma_start3A_356 : memref<2000xf32, #tpu.memory_space<vmem>>) target_semaphore(%arg32 : memref<!tpu.dma_semaphore, #tpu.memory_space<semaphore_mem>>)
    %add3A_358 = arith.constant 0 : i32
    %add3A_359 = arith.addi %mul3A_269, %add3A_358 : i32
    %dma_start3A_360 = arith.constant 22000 : i32
    %dma_start3A_361 = tpu.memref_slice %arg25[%dma_start3A_360] : memref<64080xf32, #tpu.memory_space<vmem>> -> memref<2000xf32, #tpu.memory_space<vmem>>
    %dma_start3A_362 = tpu.memref_slice %arg16[%add3A_359] : memref<327680xf32, #tpu.memory_space<hbm>> -> memref<2000xf32, #tpu.memory_space<hbm>>
    %dma_start3A_363 = arith.constant 22000 : i32
    %dma_start3A_364 = tpu.memref_slice %arg25[%dma_start3A_363] : memref<64080xf32, #tpu.memory_space<vmem>> -> memref<2000xf32, #tpu.memory_space<vmem>>
    %dma_start3A_365 = tpu.memref_slice %arg16[%add3A_359] : memref<327680xf32, #tpu.memory_space<hbm>> -> memref<2000xf32, #tpu.memory_space<hbm>>
    tpu.enqueue_dma source(%dma_start3A_365 : memref<2000xf32, #tpu.memory_space<hbm>>) target(%dma_start3A_364 : memref<2000xf32, #tpu.memory_space<vmem>>) target_semaphore(%arg32 : memref<!tpu.dma_semaphore, #tpu.memory_space<semaphore_mem>>)
    %add3A_366 = arith.constant 0 : i32
    %add3A_367 = arith.addi %mul3A_269, %add3A_366 : i32
    %dma_start3A_368 = arith.constant 24000 : i32
    %dma_start3A_369 = tpu.memref_slice %arg25[%dma_start3A_368] : memref<64080xf32, #tpu.memory_space<vmem>> -> memref<2000xf32, #tpu.memory_space<vmem>>
    %dma_start3A_370 = tpu.memref_slice %arg17[%add3A_367] : memref<327680xf32, #tpu.memory_space<hbm>> -> memref<2000xf32, #tpu.memory_space<hbm>>
    %dma_start3A_371 = arith.constant 24000 : i32
    %dma_start3A_372 = tpu.memref_slice %arg25[%dma_start3A_371] : memref<64080xf32, #tpu.memory_space<vmem>> -> memref<2000xf32, #tpu.memory_space<vmem>>
    %dma_start3A_373 = tpu.memref_slice %arg17[%add3A_367] : memref<327680xf32, #tpu.memory_space<hbm>> -> memref<2000xf32, #tpu.memory_space<hbm>>
    tpu.enqueue_dma source(%dma_start3A_373 : memref<2000xf32, #tpu.memory_space<hbm>>) target(%dma_start3A_372 : memref<2000xf32, #tpu.memory_space<vmem>>) target_semaphore(%arg32 : memref<!tpu.dma_semaphore, #tpu.memory_space<semaphore_mem>>)
    %add3A_374 = arith.constant 0 : i32
    %add3A_375 = arith.addi %mul3A_269, %add3A_374 : i32
    %dma_start3A_376 = arith.constant 26000 : i32
    %dma_start3A_377 = tpu.memref_slice %arg25[%dma_start3A_376] : memref<64080xf32, #tpu.memory_space<vmem>> -> memref<2000xf32, #tpu.memory_space<vmem>>
    %dma_start3A_378 = tpu.memref_slice %arg18[%add3A_375] : memref<327680xf32, #tpu.memory_space<hbm>> -> memref<2000xf32, #tpu.memory_space<hbm>>
    %dma_start3A_379 = arith.constant 26000 : i32
    %dma_start3A_380 = tpu.memref_slice %arg25[%dma_start3A_379] : memref<64080xf32, #tpu.memory_space<vmem>> -> memref<2000xf32, #tpu.memory_space<vmem>>
    %dma_start3A_381 = tpu.memref_slice %arg18[%add3A_375] : memref<327680xf32, #tpu.memory_space<hbm>> -> memref<2000xf32, #tpu.memory_space<hbm>>
    tpu.enqueue_dma source(%dma_start3A_381 : memref<2000xf32, #tpu.memory_space<hbm>>) target(%dma_start3A_380 : memref<2000xf32, #tpu.memory_space<vmem>>) target_semaphore(%arg32 : memref<!tpu.dma_semaphore, #tpu.memory_space<semaphore_mem>>)
    %add3A_382 = arith.constant 0 : i32
    %add3A_383 = arith.addi %mul3A_269, %add3A_382 : i32
    %dma_start3A_384 = arith.constant 28000 : i32
    %dma_start3A_385 = tpu.memref_slice %arg25[%dma_start3A_384] : memref<64080xf32, #tpu.memory_space<vmem>> -> memref<2000xf32, #tpu.memory_space<vmem>>
    %dma_start3A_386 = tpu.memref_slice %arg19[%add3A_383] : memref<327680xf32, #tpu.memory_space<hbm>> -> memref<2000xf32, #tpu.memory_space<hbm>>
    %dma_start3A_387 = arith.constant 28000 : i32
    %dma_start3A_388 = tpu.memref_slice %arg25[%dma_start3A_387] : memref<64080xf32, #tpu.memory_space<vmem>> -> memref<2000xf32, #tpu.memory_space<vmem>>
    %dma_start3A_389 = tpu.memref_slice %arg19[%add3A_383] : memref<327680xf32, #tpu.memory_space<hbm>> -> memref<2000xf32, #tpu.memory_space<hbm>>
    tpu.enqueue_dma source(%dma_start3A_389 : memref<2000xf32, #tpu.memory_space<hbm>>) target(%dma_start3A_388 : memref<2000xf32, #tpu.memory_space<vmem>>) target_semaphore(%arg32 : memref<!tpu.dma_semaphore, #tpu.memory_space<semaphore_mem>>)
    %add3A_390 = arith.constant 0 : i32
    %add3A_391 = arith.addi %mul3A_269, %add3A_390 : i32
    %dma_start3A_392 = arith.constant 30000 : i32
    %dma_start3A_393 = tpu.memref_slice %arg25[%dma_start3A_392] : memref<64080xf32, #tpu.memory_space<vmem>> -> memref<2000xf32, #tpu.memory_space<vmem>>
    %dma_start3A_394 = tpu.memref_slice %arg20[%add3A_391] : memref<327680xf32, #tpu.memory_space<hbm>> -> memref<2000xf32, #tpu.memory_space<hbm>>
    %dma_start3A_395 = arith.constant 30000 : i32
    %dma_start3A_396 = tpu.memref_slice %arg25[%dma_start3A_395] : memref<64080xf32, #tpu.memory_space<vmem>> -> memref<2000xf32, #tpu.memory_space<vmem>>
    %dma_start3A_397 = tpu.memref_slice %arg20[%add3A_391] : memref<327680xf32, #tpu.memory_space<hbm>> -> memref<2000xf32, #tpu.memory_space<hbm>>
    tpu.enqueue_dma source(%dma_start3A_397 : memref<2000xf32, #tpu.memory_space<hbm>>) target(%dma_start3A_396 : memref<2000xf32, #tpu.memory_space<vmem>>) target_semaphore(%arg32 : memref<!tpu.dma_semaphore, #tpu.memory_space<semaphore_mem>>)
    %dma_start3A_398 = arith.constant 0 : i32
    %dma_start3A_399 = arith.constant 0 : i32
    %dma_start3A_400 = arith.constant 0 : i32
    %dma_start3A_401 = arith.constant 0 : i32
    %dma_start3A_402 = tpu.memref_slice %arg24[%dma_start3A_399, %dma_start3A_400, %dma_start3A_401] : memref<4x80x16xf32, #tpu.memory_space<vmem>> -> memref<1x80x16xf32, #tpu.memory_space<vmem>>
    %dma_start3A_403 = tpu.memref_squeeze %dma_start3A_402 : memref<1x80x16xf32, #tpu.memory_space<vmem>> -> memref<80x16xf32, #tpu.memory_space<vmem>>
    %dma_start3A_404 = arith.constant 0 : i32
    %dma_start3A_405 = tpu.memref_slice %arg22[%dma_start3A_398, %dma_start3A_404] : memref<125x80xi32, #tpu.memory_space<vmem>> -> memref<1x80xi32, #tpu.memory_space<vmem>>
    %dma_start3A_406 = tpu.memref_squeeze %dma_start3A_405 : memref<1x80xi32, #tpu.memory_space<vmem>> -> memref<80xi32, #tpu.memory_space<vmem>>
    %dma_start3A_407 = arith.constant 0 : i32
    %dma_start3A_408 = arith.constant 0 : i32
    %dma_start3A_409 = tpu.memref_slice %arg28[%dma_start3A_407, %dma_start3A_408] : memref<10240x16xf32, #tpu.memory_space<vmem_shared>> -> memref<10240x16xf32, #tpu.memory_space<vmem_shared>>
    tpu.enqueue_indirect_dma source(%dma_start3A_409 : memref<10240x16xf32, #tpu.memory_space<vmem_shared>>) target(%dma_start3A_403 : memref<80x16xf32, #tpu.memory_space<vmem>>) offsets(%dma_start3A_406 : memref<80xi32, #tpu.memory_space<vmem>>) semaphore(%arg30 : memref<!tpu.dma_semaphore, #tpu.memory_space<semaphore_mem>>)
    %dma_start3A_410 = arith.constant 1 : i32
    %dma_start3A_411 = arith.constant 1 : i32
    %dma_start3A_412 = arith.constant 0 : i32
    %dma_start3A_413 = arith.constant 0 : i32
    %dma_start3A_414 = tpu.memref_slice %arg24[%dma_start3A_411, %dma_start3A_412, %dma_start3A_413] : memref<4x80x16xf32, #tpu.memory_space<vmem>> -> memref<1x80x16xf32, #tpu.memory_space<vmem>>
    %dma_start3A_415 = tpu.memref_squeeze %dma_start3A_414 : memref<1x80x16xf32, #tpu.memory_space<vmem>> -> memref<80x16xf32, #tpu.memory_space<vmem>>
    %dma_start3A_416 = arith.constant 0 : i32
    %dma_start3A_417 = tpu.memref_slice %arg22[%dma_start3A_410, %dma_start3A_416] : memref<125x80xi32, #tpu.memory_space<vmem>> -> memref<1x80xi32, #tpu.memory_space<vmem>>
    %dma_start3A_418 = tpu.memref_squeeze %dma_start3A_417 : memref<1x80xi32, #tpu.memory_space<vmem>> -> memref<80xi32, #tpu.memory_space<vmem>>
    %dma_start3A_419 = arith.constant 0 : i32
    %dma_start3A_420 = arith.constant 0 : i32
    %dma_start3A_421 = tpu.memref_slice %arg28[%dma_start3A_419, %dma_start3A_420] : memref<10240x16xf32, #tpu.memory_space<vmem_shared>> -> memref<10240x16xf32, #tpu.memory_space<vmem_shared>>
    tpu.enqueue_indirect_dma source(%dma_start3A_421 : memref<10240x16xf32, #tpu.memory_space<vmem_shared>>) target(%dma_start3A_415 : memref<80x16xf32, #tpu.memory_space<vmem>>) offsets(%dma_start3A_418 : memref<80xi32, #tpu.memory_space<vmem>>) semaphore(%arg30 : memref<!tpu.dma_semaphore, #tpu.memory_space<semaphore_mem>>)
    %dma_start3A_422 = arith.constant 2 : i32
    %dma_start3A_423 = arith.constant 2 : i32
    %dma_start3A_424 = arith.constant 0 : i32
    %dma_start3A_425 = arith.constant 0 : i32
    %dma_start3A_426 = tpu.memref_slice %arg24[%dma_start3A_423, %dma_start3A_424, %dma_start3A_425] : memref<4x80x16xf32, #tpu.memory_space<vmem>> -> memref<1x80x16xf32, #tpu.memory_space<vmem>>
    %dma_start3A_427 = tpu.memref_squeeze %dma_start3A_426 : memref<1x80x16xf32, #tpu.memory_space<vmem>> -> memref<80x16xf32, #tpu.memory_space<vmem>>
    %dma_start3A_428 = arith.constant 0 : i32
    %dma_start3A_429 = tpu.memref_slice %arg22[%dma_start3A_422, %dma_start3A_428] : memref<125x80xi32, #tpu.memory_space<vmem>> -> memref<1x80xi32, #tpu.memory_space<vmem>>
    %dma_start3A_430 = tpu.memref_squeeze %dma_start3A_429 : memref<1x80xi32, #tpu.memory_space<vmem>> -> memref<80xi32, #tpu.memory_space<vmem>>
    %dma_start3A_431 = arith.constant 0 : i32
    %dma_start3A_432 = arith.constant 0 : i32
    %dma_start3A_433 = tpu.memref_slice %arg28[%dma_start3A_431, %dma_start3A_432] : memref<10240x16xf32, #tpu.memory_space<vmem_shared>> -> memref<10240x16xf32, #tpu.memory_space<vmem_shared>>
    tpu.enqueue_indirect_dma source(%dma_start3A_433 : memref<10240x16xf32, #tpu.memory_space<vmem_shared>>) target(%dma_start3A_427 : memref<80x16xf32, #tpu.memory_space<vmem>>) offsets(%dma_start3A_430 : memref<80xi32, #tpu.memory_space<vmem>>) semaphore(%arg30 : memref<!tpu.dma_semaphore, #tpu.memory_space<semaphore_mem>>)
    %scan3A_434 = arith.constant 0 : i32
    %scan3A_435 = arith.constant 0 : i32
    %scan3A_436 = arith.constant 5 : i32
    %scan3A_437 = arith.addi %scan3A_435, %scan3A_436 : i32
    %scan3A_438 = arith.constant 1 : i32
    %scan3A_439 = scf.for %scan3A_897 = %scan3A_435 to %scan3A_437 step %scan3A_438 iter_args(%scan3A_898 = %scan3A_434) -> (i32)  : i32 {
      %rem3A = arith.constant 2 : i32
      %rem3A_899 = arith.remsi %scan3A_897, %rem3A : i32
      %add3A_900 = arith.constant 1 : i32
      %add3A_901 = arith.addi %scan3A_897, %add3A_900 : i32
      %lt3A = arith.constant 5 : i32
      %lt3A_902 = arith.cmpi slt, %add3A_901, %lt3A : i32
      %convert_element_type3A = arith.extui %lt3A_902 : i1 to i32
      %cond3A = arith.constant 0 : i32
      %cond3A_903 = arith.cmpi ne, %convert_element_type3A, %cond3A : i32
      scf.if %cond3A_903 {
        %add3A_1127 = arith.constant 1 : i32
        %add3A_1128 = arith.addi %scan3A_897, %add3A_1127 : i32
        %sub3A = arith.constant 1 : i32
        %sub3A_1129 = arith.subi %sub3A, %rem3A_899 : i32
        %mul3A_1130 = arith.constant 2000 : i32
        %mul3A_1131 = arith.muli %add3A_1128, %mul3A_1130 : i32
        %add3A_1132 = arith.addi %mul3A_269, %mul3A_1131 : i32
        %mul3A_1133 = arith.constant 16 : i32
        %mul3A_1134 = arith.muli %sub3A_1129, %mul3A_1133 : i32
        %add3A_1135 = arith.constant 0 : i32
        %add3A_1136 = arith.addi %mul3A_1134, %add3A_1135 : i32
        %mul3A_1137 = arith.constant 2000 : i32
        %mul3A_1138 = arith.muli %add3A_1136, %mul3A_1137 : i32
        %dma_start3A_1139 = tpu.memref_slice %arg25[%mul3A_1138] : memref<64080xf32, #tpu.memory_space<vmem>> -> memref<2000xf32, #tpu.memory_space<vmem>>
        %dma_start3A_1140 = tpu.memref_slice %arg5[%add3A_1132] : memref<327680xf32, #tpu.memory_space<hbm>> -> memref<2000xf32, #tpu.memory_space<hbm>>
        %dma_start3A_1141 = tpu.memref_slice %arg25[%mul3A_1138] : memref<64080xf32, #tpu.memory_space<vmem>> -> memref<2000xf32, #tpu.memory_space<vmem>>
        %dma_start3A_1142 = tpu.memref_slice %arg5[%add3A_1132] : memref<327680xf32, #tpu.memory_space<hbm>> -> memref<2000xf32, #tpu.memory_space<hbm>>
        tpu.enqueue_dma source(%dma_start3A_1142 : memref<2000xf32, #tpu.memory_space<hbm>>) target(%dma_start3A_1141 : memref<2000xf32, #tpu.memory_space<vmem>>) target_semaphore(%arg32 : memref<!tpu.dma_semaphore, #tpu.memory_space<semaphore_mem>>)
        %mul3A_1143 = arith.constant 2000 : i32
        %mul3A_1144 = arith.muli %add3A_1128, %mul3A_1143 : i32
        %add3A_1145 = arith.addi %mul3A_269, %mul3A_1144 : i32
        %mul3A_1146 = arith.constant 16 : i32
        %mul3A_1147 = arith.muli %sub3A_1129, %mul3A_1146 : i32
        %add3A_1148 = arith.constant 1 : i32
        %add3A_1149 = arith.addi %mul3A_1147, %add3A_1148 : i32
        %mul3A_1150 = arith.constant 2000 : i32
        %mul3A_1151 = arith.muli %add3A_1149, %mul3A_1150 : i32
        %dma_start3A_1152 = tpu.memref_slice %arg25[%mul3A_1151] : memref<64080xf32, #tpu.memory_space<vmem>> -> memref<2000xf32, #tpu.memory_space<vmem>>
        %dma_start3A_1153 = tpu.memref_slice %arg6[%add3A_1145] : memref<327680xf32, #tpu.memory_space<hbm>> -> memref<2000xf32, #tpu.memory_space<hbm>>
        %dma_start3A_1154 = tpu.memref_slice %arg25[%mul3A_1151] : memref<64080xf32, #tpu.memory_space<vmem>> -> memref<2000xf32, #tpu.memory_space<vmem>>
        %dma_start3A_1155 = tpu.memref_slice %arg6[%add3A_1145] : memref<327680xf32, #tpu.memory_space<hbm>> -> memref<2000xf32, #tpu.memory_space<hbm>>
        tpu.enqueue_dma source(%dma_start3A_1155 : memref<2000xf32, #tpu.memory_space<hbm>>) target(%dma_start3A_1154 : memref<2000xf32, #tpu.memory_space<vmem>>) target_semaphore(%arg32 : memref<!tpu.dma_semaphore, #tpu.memory_space<semaphore_mem>>)
        %mul3A_1156 = arith.constant 2000 : i32
        %mul3A_1157 = arith.muli %add3A_1128, %mul3A_1156 : i32
        %add3A_1158 = arith.addi %mul3A_269, %mul3A_1157 : i32
        %mul3A_1159 = arith.constant 16 : i32
        %mul3A_1160 = arith.muli %sub3A_1129, %mul3A_1159 : i32
        %add3A_1161 = arith.constant 2 : i32
        %add3A_1162 = arith.addi %mul3A_1160, %add3A_1161 : i32
        %mul3A_1163 = arith.constant 2000 : i32
        %mul3A_1164 = arith.muli %add3A_1162, %mul3A_1163 : i32
        %dma_start3A_1165 = tpu.memref_slice %arg25[%mul3A_1164] : memref<64080xf32, #tpu.memory_space<vmem>> -> memref<2000xf32, #tpu.memory_space<vmem>>
        %dma_start3A_1166 = tpu.memref_slice %arg7[%add3A_1158] : memref<327680xf32, #tpu.memory_space<hbm>> -> memref<2000xf32, #tpu.memory_space<hbm>>
        %dma_start3A_1167 = tpu.memref_slice %arg25[%mul3A_1164] : memref<64080xf32, #tpu.memory_space<vmem>> -> memref<2000xf32, #tpu.memory_space<vmem>>
        %dma_start3A_1168 = tpu.memref_slice %arg7[%add3A_1158] : memref<327680xf32, #tpu.memory_space<hbm>> -> memref<2000xf32, #tpu.memory_space<hbm>>
        tpu.enqueue_dma source(%dma_start3A_1168 : memref<2000xf32, #tpu.memory_space<hbm>>) target(%dma_start3A_1167 : memref<2000xf32, #tpu.memory_space<vmem>>) target_semaphore(%arg32 : memref<!tpu.dma_semaphore, #tpu.memory_space<semaphore_mem>>)
        %mul3A_1169 = arith.constant 2000 : i32
        %mul3A_1170 = arith.muli %add3A_1128, %mul3A_1169 : i32
        %add3A_1171 = arith.addi %mul3A_269, %mul3A_1170 : i32
        %mul3A_1172 = arith.constant 16 : i32
        %mul3A_1173 = arith.muli %sub3A_1129, %mul3A_1172 : i32
        %add3A_1174 = arith.constant 3 : i32
        %add3A_1175 = arith.addi %mul3A_1173, %add3A_1174 : i32
        %mul3A_1176 = arith.constant 2000 : i32
        %mul3A_1177 = arith.muli %add3A_1175, %mul3A_1176 : i32
        %dma_start3A_1178 = tpu.memref_slice %arg25[%mul3A_1177] : memref<64080xf32, #tpu.memory_space<vmem>> -> memref<2000xf32, #tpu.memory_space<vmem>>
        %dma_start3A_1179 = tpu.memref_slice %arg8[%add3A_1171] : memref<327680xf32, #tpu.memory_space<hbm>> -> memref<2000xf32, #tpu.memory_space<hbm>>
        %dma_start3A_1180 = tpu.memref_slice %arg25[%mul3A_1177] : memref<64080xf32, #tpu.memory_space<vmem>> -> memref<2000xf32, #tpu.memory_space<vmem>>
        %dma_start3A_1181 = tpu.memref_slice %arg8[%add3A_1171] : memref<327680xf32, #tpu.memory_space<hbm>> -> memref<2000xf32, #tpu.memory_space<hbm>>
        tpu.enqueue_dma source(%dma_start3A_1181 : memref<2000xf32, #tpu.memory_space<hbm>>) target(%dma_start3A_1180 : memref<2000xf32, #tpu.memory_space<vmem>>) target_semaphore(%arg32 : memref<!tpu.dma_semaphore, #tpu.memory_space<semaphore_mem>>)
        %mul3A_1182 = arith.constant 2000 : i32
        %mul3A_1183 = arith.muli %add3A_1128, %mul3A_1182 : i32
        %add3A_1184 = arith.addi %mul3A_269, %mul3A_1183 : i32
        %mul3A_1185 = arith.constant 16 : i32
        %mul3A_1186 = arith.muli %sub3A_1129, %mul3A_1185 : i32
        %add3A_1187 = arith.constant 4 : i32
        %add3A_1188 = arith.addi %mul3A_1186, %add3A_1187 : i32
        %mul3A_1189 = arith.constant 2000 : i32
        %mul3A_1190 = arith.muli %add3A_1188, %mul3A_1189 : i32
        %dma_start3A_1191 = tpu.memref_slice %arg25[%mul3A_1190] : memref<64080xf32, #tpu.memory_space<vmem>> -> memref<2000xf32, #tpu.memory_space<vmem>>
        %dma_start3A_1192 = tpu.memref_slice %arg9[%add3A_1184] : memref<327680xf32, #tpu.memory_space<hbm>> -> memref<2000xf32, #tpu.memory_space<hbm>>
        %dma_start3A_1193 = tpu.memref_slice %arg25[%mul3A_1190] : memref<64080xf32, #tpu.memory_space<vmem>> -> memref<2000xf32, #tpu.memory_space<vmem>>
        %dma_start3A_1194 = tpu.memref_slice %arg9[%add3A_1184] : memref<327680xf32, #tpu.memory_space<hbm>> -> memref<2000xf32, #tpu.memory_space<hbm>>
        tpu.enqueue_dma source(%dma_start3A_1194 : memref<2000xf32, #tpu.memory_space<hbm>>) target(%dma_start3A_1193 : memref<2000xf32, #tpu.memory_space<vmem>>) target_semaphore(%arg32 : memref<!tpu.dma_semaphore, #tpu.memory_space<semaphore_mem>>)
        %mul3A_1195 = arith.constant 2000 : i32
        %mul3A_1196 = arith.muli %add3A_1128, %mul3A_1195 : i32
        %add3A_1197 = arith.addi %mul3A_269, %mul3A_1196 : i32
        %mul3A_1198 = arith.constant 16 : i32
        %mul3A_1199 = arith.muli %sub3A_1129, %mul3A_1198 : i32
        %add3A_1200 = arith.constant 5 : i32
        %add3A_1201 = arith.addi %mul3A_1199, %add3A_1200 : i32
        %mul3A_1202 = arith.constant 2000 : i32
        %mul3A_1203 = arith.muli %add3A_1201, %mul3A_1202 : i32
        %dma_start3A_1204 = tpu.memref_slice %arg25[%mul3A_1203] : memref<64080xf32, #tpu.memory_space<vmem>> -> memref<2000xf32, #tpu.memory_space<vmem>>
        %dma_start3A_1205 = tpu.memref_slice %arg10[%add3A_1197] : memref<327680xf32, #tpu.memory_space<hbm>> -> memref<2000xf32, #tpu.memory_space<hbm>>
        %dma_start3A_1206 = tpu.memref_slice %arg25[%mul3A_1203] : memref<64080xf32, #tpu.memory_space<vmem>> -> memref<2000xf32, #tpu.memory_space<vmem>>
        %dma_start3A_1207 = tpu.memref_slice %arg10[%add3A_1197] : memref<327680xf32, #tpu.memory_space<hbm>> -> memref<2000xf32, #tpu.memory_space<hbm>>
        tpu.enqueue_dma source(%dma_start3A_1207 : memref<2000xf32, #tpu.memory_space<hbm>>) target(%dma_start3A_1206 : memref<2000xf32, #tpu.memory_space<vmem>>) target_semaphore(%arg32 : memref<!tpu.dma_semaphore, #tpu.memory_space<semaphore_mem>>)
        %mul3A_1208 = arith.constant 2000 : i32
        %mul3A_1209 = arith.muli %add3A_1128, %mul3A_1208 : i32
        %add3A_1210 = arith.addi %mul3A_269, %mul3A_1209 : i32
        %mul3A_1211 = arith.constant 16 : i32
        %mul3A_1212 = arith.muli %sub3A_1129, %mul3A_1211 : i32
        %add3A_1213 = arith.constant 6 : i32
        %add3A_1214 = arith.addi %mul3A_1212, %add3A_1213 : i32
        %mul3A_1215 = arith.constant 2000 : i32
        %mul3A_1216 = arith.muli %add3A_1214, %mul3A_1215 : i32
        %dma_start3A_1217 = tpu.memref_slice %arg25[%mul3A_1216] : memref<64080xf32, #tpu.memory_space<vmem>> -> memref<2000xf32, #tpu.memory_space<vmem>>
        %dma_start3A_1218 = tpu.memref_slice %arg11[%add3A_1210] : memref<327680xf32, #tpu.memory_space<hbm>> -> memref<2000xf32, #tpu.memory_space<hbm>>
        %dma_start3A_1219 = tpu.memref_slice %arg25[%mul3A_1216] : memref<64080xf32, #tpu.memory_space<vmem>> -> memref<2000xf32, #tpu.memory_space<vmem>>
        %dma_start3A_1220 = tpu.memref_slice %arg11[%add3A_1210] : memref<327680xf32, #tpu.memory_space<hbm>> -> memref<2000xf32, #tpu.memory_space<hbm>>
        tpu.enqueue_dma source(%dma_start3A_1220 : memref<2000xf32, #tpu.memory_space<hbm>>) target(%dma_start3A_1219 : memref<2000xf32, #tpu.memory_space<vmem>>) target_semaphore(%arg32 : memref<!tpu.dma_semaphore, #tpu.memory_space<semaphore_mem>>)
        %mul3A_1221 = arith.constant 2000 : i32
        %mul3A_1222 = arith.muli %add3A_1128, %mul3A_1221 : i32
        %add3A_1223 = arith.addi %mul3A_269, %mul3A_1222 : i32
        %mul3A_1224 = arith.constant 16 : i32
        %mul3A_1225 = arith.muli %sub3A_1129, %mul3A_1224 : i32
        %add3A_1226 = arith.constant 7 : i32
        %add3A_1227 = arith.addi %mul3A_1225, %add3A_1226 : i32
        %mul3A_1228 = arith.constant 2000 : i32
        %mul3A_1229 = arith.muli %add3A_1227, %mul3A_1228 : i32
        %dma_start3A_1230 = tpu.memref_slice %arg25[%mul3A_1229] : memref<64080xf32, #tpu.memory_space<vmem>> -> memref<2000xf32, #tpu.memory_space<vmem>>
        %dma_start3A_1231 = tpu.memref_slice %arg12[%add3A_1223] : memref<327680xf32, #tpu.memory_space<hbm>> -> memref<2000xf32, #tpu.memory_space<hbm>>
        %dma_start3A_1232 = tpu.memref_slice %arg25[%mul3A_1229] : memref<64080xf32, #tpu.memory_space<vmem>> -> memref<2000xf32, #tpu.memory_space<vmem>>
        %dma_start3A_1233 = tpu.memref_slice %arg12[%add3A_1223] : memref<327680xf32, #tpu.memory_space<hbm>> -> memref<2000xf32, #tpu.memory_space<hbm>>
        tpu.enqueue_dma source(%dma_start3A_1233 : memref<2000xf32, #tpu.memory_space<hbm>>) target(%dma_start3A_1232 : memref<2000xf32, #tpu.memory_space<vmem>>) target_semaphore(%arg32 : memref<!tpu.dma_semaphore, #tpu.memory_space<semaphore_mem>>)
        %mul3A_1234 = arith.constant 2000 : i32
        %mul3A_1235 = arith.muli %add3A_1128, %mul3A_1234 : i32
        %add3A_1236 = arith.addi %mul3A_269, %mul3A_1235 : i32
        %mul3A_1237 = arith.constant 16 : i32
        %mul3A_1238 = arith.muli %sub3A_1129, %mul3A_1237 : i32
        %add3A_1239 = arith.constant 8 : i32
        %add3A_1240 = arith.addi %mul3A_1238, %add3A_1239 : i32
        %mul3A_1241 = arith.constant 2000 : i32
        %mul3A_1242 = arith.muli %add3A_1240, %mul3A_1241 : i32
        %dma_start3A_1243 = tpu.memref_slice %arg25[%mul3A_1242] : memref<64080xf32, #tpu.memory_space<vmem>> -> memref<2000xf32, #tpu.memory_space<vmem>>
        %dma_start3A_1244 = tpu.memref_slice %arg13[%add3A_1236] : memref<327680xf32, #tpu.memory_space<hbm>> -> memref<2000xf32, #tpu.memory_space<hbm>>
        %dma_start3A_1245 = tpu.memref_slice %arg25[%mul3A_1242] : memref<64080xf32, #tpu.memory_space<vmem>> -> memref<2000xf32, #tpu.memory_space<vmem>>
        %dma_start3A_1246 = tpu.memref_slice %arg13[%add3A_1236] : memref<327680xf32, #tpu.memory_space<hbm>> -> memref<2000xf32, #tpu.memory_space<hbm>>
        tpu.enqueue_dma source(%dma_start3A_1246 : memref<2000xf32, #tpu.memory_space<hbm>>) target(%dma_start3A_1245 : memref<2000xf32, #tpu.memory_space<vmem>>) target_semaphore(%arg32 : memref<!tpu.dma_semaphore, #tpu.memory_space<semaphore_mem>>)
        %mul3A_1247 = arith.constant 2000 : i32
        %mul3A_1248 = arith.muli %add3A_1128, %mul3A_1247 : i32
        %add3A_1249 = arith.addi %mul3A_269, %mul3A_1248 : i32
        %mul3A_1250 = arith.constant 16 : i32
        %mul3A_1251 = arith.muli %sub3A_1129, %mul3A_1250 : i32
        %add3A_1252 = arith.constant 9 : i32
        %add3A_1253 = arith.addi %mul3A_1251, %add3A_1252 : i32
        %mul3A_1254 = arith.constant 2000 : i32
        %mul3A_1255 = arith.muli %add3A_1253, %mul3A_1254 : i32
        %dma_start3A_1256 = tpu.memref_slice %arg25[%mul3A_1255] : memref<64080xf32, #tpu.memory_space<vmem>> -> memref<2000xf32, #tpu.memory_space<vmem>>
        %dma_start3A_1257 = tpu.memref_slice %arg14[%add3A_1249] : memref<327680xf32, #tpu.memory_space<hbm>> -> memref<2000xf32, #tpu.memory_space<hbm>>
        %dma_start3A_1258 = tpu.memref_slice %arg25[%mul3A_1255] : memref<64080xf32, #tpu.memory_space<vmem>> -> memref<2000xf32, #tpu.memory_space<vmem>>
        %dma_start3A_1259 = tpu.memref_slice %arg14[%add3A_1249] : memref<327680xf32, #tpu.memory_space<hbm>> -> memref<2000xf32, #tpu.memory_space<hbm>>
        tpu.enqueue_dma source(%dma_start3A_1259 : memref<2000xf32, #tpu.memory_space<hbm>>) target(%dma_start3A_1258 : memref<2000xf32, #tpu.memory_space<vmem>>) target_semaphore(%arg32 : memref<!tpu.dma_semaphore, #tpu.memory_space<semaphore_mem>>)
        %mul3A_1260 = arith.constant 2000 : i32
        %mul3A_1261 = arith.muli %add3A_1128, %mul3A_1260 : i32
        %add3A_1262 = arith.addi %mul3A_269, %mul3A_1261 : i32
        %mul3A_1263 = arith.constant 16 : i32
        %mul3A_1264 = arith.muli %sub3A_1129, %mul3A_1263 : i32
        %add3A_1265 = arith.constant 10 : i32
        %add3A_1266 = arith.addi %mul3A_1264, %add3A_1265 : i32
        %mul3A_1267 = arith.constant 2000 : i32
        %mul3A_1268 = arith.muli %add3A_1266, %mul3A_1267 : i32
        %dma_start3A_1269 = tpu.memref_slice %arg25[%mul3A_1268] : memref<64080xf32, #tpu.memory_space<vmem>> -> memref<2000xf32, #tpu.memory_space<vmem>>
        %dma_start3A_1270 = tpu.memref_slice %arg15[%add3A_1262] : memref<327680xf32, #tpu.memory_space<hbm>> -> memref<2000xf32, #tpu.memory_space<hbm>>
        %dma_start3A_1271 = tpu.memref_slice %arg25[%mul3A_1268] : memref<64080xf32, #tpu.memory_space<vmem>> -> memref<2000xf32, #tpu.memory_space<vmem>>
        %dma_start3A_1272 = tpu.memref_slice %arg15[%add3A_1262] : memref<327680xf32, #tpu.memory_space<hbm>> -> memref<2000xf32, #tpu.memory_space<hbm>>
        tpu.enqueue_dma source(%dma_start3A_1272 : memref<2000xf32, #tpu.memory_space<hbm>>) target(%dma_start3A_1271 : memref<2000xf32, #tpu.memory_space<vmem>>) target_semaphore(%arg32 : memref<!tpu.dma_semaphore, #tpu.memory_space<semaphore_mem>>)
        %mul3A_1273 = arith.constant 2000 : i32
        %mul3A_1274 = arith.muli %add3A_1128, %mul3A_1273 : i32
        %add3A_1275 = arith.addi %mul3A_269, %mul3A_1274 : i32
        %mul3A_1276 = arith.constant 16 : i32
        %mul3A_1277 = arith.muli %sub3A_1129, %mul3A_1276 : i32
        %add3A_1278 = arith.constant 11 : i32
        %add3A_1279 = arith.addi %mul3A_1277, %add3A_1278 : i32
        %mul3A_1280 = arith.constant 2000 : i32
        %mul3A_1281 = arith.muli %add3A_1279, %mul3A_1280 : i32
        %dma_start3A_1282 = tpu.memref_slice %arg25[%mul3A_1281] : memref<64080xf32, #tpu.memory_space<vmem>> -> memref<2000xf32, #tpu.memory_space<vmem>>
        %dma_start3A_1283 = tpu.memref_slice %arg16[%add3A_1275] : memref<327680xf32, #tpu.memory_space<hbm>> -> memref<2000xf32, #tpu.memory_space<hbm>>
        %dma_start3A_1284 = tpu.memref_slice %arg25[%mul3A_1281] : memref<64080xf32, #tpu.memory_space<vmem>> -> memref<2000xf32, #tpu.memory_space<vmem>>
        %dma_start3A_1285 = tpu.memref_slice %arg16[%add3A_1275] : memref<327680xf32, #tpu.memory_space<hbm>> -> memref<2000xf32, #tpu.memory_space<hbm>>
        tpu.enqueue_dma source(%dma_start3A_1285 : memref<2000xf32, #tpu.memory_space<hbm>>) target(%dma_start3A_1284 : memref<2000xf32, #tpu.memory_space<vmem>>) target_semaphore(%arg32 : memref<!tpu.dma_semaphore, #tpu.memory_space<semaphore_mem>>)
        %mul3A_1286 = arith.constant 2000 : i32
        %mul3A_1287 = arith.muli %add3A_1128, %mul3A_1286 : i32
        %add3A_1288 = arith.addi %mul3A_269, %mul3A_1287 : i32
        %mul3A_1289 = arith.constant 16 : i32
        %mul3A_1290 = arith.muli %sub3A_1129, %mul3A_1289 : i32
        %add3A_1291 = arith.constant 12 : i32
        %add3A_1292 = arith.addi %mul3A_1290, %add3A_1291 : i32
        %mul3A_1293 = arith.constant 2000 : i32
        %mul3A_1294 = arith.muli %add3A_1292, %mul3A_1293 : i32
        %dma_start3A_1295 = tpu.memref_slice %arg25[%mul3A_1294] : memref<64080xf32, #tpu.memory_space<vmem>> -> memref<2000xf32, #tpu.memory_space<vmem>>
        %dma_start3A_1296 = tpu.memref_slice %arg17[%add3A_1288] : memref<327680xf32, #tpu.memory_space<hbm>> -> memref<2000xf32, #tpu.memory_space<hbm>>
        %dma_start3A_1297 = tpu.memref_slice %arg25[%mul3A_1294] : memref<64080xf32, #tpu.memory_space<vmem>> -> memref<2000xf32, #tpu.memory_space<vmem>>
        %dma_start3A_1298 = tpu.memref_slice %arg17[%add3A_1288] : memref<327680xf32, #tpu.memory_space<hbm>> -> memref<2000xf32, #tpu.memory_space<hbm>>
        tpu.enqueue_dma source(%dma_start3A_1298 : memref<2000xf32, #tpu.memory_space<hbm>>) target(%dma_start3A_1297 : memref<2000xf32, #tpu.memory_space<vmem>>) target_semaphore(%arg32 : memref<!tpu.dma_semaphore, #tpu.memory_space<semaphore_mem>>)
        %mul3A_1299 = arith.constant 2000 : i32
        %mul3A_1300 = arith.muli %add3A_1128, %mul3A_1299 : i32
        %add3A_1301 = arith.addi %mul3A_269, %mul3A_1300 : i32
        %mul3A_1302 = arith.constant 16 : i32
        %mul3A_1303 = arith.muli %sub3A_1129, %mul3A_1302 : i32
        %add3A_1304 = arith.constant 13 : i32
        %add3A_1305 = arith.addi %mul3A_1303, %add3A_1304 : i32
        %mul3A_1306 = arith.constant 2000 : i32
        %mul3A_1307 = arith.muli %add3A_1305, %mul3A_1306 : i32
        %dma_start3A_1308 = tpu.memref_slice %arg25[%mul3A_1307] : memref<64080xf32, #tpu.memory_space<vmem>> -> memref<2000xf32, #tpu.memory_space<vmem>>
        %dma_start3A_1309 = tpu.memref_slice %arg18[%add3A_1301] : memref<327680xf32, #tpu.memory_space<hbm>> -> memref<2000xf32, #tpu.memory_space<hbm>>
        %dma_start3A_1310 = tpu.memref_slice %arg25[%mul3A_1307] : memref<64080xf32, #tpu.memory_space<vmem>> -> memref<2000xf32, #tpu.memory_space<vmem>>
        %dma_start3A_1311 = tpu.memref_slice %arg18[%add3A_1301] : memref<327680xf32, #tpu.memory_space<hbm>> -> memref<2000xf32, #tpu.memory_space<hbm>>
        tpu.enqueue_dma source(%dma_start3A_1311 : memref<2000xf32, #tpu.memory_space<hbm>>) target(%dma_start3A_1310 : memref<2000xf32, #tpu.memory_space<vmem>>) target_semaphore(%arg32 : memref<!tpu.dma_semaphore, #tpu.memory_space<semaphore_mem>>)
        %mul3A_1312 = arith.constant 2000 : i32
        %mul3A_1313 = arith.muli %add3A_1128, %mul3A_1312 : i32
        %add3A_1314 = arith.addi %mul3A_269, %mul3A_1313 : i32
        %mul3A_1315 = arith.constant 16 : i32
        %mul3A_1316 = arith.muli %sub3A_1129, %mul3A_1315 : i32
        %add3A_1317 = arith.constant 14 : i32
        %add3A_1318 = arith.addi %mul3A_1316, %add3A_1317 : i32
        %mul3A_1319 = arith.constant 2000 : i32
        %mul3A_1320 = arith.muli %add3A_1318, %mul3A_1319 : i32
        %dma_start3A_1321 = tpu.memref_slice %arg25[%mul3A_1320] : memref<64080xf32, #tpu.memory_space<vmem>> -> memref<2000xf32, #tpu.memory_space<vmem>>
        %dma_start3A_1322 = tpu.memref_slice %arg19[%add3A_1314] : memref<327680xf32, #tpu.memory_space<hbm>> -> memref<2000xf32, #tpu.memory_space<hbm>>
        %dma_start3A_1323 = tpu.memref_slice %arg25[%mul3A_1320] : memref<64080xf32, #tpu.memory_space<vmem>> -> memref<2000xf32, #tpu.memory_space<vmem>>
        %dma_start3A_1324 = tpu.memref_slice %arg19[%add3A_1314] : memref<327680xf32, #tpu.memory_space<hbm>> -> memref<2000xf32, #tpu.memory_space<hbm>>
        tpu.enqueue_dma source(%dma_start3A_1324 : memref<2000xf32, #tpu.memory_space<hbm>>) target(%dma_start3A_1323 : memref<2000xf32, #tpu.memory_space<vmem>>) target_semaphore(%arg32 : memref<!tpu.dma_semaphore, #tpu.memory_space<semaphore_mem>>)
        %mul3A_1325 = arith.constant 2000 : i32
        %mul3A_1326 = arith.muli %add3A_1128, %mul3A_1325 : i32
        %add3A_1327 = arith.addi %mul3A_269, %mul3A_1326 : i32
        %mul3A_1328 = arith.constant 16 : i32
        %mul3A_1329 = arith.muli %sub3A_1129, %mul3A_1328 : i32
        %add3A_1330 = arith.constant 15 : i32
        %add3A_1331 = arith.addi %mul3A_1329, %add3A_1330 : i32
        %mul3A_1332 = arith.constant 2000 : i32
        %mul3A_1333 = arith.muli %add3A_1331, %mul3A_1332 : i32
        %dma_start3A_1334 = tpu.memref_slice %arg25[%mul3A_1333] : memref<64080xf32, #tpu.memory_space<vmem>> -> memref<2000xf32, #tpu.memory_space<vmem>>
        %dma_start3A_1335 = tpu.memref_slice %arg20[%add3A_1327] : memref<327680xf32, #tpu.memory_space<hbm>> -> memref<2000xf32, #tpu.memory_space<hbm>>
        %dma_start3A_1336 = tpu.memref_slice %arg25[%mul3A_1333] : memref<64080xf32, #tpu.memory_space<vmem>> -> memref<2000xf32, #tpu.memory_space<vmem>>
        %dma_start3A_1337 = tpu.memref_slice %arg20[%add3A_1327] : memref<327680xf32, #tpu.memory_space<hbm>> -> memref<2000xf32, #tpu.memory_space<hbm>>
        tpu.enqueue_dma source(%dma_start3A_1337 : memref<2000xf32, #tpu.memory_space<hbm>>) target(%dma_start3A_1336 : memref<2000xf32, #tpu.memory_space<vmem>>) target_semaphore(%arg32 : memref<!tpu.dma_semaphore, #tpu.memory_space<semaphore_mem>>)
      } else {
      }
      %mul3A_904 = arith.constant 2000 : i32
      %mul3A_905 = arith.muli %scan3A_897, %mul3A_904 : i32
      %add3A_906 = arith.addi %mul3A_269, %mul3A_905 : i32
      %mul3A_907 = arith.constant 16 : i32
      %mul3A_908 = arith.muli %rem3A_899, %mul3A_907 : i32
      %add3A_909 = arith.constant 0 : i32
      %add3A_910 = arith.addi %mul3A_908, %add3A_909 : i32
      %mul3A_911 = arith.constant 2000 : i32
      %mul3A_912 = arith.muli %add3A_910, %mul3A_911 : i32
      %dma_wait3A_913 = tpu.memref_slice %arg25[%mul3A_912] : memref<64080xf32, #tpu.memory_space<vmem>> -> memref<2000xf32, #tpu.memory_space<vmem>>
      %dma_wait3A_914 = tpu.memref_slice %arg5[%add3A_906] : memref<327680xf32, #tpu.memory_space<hbm>> -> memref<2000xf32, #tpu.memory_space<hbm>>
      %dma_wait3A_915 = tpu.memref_slice %arg25[%mul3A_912] : memref<64080xf32, #tpu.memory_space<vmem>> -> memref<2000xf32, #tpu.memory_space<vmem>>
      %dma_wait3A_916 = tpu.memref_slice %arg5[%add3A_906] : memref<327680xf32, #tpu.memory_space<hbm>> -> memref<2000xf32, #tpu.memory_space<hbm>>
      tpu.wait_dma2 semaphore(%arg32 : memref<!tpu.dma_semaphore, #tpu.memory_space<semaphore_mem>>) src(%dma_wait3A_916 : memref<2000xf32, #tpu.memory_space<hbm>>) dst(%dma_wait3A_915 : memref<2000xf32, #tpu.memory_space<vmem>>)
      %mul3A_917 = arith.constant 2000 : i32
      %mul3A_918 = arith.muli %scan3A_897, %mul3A_917 : i32
      %add3A_919 = arith.addi %mul3A_269, %mul3A_918 : i32
      %mul3A_920 = arith.constant 16 : i32
      %mul3A_921 = arith.muli %rem3A_899, %mul3A_920 : i32
      %add3A_922 = arith.constant 1 : i32
      %add3A_923 = arith.addi %mul3A_921, %add3A_922 : i32
      %mul3A_924 = arith.constant 2000 : i32
      %mul3A_925 = arith.muli %add3A_923, %mul3A_924 : i32
      %dma_wait3A_926 = tpu.memref_slice %arg25[%mul3A_925] : memref<64080xf32, #tpu.memory_space<vmem>> -> memref<2000xf32, #tpu.memory_space<vmem>>
      %dma_wait3A_927 = tpu.memref_slice %arg6[%add3A_919] : memref<327680xf32, #tpu.memory_space<hbm>> -> memref<2000xf32, #tpu.memory_space<hbm>>
      %dma_wait3A_928 = tpu.memref_slice %arg25[%mul3A_925] : memref<64080xf32, #tpu.memory_space<vmem>> -> memref<2000xf32, #tpu.memory_space<vmem>>
      %dma_wait3A_929 = tpu.memref_slice %arg6[%add3A_919] : memref<327680xf32, #tpu.memory_space<hbm>> -> memref<2000xf32, #tpu.memory_space<hbm>>
      tpu.wait_dma2 semaphore(%arg32 : memref<!tpu.dma_semaphore, #tpu.memory_space<semaphore_mem>>) src(%dma_wait3A_929 : memref<2000xf32, #tpu.memory_space<hbm>>) dst(%dma_wait3A_928 : memref<2000xf32, #tpu.memory_space<vmem>>)
      %mul3A_930 = arith.constant 2000 : i32
      %mul3A_931 = arith.muli %scan3A_897, %mul3A_930 : i32
      %add3A_932 = arith.addi %mul3A_269, %mul3A_931 : i32
      %mul3A_933 = arith.constant 16 : i32
      %mul3A_934 = arith.muli %rem3A_899, %mul3A_933 : i32
      %add3A_935 = arith.constant 2 : i32
      %add3A_936 = arith.addi %mul3A_934, %add3A_935 : i32
      %mul3A_937 = arith.constant 2000 : i32
      %mul3A_938 = arith.muli %add3A_936, %mul3A_937 : i32
      %dma_wait3A_939 = tpu.memref_slice %arg25[%mul3A_938] : memref<64080xf32, #tpu.memory_space<vmem>> -> memref<2000xf32, #tpu.memory_space<vmem>>
      %dma_wait3A_940 = tpu.memref_slice %arg7[%add3A_932] : memref<327680xf32, #tpu.memory_space<hbm>> -> memref<2000xf32, #tpu.memory_space<hbm>>
      %dma_wait3A_941 = tpu.memref_slice %arg25[%mul3A_938] : memref<64080xf32, #tpu.memory_space<vmem>> -> memref<2000xf32, #tpu.memory_space<vmem>>
      %dma_wait3A_942 = tpu.memref_slice %arg7[%add3A_932] : memref<327680xf32, #tpu.memory_space<hbm>> -> memref<2000xf32, #tpu.memory_space<hbm>>
      tpu.wait_dma2 semaphore(%arg32 : memref<!tpu.dma_semaphore, #tpu.memory_space<semaphore_mem>>) src(%dma_wait3A_942 : memref<2000xf32, #tpu.memory_space<hbm>>) dst(%dma_wait3A_941 : memref<2000xf32, #tpu.memory_space<vmem>>)
      %mul3A_943 = arith.constant 2000 : i32
      %mul3A_944 = arith.muli %scan3A_897, %mul3A_943 : i32
      %add3A_945 = arith.addi %mul3A_269, %mul3A_944 : i32
      %mul3A_946 = arith.constant 16 : i32
      %mul3A_947 = arith.muli %rem3A_899, %mul3A_946 : i32
      %add3A_948 = arith.constant 3 : i32
      %add3A_949 = arith.addi %mul3A_947, %add3A_948 : i32
      %mul3A_950 = arith.constant 2000 : i32
      %mul3A_951 = arith.muli %add3A_949, %mul3A_950 : i32
      %dma_wait3A_952 = tpu.memref_slice %arg25[%mul3A_951] : memref<64080xf32, #tpu.memory_space<vmem>> -> memref<2000xf32, #tpu.memory_space<vmem>>
      %dma_wait3A_953 = tpu.memref_slice %arg8[%add3A_945] : memref<327680xf32, #tpu.memory_space<hbm>> -> memref<2000xf32, #tpu.memory_space<hbm>>
      %dma_wait3A_954 = tpu.memref_slice %arg25[%mul3A_951] : memref<64080xf32, #tpu.memory_space<vmem>> -> memref<2000xf32, #tpu.memory_space<vmem>>
      %dma_wait3A_955 = tpu.memref_slice %arg8[%add3A_945] : memref<327680xf32, #tpu.memory_space<hbm>> -> memref<2000xf32, #tpu.memory_space<hbm>>
      tpu.wait_dma2 semaphore(%arg32 : memref<!tpu.dma_semaphore, #tpu.memory_space<semaphore_mem>>) src(%dma_wait3A_955 : memref<2000xf32, #tpu.memory_space<hbm>>) dst(%dma_wait3A_954 : memref<2000xf32, #tpu.memory_space<vmem>>)
      %mul3A_956 = arith.constant 2000 : i32
      %mul3A_957 = arith.muli %scan3A_897, %mul3A_956 : i32
      %add3A_958 = arith.addi %mul3A_269, %mul3A_957 : i32
      %mul3A_959 = arith.constant 16 : i32
      %mul3A_960 = arith.muli %rem3A_899, %mul3A_959 : i32
      %add3A_961 = arith.constant 4 : i32
      %add3A_962 = arith.addi %mul3A_960, %add3A_961 : i32
      %mul3A_963 = arith.constant 2000 : i32
      %mul3A_964 = arith.muli %add3A_962, %mul3A_963 : i32
      %dma_wait3A_965 = tpu.memref_slice %arg25[%mul3A_964] : memref<64080xf32, #tpu.memory_space<vmem>> -> memref<2000xf32, #tpu.memory_space<vmem>>
      %dma_wait3A_966 = tpu.memref_slice %arg9[%add3A_958] : memref<327680xf32, #tpu.memory_space<hbm>> -> memref<2000xf32, #tpu.memory_space<hbm>>
      %dma_wait3A_967 = tpu.memref_slice %arg25[%mul3A_964] : memref<64080xf32, #tpu.memory_space<vmem>> -> memref<2000xf32, #tpu.memory_space<vmem>>
      %dma_wait3A_968 = tpu.memref_slice %arg9[%add3A_958] : memref<327680xf32, #tpu.memory_space<hbm>> -> memref<2000xf32, #tpu.memory_space<hbm>>
      tpu.wait_dma2 semaphore(%arg32 : memref<!tpu.dma_semaphore, #tpu.memory_space<semaphore_mem>>) src(%dma_wait3A_968 : memref<2000xf32, #tpu.memory_space<hbm>>) dst(%dma_wait3A_967 : memref<2000xf32, #tpu.memory_space<vmem>>)
      %mul3A_969 = arith.constant 2000 : i32
      %mul3A_970 = arith.muli %scan3A_897, %mul3A_969 : i32
      %add3A_971 = arith.addi %mul3A_269, %mul3A_970 : i32
      %mul3A_972 = arith.constant 16 : i32
      %mul3A_973 = arith.muli %rem3A_899, %mul3A_972 : i32
      %add3A_974 = arith.constant 5 : i32
      %add3A_975 = arith.addi %mul3A_973, %add3A_974 : i32
      %mul3A_976 = arith.constant 2000 : i32
      %mul3A_977 = arith.muli %add3A_975, %mul3A_976 : i32
      %dma_wait3A_978 = tpu.memref_slice %arg25[%mul3A_977] : memref<64080xf32, #tpu.memory_space<vmem>> -> memref<2000xf32, #tpu.memory_space<vmem>>
      %dma_wait3A_979 = tpu.memref_slice %arg10[%add3A_971] : memref<327680xf32, #tpu.memory_space<hbm>> -> memref<2000xf32, #tpu.memory_space<hbm>>
      %dma_wait3A_980 = tpu.memref_slice %arg25[%mul3A_977] : memref<64080xf32, #tpu.memory_space<vmem>> -> memref<2000xf32, #tpu.memory_space<vmem>>
      %dma_wait3A_981 = tpu.memref_slice %arg10[%add3A_971] : memref<327680xf32, #tpu.memory_space<hbm>> -> memref<2000xf32, #tpu.memory_space<hbm>>
      tpu.wait_dma2 semaphore(%arg32 : memref<!tpu.dma_semaphore, #tpu.memory_space<semaphore_mem>>) src(%dma_wait3A_981 : memref<2000xf32, #tpu.memory_space<hbm>>) dst(%dma_wait3A_980 : memref<2000xf32, #tpu.memory_space<vmem>>)
      %mul3A_982 = arith.constant 2000 : i32
      %mul3A_983 = arith.muli %scan3A_897, %mul3A_982 : i32
      %add3A_984 = arith.addi %mul3A_269, %mul3A_983 : i32
      %mul3A_985 = arith.constant 16 : i32
      %mul3A_986 = arith.muli %rem3A_899, %mul3A_985 : i32
      %add3A_987 = arith.constant 6 : i32
      %add3A_988 = arith.addi %mul3A_986, %add3A_987 : i32
      %mul3A_989 = arith.constant 2000 : i32
      %mul3A_990 = arith.muli %add3A_988, %mul3A_989 : i32
      %dma_wait3A_991 = tpu.memref_slice %arg25[%mul3A_990] : memref<64080xf32, #tpu.memory_space<vmem>> -> memref<2000xf32, #tpu.memory_space<vmem>>
      %dma_wait3A_992 = tpu.memref_slice %arg11[%add3A_984] : memref<327680xf32, #tpu.memory_space<hbm>> -> memref<2000xf32, #tpu.memory_space<hbm>>
      %dma_wait3A_993 = tpu.memref_slice %arg25[%mul3A_990] : memref<64080xf32, #tpu.memory_space<vmem>> -> memref<2000xf32, #tpu.memory_space<vmem>>
      %dma_wait3A_994 = tpu.memref_slice %arg11[%add3A_984] : memref<327680xf32, #tpu.memory_space<hbm>> -> memref<2000xf32, #tpu.memory_space<hbm>>
      tpu.wait_dma2 semaphore(%arg32 : memref<!tpu.dma_semaphore, #tpu.memory_space<semaphore_mem>>) src(%dma_wait3A_994 : memref<2000xf32, #tpu.memory_space<hbm>>) dst(%dma_wait3A_993 : memref<2000xf32, #tpu.memory_space<vmem>>)
      %mul3A_995 = arith.constant 2000 : i32
      %mul3A_996 = arith.muli %scan3A_897, %mul3A_995 : i32
      %add3A_997 = arith.addi %mul3A_269, %mul3A_996 : i32
      %mul3A_998 = arith.constant 16 : i32
      %mul3A_999 = arith.muli %rem3A_899, %mul3A_998 : i32
      %add3A_1000 = arith.constant 7 : i32
      %add3A_1001 = arith.addi %mul3A_999, %add3A_1000 : i32
      %mul3A_1002 = arith.constant 2000 : i32
      %mul3A_1003 = arith.muli %add3A_1001, %mul3A_1002 : i32
      %dma_wait3A_1004 = tpu.memref_slice %arg25[%mul3A_1003] : memref<64080xf32, #tpu.memory_space<vmem>> -> memref<2000xf32, #tpu.memory_space<vmem>>
      %dma_wait3A_1005 = tpu.memref_slice %arg12[%add3A_997] : memref<327680xf32, #tpu.memory_space<hbm>> -> memref<2000xf32, #tpu.memory_space<hbm>>
      %dma_wait3A_1006 = tpu.memref_slice %arg25[%mul3A_1003] : memref<64080xf32, #tpu.memory_space<vmem>> -> memref<2000xf32, #tpu.memory_space<vmem>>
      %dma_wait3A_1007 = tpu.memref_slice %arg12[%add3A_997] : memref<327680xf32, #tpu.memory_space<hbm>> -> memref<2000xf32, #tpu.memory_space<hbm>>
      tpu.wait_dma2 semaphore(%arg32 : memref<!tpu.dma_semaphore, #tpu.memory_space<semaphore_mem>>) src(%dma_wait3A_1007 : memref<2000xf32, #tpu.memory_space<hbm>>) dst(%dma_wait3A_1006 : memref<2000xf32, #tpu.memory_space<vmem>>)
      %mul3A_1008 = arith.constant 2000 : i32
      %mul3A_1009 = arith.muli %scan3A_897, %mul3A_1008 : i32
      %add3A_1010 = arith.addi %mul3A_269, %mul3A_1009 : i32
      %mul3A_1011 = arith.constant 16 : i32
      %mul3A_1012 = arith.muli %rem3A_899, %mul3A_1011 : i32
      %add3A_1013 = arith.constant 8 : i32
      %add3A_1014 = arith.addi %mul3A_1012, %add3A_1013 : i32
      %mul3A_1015 = arith.constant 2000 : i32
      %mul3A_1016 = arith.muli %add3A_1014, %mul3A_1015 : i32
      %dma_wait3A_1017 = tpu.memref_slice %arg25[%mul3A_1016] : memref<64080xf32, #tpu.memory_space<vmem>> -> memref<2000xf32, #tpu.memory_space<vmem>>
      %dma_wait3A_1018 = tpu.memref_slice %arg13[%add3A_1010] : memref<327680xf32, #tpu.memory_space<hbm>> -> memref<2000xf32, #tpu.memory_space<hbm>>
      %dma_wait3A_1019 = tpu.memref_slice %arg25[%mul3A_1016] : memref<64080xf32, #tpu.memory_space<vmem>> -> memref<2000xf32, #tpu.memory_space<vmem>>
      %dma_wait3A_1020 = tpu.memref_slice %arg13[%add3A_1010] : memref<327680xf32, #tpu.memory_space<hbm>> -> memref<2000xf32, #tpu.memory_space<hbm>>
      tpu.wait_dma2 semaphore(%arg32 : memref<!tpu.dma_semaphore, #tpu.memory_space<semaphore_mem>>) src(%dma_wait3A_1020 : memref<2000xf32, #tpu.memory_space<hbm>>) dst(%dma_wait3A_1019 : memref<2000xf32, #tpu.memory_space<vmem>>)
      %mul3A_1021 = arith.constant 2000 : i32
      %mul3A_1022 = arith.muli %scan3A_897, %mul3A_1021 : i32
      %add3A_1023 = arith.addi %mul3A_269, %mul3A_1022 : i32
      %mul3A_1024 = arith.constant 16 : i32
      %mul3A_1025 = arith.muli %rem3A_899, %mul3A_1024 : i32
      %add3A_1026 = arith.constant 9 : i32
      %add3A_1027 = arith.addi %mul3A_1025, %add3A_1026 : i32
      %mul3A_1028 = arith.constant 2000 : i32
      %mul3A_1029 = arith.muli %add3A_1027, %mul3A_1028 : i32
      %dma_wait3A_1030 = tpu.memref_slice %arg25[%mul3A_1029] : memref<64080xf32, #tpu.memory_space<vmem>> -> memref<2000xf32, #tpu.memory_space<vmem>>
      %dma_wait3A_1031 = tpu.memref_slice %arg14[%add3A_1023] : memref<327680xf32, #tpu.memory_space<hbm>> -> memref<2000xf32, #tpu.memory_space<hbm>>
      %dma_wait3A_1032 = tpu.memref_slice %arg25[%mul3A_1029] : memref<64080xf32, #tpu.memory_space<vmem>> -> memref<2000xf32, #tpu.memory_space<vmem>>
      %dma_wait3A_1033 = tpu.memref_slice %arg14[%add3A_1023] : memref<327680xf32, #tpu.memory_space<hbm>> -> memref<2000xf32, #tpu.memory_space<hbm>>
      tpu.wait_dma2 semaphore(%arg32 : memref<!tpu.dma_semaphore, #tpu.memory_space<semaphore_mem>>) src(%dma_wait3A_1033 : memref<2000xf32, #tpu.memory_space<hbm>>) dst(%dma_wait3A_1032 : memref<2000xf32, #tpu.memory_space<vmem>>)
      %mul3A_1034 = arith.constant 2000 : i32
      %mul3A_1035 = arith.muli %scan3A_897, %mul3A_1034 : i32
      %add3A_1036 = arith.addi %mul3A_269, %mul3A_1035 : i32
      %mul3A_1037 = arith.constant 16 : i32
      %mul3A_1038 = arith.muli %rem3A_899, %mul3A_1037 : i32
      %add3A_1039 = arith.constant 10 : i32
      %add3A_1040 = arith.addi %mul3A_1038, %add3A_1039 : i32
      %mul3A_1041 = arith.constant 2000 : i32
      %mul3A_1042 = arith.muli %add3A_1040, %mul3A_1041 : i32
      %dma_wait3A_1043 = tpu.memref_slice %arg25[%mul3A_1042] : memref<64080xf32, #tpu.memory_space<vmem>> -> memref<2000xf32, #tpu.memory_space<vmem>>
      %dma_wait3A_1044 = tpu.memref_slice %arg15[%add3A_1036] : memref<327680xf32, #tpu.memory_space<hbm>> -> memref<2000xf32, #tpu.memory_space<hbm>>
      %dma_wait3A_1045 = tpu.memref_slice %arg25[%mul3A_1042] : memref<64080xf32, #tpu.memory_space<vmem>> -> memref<2000xf32, #tpu.memory_space<vmem>>
      %dma_wait3A_1046 = tpu.memref_slice %arg15[%add3A_1036] : memref<327680xf32, #tpu.memory_space<hbm>> -> memref<2000xf32, #tpu.memory_space<hbm>>
      tpu.wait_dma2 semaphore(%arg32 : memref<!tpu.dma_semaphore, #tpu.memory_space<semaphore_mem>>) src(%dma_wait3A_1046 : memref<2000xf32, #tpu.memory_space<hbm>>) dst(%dma_wait3A_1045 : memref<2000xf32, #tpu.memory_space<vmem>>)
      %mul3A_1047 = arith.constant 2000 : i32
      %mul3A_1048 = arith.muli %scan3A_897, %mul3A_1047 : i32
      %add3A_1049 = arith.addi %mul3A_269, %mul3A_1048 : i32
      %mul3A_1050 = arith.constant 16 : i32
      %mul3A_1051 = arith.muli %rem3A_899, %mul3A_1050 : i32
      %add3A_1052 = arith.constant 11 : i32
      %add3A_1053 = arith.addi %mul3A_1051, %add3A_1052 : i32
      %mul3A_1054 = arith.constant 2000 : i32
      %mul3A_1055 = arith.muli %add3A_1053, %mul3A_1054 : i32
      %dma_wait3A_1056 = tpu.memref_slice %arg25[%mul3A_1055] : memref<64080xf32, #tpu.memory_space<vmem>> -> memref<2000xf32, #tpu.memory_space<vmem>>
      %dma_wait3A_1057 = tpu.memref_slice %arg16[%add3A_1049] : memref<327680xf32, #tpu.memory_space<hbm>> -> memref<2000xf32, #tpu.memory_space<hbm>>
      %dma_wait3A_1058 = tpu.memref_slice %arg25[%mul3A_1055] : memref<64080xf32, #tpu.memory_space<vmem>> -> memref<2000xf32, #tpu.memory_space<vmem>>
      %dma_wait3A_1059 = tpu.memref_slice %arg16[%add3A_1049] : memref<327680xf32, #tpu.memory_space<hbm>> -> memref<2000xf32, #tpu.memory_space<hbm>>
      tpu.wait_dma2 semaphore(%arg32 : memref<!tpu.dma_semaphore, #tpu.memory_space<semaphore_mem>>) src(%dma_wait3A_1059 : memref<2000xf32, #tpu.memory_space<hbm>>) dst(%dma_wait3A_1058 : memref<2000xf32, #tpu.memory_space<vmem>>)
      %mul3A_1060 = arith.constant 2000 : i32
      %mul3A_1061 = arith.muli %scan3A_897, %mul3A_1060 : i32
      %add3A_1062 = arith.addi %mul3A_269, %mul3A_1061 : i32
      %mul3A_1063 = arith.constant 16 : i32
      %mul3A_1064 = arith.muli %rem3A_899, %mul3A_1063 : i32
      %add3A_1065 = arith.constant 12 : i32
      %add3A_1066 = arith.addi %mul3A_1064, %add3A_1065 : i32
      %mul3A_1067 = arith.constant 2000 : i32
      %mul3A_1068 = arith.muli %add3A_1066, %mul3A_1067 : i32
      %dma_wait3A_1069 = tpu.memref_slice %arg25[%mul3A_1068] : memref<64080xf32, #tpu.memory_space<vmem>> -> memref<2000xf32, #tpu.memory_space<vmem>>
      %dma_wait3A_1070 = tpu.memref_slice %arg17[%add3A_1062] : memref<327680xf32, #tpu.memory_space<hbm>> -> memref<2000xf32, #tpu.memory_space<hbm>>
      %dma_wait3A_1071 = tpu.memref_slice %arg25[%mul3A_1068] : memref<64080xf32, #tpu.memory_space<vmem>> -> memref<2000xf32, #tpu.memory_space<vmem>>
      %dma_wait3A_1072 = tpu.memref_slice %arg17[%add3A_1062] : memref<327680xf32, #tpu.memory_space<hbm>> -> memref<2000xf32, #tpu.memory_space<hbm>>
      tpu.wait_dma2 semaphore(%arg32 : memref<!tpu.dma_semaphore, #tpu.memory_space<semaphore_mem>>) src(%dma_wait3A_1072 : memref<2000xf32, #tpu.memory_space<hbm>>) dst(%dma_wait3A_1071 : memref<2000xf32, #tpu.memory_space<vmem>>)
      %mul3A_1073 = arith.constant 2000 : i32
      %mul3A_1074 = arith.muli %scan3A_897, %mul3A_1073 : i32
      %add3A_1075 = arith.addi %mul3A_269, %mul3A_1074 : i32
      %mul3A_1076 = arith.constant 16 : i32
      %mul3A_1077 = arith.muli %rem3A_899, %mul3A_1076 : i32
      %add3A_1078 = arith.constant 13 : i32
      %add3A_1079 = arith.addi %mul3A_1077, %add3A_1078 : i32
      %mul3A_1080 = arith.constant 2000 : i32
      %mul3A_1081 = arith.muli %add3A_1079, %mul3A_1080 : i32
      %dma_wait3A_1082 = tpu.memref_slice %arg25[%mul3A_1081] : memref<64080xf32, #tpu.memory_space<vmem>> -> memref<2000xf32, #tpu.memory_space<vmem>>
      %dma_wait3A_1083 = tpu.memref_slice %arg18[%add3A_1075] : memref<327680xf32, #tpu.memory_space<hbm>> -> memref<2000xf32, #tpu.memory_space<hbm>>
      %dma_wait3A_1084 = tpu.memref_slice %arg25[%mul3A_1081] : memref<64080xf32, #tpu.memory_space<vmem>> -> memref<2000xf32, #tpu.memory_space<vmem>>
      %dma_wait3A_1085 = tpu.memref_slice %arg18[%add3A_1075] : memref<327680xf32, #tpu.memory_space<hbm>> -> memref<2000xf32, #tpu.memory_space<hbm>>
      tpu.wait_dma2 semaphore(%arg32 : memref<!tpu.dma_semaphore, #tpu.memory_space<semaphore_mem>>) src(%dma_wait3A_1085 : memref<2000xf32, #tpu.memory_space<hbm>>) dst(%dma_wait3A_1084 : memref<2000xf32, #tpu.memory_space<vmem>>)
      %mul3A_1086 = arith.constant 2000 : i32
      %mul3A_1087 = arith.muli %scan3A_897, %mul3A_1086 : i32
      %add3A_1088 = arith.addi %mul3A_269, %mul3A_1087 : i32
      %mul3A_1089 = arith.constant 16 : i32
      %mul3A_1090 = arith.muli %rem3A_899, %mul3A_1089 : i32
      %add3A_1091 = arith.constant 14 : i32
      %add3A_1092 = arith.addi %mul3A_1090, %add3A_1091 : i32
      %mul3A_1093 = arith.constant 2000 : i32
      %mul3A_1094 = arith.muli %add3A_1092, %mul3A_1093 : i32
      %dma_wait3A_1095 = tpu.memref_slice %arg25[%mul3A_1094] : memref<64080xf32, #tpu.memory_space<vmem>> -> memref<2000xf32, #tpu.memory_space<vmem>>
      %dma_wait3A_1096 = tpu.memref_slice %arg19[%add3A_1088] : memref<327680xf32, #tpu.memory_space<hbm>> -> memref<2000xf32, #tpu.memory_space<hbm>>
      %dma_wait3A_1097 = tpu.memref_slice %arg25[%mul3A_1094] : memref<64080xf32, #tpu.memory_space<vmem>> -> memref<2000xf32, #tpu.memory_space<vmem>>
      %dma_wait3A_1098 = tpu.memref_slice %arg19[%add3A_1088] : memref<327680xf32, #tpu.memory_space<hbm>> -> memref<2000xf32, #tpu.memory_space<hbm>>
      tpu.wait_dma2 semaphore(%arg32 : memref<!tpu.dma_semaphore, #tpu.memory_space<semaphore_mem>>) src(%dma_wait3A_1098 : memref<2000xf32, #tpu.memory_space<hbm>>) dst(%dma_wait3A_1097 : memref<2000xf32, #tpu.memory_space<vmem>>)
      %mul3A_1099 = arith.constant 2000 : i32
      %mul3A_1100 = arith.muli %scan3A_897, %mul3A_1099 : i32
      %add3A_1101 = arith.addi %mul3A_269, %mul3A_1100 : i32
      %mul3A_1102 = arith.constant 16 : i32
      %mul3A_1103 = arith.muli %rem3A_899, %mul3A_1102 : i32
      %add3A_1104 = arith.constant 15 : i32
      %add3A_1105 = arith.addi %mul3A_1103, %add3A_1104 : i32
      %mul3A_1106 = arith.constant 2000 : i32
      %mul3A_1107 = arith.muli %add3A_1105, %mul3A_1106 : i32
      %dma_wait3A_1108 = tpu.memref_slice %arg25[%mul3A_1107] : memref<64080xf32, #tpu.memory_space<vmem>> -> memref<2000xf32, #tpu.memory_space<vmem>>
      %dma_wait3A_1109 = tpu.memref_slice %arg20[%add3A_1101] : memref<327680xf32, #tpu.memory_space<hbm>> -> memref<2000xf32, #tpu.memory_space<hbm>>
      %dma_wait3A_1110 = tpu.memref_slice %arg25[%mul3A_1107] : memref<64080xf32, #tpu.memory_space<vmem>> -> memref<2000xf32, #tpu.memory_space<vmem>>
      %dma_wait3A_1111 = tpu.memref_slice %arg20[%add3A_1101] : memref<327680xf32, #tpu.memory_space<hbm>> -> memref<2000xf32, #tpu.memory_space<hbm>>
      tpu.wait_dma2 semaphore(%arg32 : memref<!tpu.dma_semaphore, #tpu.memory_space<semaphore_mem>>) src(%dma_wait3A_1111 : memref<2000xf32, #tpu.memory_space<hbm>>) dst(%dma_wait3A_1110 : memref<2000xf32, #tpu.memory_space<vmem>>)
      %mul3A_1112 = arith.constant 16 : i32
      %mul3A_1113 = arith.muli %rem3A_899, %mul3A_1112 : i32
      %add3A_1114 = vector.broadcast %mul3A_1113 : i32 to vector<16xi32>
      %add3A_1115 = arith.addi %add3A_1114, %iota3A : vector<16xi32>
      %mul3A_1116 = arith.constant 2000 : i32
      %mul3A_1117 = vector.broadcast %mul3A_1116 : i32 to vector<16xi32>
      %mul3A_1118 = arith.muli %add3A_1115, %mul3A_1117 : vector<16xi32>
      %scan3A_1119 = arith.constant 0 : i32
      %scan3A_1120 = arith.constant 0 : i32
      %scan3A_1121 = arith.constant 25 : i32
      %scan3A_1122 = arith.addi %scan3A_1120, %scan3A_1121 : i32
      %scan3A_1123 = arith.constant 1 : i32
      %scan3A_1124 = scf.for %scan3A_1127 = %scan3A_1120 to %scan3A_1122 step %scan3A_1123 iter_args(%scan3A_1128 = %scan3A_1119) -> (i32)  : i32 {
        %mul3A_1129 = arith.constant 25 : i32
        %mul3A_1130 = arith.muli %scan3A_897, %mul3A_1129 : i32
        %add3A_1131 = arith.addi %mul3A_1130, %scan3A_1127 : i32
        %rem3A_1132 = arith.constant 4 : i32
        %rem3A_1133 = arith.remsi %add3A_1131, %rem3A_1132 : i32
        %add3A_1134 = arith.constant 4 : i32
        %add3A_1135 = arith.addi %add3A_1131, %add3A_1134 : i32
        %sub3A = arith.constant 1 : i32
        %sub3A_1136 = arith.subi %add3A_1135, %sub3A : i32
        %rem3A_1137 = arith.constant 4 : i32
        %rem3A_1138 = arith.remsi %sub3A_1136, %rem3A_1137 : i32
        %ge3A = arith.constant 3 : i32
        %ge3A_1139 = arith.cmpi sge, %add3A_1131, %ge3A : i32
        %convert_element_type3A_1140 = arith.extui %ge3A_1139 : i1 to i32
        %cond3A_1141 = arith.constant 0 : i32
        %cond3A_1142 = arith.cmpi ne, %convert_element_type3A_1140, %cond3A_1141 : i32
        scf.if %cond3A_1142 {
          %sub3A_1176 = arith.constant 3 : i32
          %sub3A_1177 = arith.subi %add3A_1131, %sub3A_1176 : i32
          %dma_wait3A_1178 = arith.constant 0 : i32
          %dma_wait3A_1179 = arith.constant 0 : i32
          %dma_wait3A_1180 = tpu.memref_slice %arg24[%rem3A_1138, %dma_wait3A_1178, %dma_wait3A_1179] : memref<4x80x16xf32, #tpu.memory_space<vmem>> -> memref<1x80x16xf32, #tpu.memory_space<vmem>>
          %dma_wait3A_1181 = tpu.memref_squeeze %dma_wait3A_1180 : memref<1x80x16xf32, #tpu.memory_space<vmem>> -> memref<80x16xf32, #tpu.memory_space<vmem>>
          %dma_wait3A_1182 = arith.constant 0 : i32
          %dma_wait3A_1183 = tpu.memref_slice %arg23[%sub3A_1177, %dma_wait3A_1182] : memref<125x80xi32, #tpu.memory_space<vmem>> -> memref<1x80xi32, #tpu.memory_space<vmem>>
          %dma_wait3A_1184 = tpu.memref_squeeze %dma_wait3A_1183 : memref<1x80xi32, #tpu.memory_space<vmem>> -> memref<80xi32, #tpu.memory_space<vmem>>
          %dma_wait3A_1185 = arith.constant 0 : i32
          %dma_wait3A_1186 = arith.constant 0 : i32
          %dma_wait3A_1187 = tpu.memref_slice %arg29[%dma_wait3A_1185, %dma_wait3A_1186] : memref<10240x16xf32, #tpu.memory_space<vmem_shared>> -> memref<10240x16xf32, #tpu.memory_space<vmem_shared>>
          tpu.wait_indirect_dma semaphore(%arg31 : memref<!tpu.dma_semaphore, #tpu.memory_space<semaphore_mem>>) src(%dma_wait3A_1181 : memref<80x16xf32, #tpu.memory_space<vmem>>) dst(%dma_wait3A_1187 : memref<10240x16xf32, #tpu.memory_space<vmem_shared>>)
        } else {
        }
        %add3A_1143 = arith.constant 4 : i32
        %add3A_1144 = arith.addi %add3A_1131, %add3A_1143 : i32
        %sub3A_1145 = arith.constant 1 : i32
        %sub3A_1146 = arith.subi %add3A_1144, %sub3A_1145 : i32
        %lt3A_1147 = arith.constant 125 : i32
        %lt3A_1148 = arith.cmpi slt, %sub3A_1146, %lt3A_1147 : i32
        %convert_element_type3A_1149 = arith.extui %lt3A_1148 : i1 to i32
        %cond3A_1150 = arith.constant 0 : i32
        %cond3A_1151 = arith.cmpi ne, %convert_element_type3A_1149, %cond3A_1150 : i32
        scf.if %cond3A_1151 {
          %add3A_1176 = arith.constant 4 : i32
          %add3A_1177 = arith.addi %add3A_1131, %add3A_1176 : i32
          %sub3A_1178 = arith.constant 1 : i32
          %sub3A_1179 = arith.subi %add3A_1177, %sub3A_1178 : i32
          %dma_start3A_1180 = arith.constant 0 : i32
          %dma_start3A_1181 = arith.constant 0 : i32
          %dma_start3A_1182 = tpu.memref_slice %arg24[%rem3A_1138, %dma_start3A_1180, %dma_start3A_1181] : memref<4x80x16xf32, #tpu.memory_space<vmem>> -> memref<1x80x16xf32, #tpu.memory_space<vmem>>
          %dma_start3A_1183 = tpu.memref_squeeze %dma_start3A_1182 : memref<1x80x16xf32, #tpu.memory_space<vmem>> -> memref<80x16xf32, #tpu.memory_space<vmem>>
          %dma_start3A_1184 = arith.constant 0 : i32
          %dma_start3A_1185 = tpu.memref_slice %arg22[%sub3A_1179, %dma_start3A_1184] : memref<125x80xi32, #tpu.memory_space<vmem>> -> memref<1x80xi32, #tpu.memory_space<vmem>>
          %dma_start3A_1186 = tpu.memref_squeeze %dma_start3A_1185 : memref<1x80xi32, #tpu.memory_space<vmem>> -> memref<80xi32, #tpu.memory_space<vmem>>
          %dma_start3A_1187 = arith.constant 0 : i32
          %dma_start3A_1188 = arith.constant 0 : i32
          %dma_start3A_1189 = tpu.memref_slice %arg28[%dma_start3A_1187, %dma_start3A_1188] : memref<10240x16xf32, #tpu.memory_space<vmem_shared>> -> memref<10240x16xf32, #tpu.memory_space<vmem_shared>>
          tpu.enqueue_indirect_dma source(%dma_start3A_1189 : memref<10240x16xf32, #tpu.memory_space<vmem_shared>>) target(%dma_start3A_1183 : memref<80x16xf32, #tpu.memory_space<vmem>>) offsets(%dma_start3A_1186 : memref<80xi32, #tpu.memory_space<vmem>>) semaphore(%arg30 : memref<!tpu.dma_semaphore, #tpu.memory_space<semaphore_mem>>)
        } else {
        }
        %dma_wait3A_1152 = arith.constant 0 : i32
        %dma_wait3A_1153 = arith.constant 0 : i32
        %dma_wait3A_1154 = tpu.memref_slice %arg24[%rem3A_1133, %dma_wait3A_1152, %dma_wait3A_1153] : memref<4x80x16xf32, #tpu.memory_space<vmem>> -> memref<1x80x16xf32, #tpu.memory_space<vmem>>
        %dma_wait3A_1155 = tpu.memref_squeeze %dma_wait3A_1154 : memref<1x80x16xf32, #tpu.memory_space<vmem>> -> memref<80x16xf32, #tpu.memory_space<vmem>>
        %dma_wait3A_1156 = arith.constant 0 : i32
        %dma_wait3A_1157 = tpu.memref_slice %arg22[%add3A_1131, %dma_wait3A_1156] : memref<125x80xi32, #tpu.memory_space<vmem>> -> memref<1x80xi32, #tpu.memory_space<vmem>>
        %dma_wait3A_1158 = tpu.memref_squeeze %dma_wait3A_1157 : memref<1x80xi32, #tpu.memory_space<vmem>> -> memref<80xi32, #tpu.memory_space<vmem>>
        %dma_wait3A_1159 = arith.constant 0 : i32
        %dma_wait3A_1160 = arith.constant 0 : i32
        %dma_wait3A_1161 = tpu.memref_slice %arg28[%dma_wait3A_1159, %dma_wait3A_1160] : memref<10240x16xf32, #tpu.memory_space<vmem_shared>> -> memref<10240x16xf32, #tpu.memory_space<vmem_shared>>
        tpu.wait_indirect_dma semaphore(%arg30 : memref<!tpu.dma_semaphore, #tpu.memory_space<semaphore_mem>>) src(%dma_wait3A_1161 : memref<10240x16xf32, #tpu.memory_space<vmem_shared>>) dst(%dma_wait3A_1155 : memref<80x16xf32, #tpu.memory_space<vmem>>)
        %parallel_loop3A_1162 = arith.constant 0 : i32
        %parallel_loop3A_1163 = arith.constant 80 : i32
        %parallel_loop3A_1164 = arith.constant 1 : i32
        scf.for %parallel_loop3A_1176 = %parallel_loop3A_1162 to %parallel_loop3A_1163 step %parallel_loop3A_1164  : i32 {
          %parallel_loop3A_1177 = arith.constant 80 : i32
          %parallel_loop3A_1178 = arith.muli %scan3A_1127, %parallel_loop3A_1177 : i32
          %parallel_loop3A_1179 = arith.addi %parallel_loop3A_1178, %parallel_loop3A_1176 : i32
          %parallel_loop3A_1180 = vector.broadcast %parallel_loop3A_1179 : i32 to vector<16xi32>
          %parallel_loop3A_1181 = arith.addi %mul3A_1118, %parallel_loop3A_1180 : vector<16xi32>
          %parallel_loop3A_1182 = tpu.vector_load_idx %arg25[%parallel_loop3A_1181] : memref<64080xf32, #tpu.memory_space<vmem>>[vector<16xi32>], vector<16xf32>,
          %parallel_loop3A_1183 = arith.index_cast %rem3A_1133 : i32 to index
          %parallel_loop3A_1184 = arith.index_cast %parallel_loop3A_1176 : i32 to index
          %parallel_loop3A_1185 = arith.constant 0 : index
          %parallel_loop3A_1186 = tpu.vector_load %arg24[%parallel_loop3A_1183, %parallel_loop3A_1184, %parallel_loop3A_1185] {strides = array<i32>} : memref<4x80x16xf32, #tpu.memory_space<vmem>>, vector<16xf32>,
          %parallel_loop3A_1187 = arith.addf %parallel_loop3A_1186, %parallel_loop3A_1182 : vector<16xf32>
          %parallel_loop3A_1188 = arith.constant 0.000000e+00 : f32
          %parallel_loop3A_1189 = vector.broadcast %parallel_loop3A_1188 : f32 to vector<16xf32>
          %parallel_loop3A_1190 = arith.maximumf %parallel_loop3A_1187, %parallel_loop3A_1189 : vector<16xf32>
          %parallel_loop3A_1191 = arith.index_cast %rem3A_1133 : i32 to index
          %parallel_loop3A_1192 = arith.index_cast %parallel_loop3A_1176 : i32 to index
          %parallel_loop3A_1193 = arith.constant 0 : index
          %parallel_loop3A_1194 = tpu.vector_load %arg24[%parallel_loop3A_1191, %parallel_loop3A_1192, %parallel_loop3A_1193] {strides = array<i32>} : memref<4x80x16xf32, #tpu.memory_space<vmem>>, vector<16xf32>,
          tpu.vector_store %arg24[%parallel_loop3A_1191, %parallel_loop3A_1192, %parallel_loop3A_1193], %parallel_loop3A_1190 {strides = array<i32>} : memref<4x80x16xf32, #tpu.memory_space<vmem>>, vector<16xf32>,
        } {sc.loop_unroll_factor = 8 : i64, sc.parallel_access}
        %dma_start3A_1165 = arith.constant 0 : i32
        %dma_start3A_1166 = arith.constant 0 : i32
        %dma_start3A_1167 = tpu.memref_slice %arg24[%rem3A_1133, %dma_start3A_1165, %dma_start3A_1166] : memref<4x80x16xf32, #tpu.memory_space<vmem>> -> memref<1x80x16xf32, #tpu.memory_space<vmem>>
        %dma_start3A_1168 = tpu.memref_squeeze %dma_start3A_1167 : memref<1x80x16xf32, #tpu.memory_space<vmem>> -> memref<80x16xf32, #tpu.memory_space<vmem>>
        %dma_start3A_1169 = arith.constant 0 : i32
        %dma_start3A_1170 = tpu.memref_slice %arg23[%add3A_1131, %dma_start3A_1169] : memref<125x80xi32, #tpu.memory_space<vmem>> -> memref<1x80xi32, #tpu.memory_space<vmem>>
        %dma_start3A_1171 = tpu.memref_squeeze %dma_start3A_1170 : memref<1x80xi32, #tpu.memory_space<vmem>> -> memref<80xi32, #tpu.memory_space<vmem>>
        %dma_start3A_1172 = arith.constant 0 : i32
        %dma_start3A_1173 = arith.constant 0 : i32
        %dma_start3A_1174 = tpu.memref_slice %arg29[%dma_start3A_1172, %dma_start3A_1173] : memref<10240x16xf32, #tpu.memory_space<vmem_shared>> -> memref<10240x16xf32, #tpu.memory_space<vmem_shared>>
        tpu.enqueue_indirect_dma source(%dma_start3A_1168 : memref<80x16xf32, #tpu.memory_space<vmem>>) target(%dma_start3A_1174 : memref<10240x16xf32, #tpu.memory_space<vmem_shared>>) offsets(%dma_start3A_1171 : memref<80xi32, #tpu.memory_space<vmem>>) semaphore(%arg31 : memref<!tpu.dma_semaphore, #tpu.memory_space<semaphore_mem>>) {add = true}
        %scan3A_1175 = arith.constant 0 : i32
        scf.yield %scan3A_1175 : i32
      }
      %scan3A_1125 = arith.constant 25 : i32
      %scan3A_1126 = arith.constant 0 : i32
      scf.yield %scan3A_1126 : i32
    }
    %scan3A_440 = arith.constant 5 : i32
    %dma_wait3A_441 = arith.constant 2 : i32
    %dma_wait3A_442 = arith.constant 122 : i32
    %dma_wait3A_443 = arith.constant 0 : i32
    %dma_wait3A_444 = arith.constant 0 : i32
    %dma_wait3A_445 = tpu.memref_slice %arg24[%dma_wait3A_441, %dma_wait3A_443, %dma_wait3A_444] : memref<4x80x16xf32, #tpu.memory_space<vmem>> -> memref<1x80x16xf32, #tpu.memory_space<vmem>>
    %dma_wait3A_446 = tpu.memref_squeeze %dma_wait3A_445 : memref<1x80x16xf32, #tpu.memory_space<vmem>> -> memref<80x16xf32, #tpu.memory_space<vmem>>
    %dma_wait3A_447 = arith.constant 0 : i32
    %dma_wait3A_448 = tpu.memref_slice %arg23[%dma_wait3A_442, %dma_wait3A_447] : memref<125x80xi32, #tpu.memory_space<vmem>> -> memref<1x80xi32, #tpu.memory_space<vmem>>
    %dma_wait3A_449 = tpu.memref_squeeze %dma_wait3A_448 : memref<1x80xi32, #tpu.memory_space<vmem>> -> memref<80xi32, #tpu.memory_space<vmem>>
    %dma_wait3A_450 = arith.constant 0 : i32
    %dma_wait3A_451 = arith.constant 0 : i32
    %dma_wait3A_452 = tpu.memref_slice %arg29[%dma_wait3A_450, %dma_wait3A_451] : memref<10240x16xf32, #tpu.memory_space<vmem_shared>> -> memref<10240x16xf32, #tpu.memory_space<vmem_shared>>
    tpu.wait_indirect_dma semaphore(%arg31 : memref<!tpu.dma_semaphore, #tpu.memory_space<semaphore_mem>>) src(%dma_wait3A_446 : memref<80x16xf32, #tpu.memory_space<vmem>>) dst(%dma_wait3A_452 : memref<10240x16xf32, #tpu.memory_space<vmem_shared>>)
    %dma_wait3A_453 = arith.constant 3 : i32
    %dma_wait3A_454 = arith.constant 123 : i32
    %dma_wait3A_455 = arith.constant 0 : i32
    %dma_wait3A_456 = arith.constant 0 : i32
    %dma_wait3A_457 = tpu.memref_slice %arg24[%dma_wait3A_453, %dma_wait3A_455, %dma_wait3A_456] : memref<4x80x16xf32, #tpu.memory_space<vmem>> -> memref<1x80x16xf32, #tpu.memory_space<vmem>>
    %dma_wait3A_458 = tpu.memref_squeeze %dma_wait3A_457 : memref<1x80x16xf32, #tpu.memory_space<vmem>> -> memref<80x16xf32, #tpu.memory_space<vmem>>
    %dma_wait3A_459 = arith.constant 0 : i32
    %dma_wait3A_460 = tpu.memref_slice %arg23[%dma_wait3A_454, %dma_wait3A_459] : memref<125x80xi32, #tpu.memory_space<vmem>> -> memref<1x80xi32, #tpu.memory_space<vmem>>
    %dma_wait3A_461 = tpu.memref_squeeze %dma_wait3A_460 : memref<1x80xi32, #tpu.memory_space<vmem>> -> memref<80xi32, #tpu.memory_space<vmem>>
    %dma_wait3A_462 = arith.constant 0 : i32
    %dma_wait3A_463 = arith.constant 0 : i32
    %dma_wait3A_464 = tpu.memref_slice %arg29[%dma_wait3A_462, %dma_wait3A_463] : memref<10240x16xf32, #tpu.memory_space<vmem_shared>> -> memref<10240x16xf32, #tpu.memory_space<vmem_shared>>
    tpu.wait_indirect_dma semaphore(%arg31 : memref<!tpu.dma_semaphore, #tpu.memory_space<semaphore_mem>>) src(%dma_wait3A_458 : memref<80x16xf32, #tpu.memory_space<vmem>>) dst(%dma_wait3A_464 : memref<10240x16xf32, #tpu.memory_space<vmem_shared>>)
    %dma_wait3A_465 = arith.constant 0 : i32
    %dma_wait3A_466 = arith.constant 124 : i32
    %dma_wait3A_467 = arith.constant 0 : i32
    %dma_wait3A_468 = arith.constant 0 : i32
    %dma_wait3A_469 = tpu.memref_slice %arg24[%dma_wait3A_465, %dma_wait3A_467, %dma_wait3A_468] : memref<4x80x16xf32, #tpu.memory_space<vmem>> -> memref<1x80x16xf32, #tpu.memory_space<vmem>>
    %dma_wait3A_470 = tpu.memref_squeeze %dma_wait3A_469 : memref<1x80x16xf32, #tpu.memory_space<vmem>> -> memref<80x16xf32, #tpu.memory_space<vmem>>
    %dma_wait3A_471 = arith.constant 0 : i32
    %dma_wait3A_472 = tpu.memref_slice %arg23[%dma_wait3A_466, %dma_wait3A_471] : memref<125x80xi32, #tpu.memory_space<vmem>> -> memref<1x80xi32, #tpu.memory_space<vmem>>
    %dma_wait3A_473 = tpu.memref_squeeze %dma_wait3A_472 : memref<1x80xi32, #tpu.memory_space<vmem>> -> memref<80xi32, #tpu.memory_space<vmem>>
    %dma_wait3A_474 = arith.constant 0 : i32
    %dma_wait3A_475 = arith.constant 0 : i32
    %dma_wait3A_476 = tpu.memref_slice %arg29[%dma_wait3A_474, %dma_wait3A_475] : memref<10240x16xf32, #tpu.memory_space<vmem_shared>> -> memref<10240x16xf32, #tpu.memory_space<vmem_shared>>
    tpu.wait_indirect_dma semaphore(%arg31 : memref<!tpu.dma_semaphore, #tpu.memory_space<semaphore_mem>>) src(%dma_wait3A_470 : memref<80x16xf32, #tpu.memory_space<vmem>>) dst(%dma_wait3A_476 : memref<10240x16xf32, #tpu.memory_space<vmem_shared>>)
    %barrier3A_477 = arith.constant 0 : index
    tpu.barrier barrier_id(%barrier3A_477)
    "tpu.region"() ({
      %run_scoped3A = tpu.sem_alloc : memref<!tpu.dma_semaphore, #tpu.memory_space<semaphore_mem>>
      %dma_start3A_897 = arith.constant 0 : i32
      %dma_start3A_898 = tpu.memref_slice %arg29[%mul3A_2, %dma_start3A_897] : memref<10240x16xf32, #tpu.memory_space<vmem_shared>> -> memref<640x16xf32, #tpu.memory_space<vmem_shared>>
      %dma_start3A_899 = arith.constant 0 : i32
      %dma_start3A_900 = tpu.memref_slice %arg29[%mul3A_2, %dma_start3A_899] : memref<10240x16xf32, #tpu.memory_space<vmem_shared>> -> memref<640x16xf32, #tpu.memory_space<vmem_shared>>
      tpu.enqueue_dma source(%dma_start3A_900 : memref<640x16xf32, #tpu.memory_space<vmem_shared>>) target(%arg27 : memref<640x16xf32, #tpu.memory_space<vmem>>) target_semaphore(%run_scoped3A : memref<!tpu.dma_semaphore, #tpu.memory_space<semaphore_mem>>)
      %dma_wait3A_901 = arith.constant 0 : i32
      %dma_wait3A_902 = tpu.memref_slice %arg29[%mul3A_2, %dma_wait3A_901] : memref<10240x16xf32, #tpu.memory_space<vmem_shared>> -> memref<640x16xf32, #tpu.memory_space<vmem_shared>>
      %dma_wait3A_903 = arith.constant 0 : i32
      %dma_wait3A_904 = tpu.memref_slice %arg29[%mul3A_2, %dma_wait3A_903] : memref<10240x16xf32, #tpu.memory_space<vmem_shared>> -> memref<640x16xf32, #tpu.memory_space<vmem_shared>>
      tpu.wait_dma2 semaphore(%run_scoped3A : memref<!tpu.dma_semaphore, #tpu.memory_space<semaphore_mem>>) src(%dma_wait3A_904 : memref<640x16xf32, #tpu.memory_space<vmem_shared>>) dst(%arg27 : memref<640x16xf32, #tpu.memory_space<vmem>>)
      tpu.yield
    }) : () -> ()
    %parallel_loop3A_478 = arith.constant 0 : i32
    %parallel_loop3A_479 = arith.constant 640 : i32
    %parallel_loop3A_480 = arith.constant 1 : i32
    scf.for %parallel_loop3A_897 = %parallel_loop3A_478 to %parallel_loop3A_479 step %parallel_loop3A_480  : i32 {
      %parallel_loop3A_898 = vector.broadcast %parallel_loop3A_897 : i32 to vector<16xi32>
      %parallel_loop3A_899 = arith.addi %mul3A_259, %parallel_loop3A_898 : vector<16xi32>
      %parallel_loop3A_900 = arith.index_cast %parallel_loop3A_897 : i32 to index
      %parallel_loop3A_901 = arith.constant 0 : index
      %parallel_loop3A_902 = tpu.vector_load %arg27[%parallel_loop3A_900, %parallel_loop3A_901] {strides = array<i32>} : memref<640x16xf32, #tpu.memory_space<vmem>>, vector<16xf32>,
      tpu.vector_store_idx %arg26[%parallel_loop3A_899], %parallel_loop3A_902 : memref<10240xf32, #tpu.memory_space<vmem>>[vector<16xi32>], vector<16xf32>,
    } {sc.loop_unroll_factor = 8 : i64, sc.parallel_access}
    %mul3A_481 = arith.constant 16 : i32
    %mul3A_482 = arith.muli %arg0, %mul3A_481 : i32
    %add3A_483 = arith.constant 0 : i32
    %add3A_484 = arith.addi %mul3A_482, %add3A_483 : i32
    %mul3A_485 = arith.constant 10240 : i32
    %mul3A_486 = arith.muli %add3A_484, %mul3A_485 : i32
    %add3A_487 = arith.addi %mul3A_486, %mul3A_2 : i32
    %dma_start3A_488 = arith.constant 0 : i32
    %dma_start3A_489 = tpu.memref_slice %arg26[%dma_start3A_488] : memref<10240xf32, #tpu.memory_space<vmem>> -> memref<640xf32, #tpu.memory_space<vmem>>
    %dma_start3A_490 = tpu.memref_slice %arg21[%add3A_487] : memref<327680xf32, #tpu.memory_space<hbm>> -> memref<640xf32, #tpu.memory_space<hbm>>
    %dma_start3A_491 = tpu.memref_slice %arg21[%add3A_487] : memref<327680xf32, #tpu.memory_space<hbm>> -> memref<640xf32, #tpu.memory_space<hbm>>
    %dma_start3A_492 = arith.constant 0 : i32
    %dma_start3A_493 = tpu.memref_slice %arg26[%dma_start3A_492] : memref<10240xf32, #tpu.memory_space<vmem>> -> memref<640xf32, #tpu.memory_space<vmem>>
    tpu.enqueue_dma source(%dma_start3A_493 : memref<640xf32, #tpu.memory_space<vmem>>) target(%dma_start3A_491 : memref<640xf32, #tpu.memory_space<hbm>>) target_semaphore(%arg32 : memref<!tpu.dma_semaphore, #tpu.memory_space<semaphore_mem>>)
    %mul3A_494 = arith.constant 16 : i32
    %mul3A_495 = arith.muli %arg0, %mul3A_494 : i32
    %add3A_496 = arith.constant 1 : i32
    %add3A_497 = arith.addi %mul3A_495, %add3A_496 : i32
    %mul3A_498 = arith.constant 10240 : i32
    %mul3A_499 = arith.muli %add3A_497, %mul3A_498 : i32
    %add3A_500 = arith.addi %mul3A_499, %mul3A_2 : i32
    %dma_start3A_501 = arith.constant 640 : i32
    %dma_start3A_502 = tpu.memref_slice %arg26[%dma_start3A_501] : memref<10240xf32, #tpu.memory_space<vmem>> -> memref<640xf32, #tpu.memory_space<vmem>>
    %dma_start3A_503 = tpu.memref_slice %arg21[%add3A_500] : memref<327680xf32, #tpu.memory_space<hbm>> -> memref<640xf32, #tpu.memory_space<hbm>>
    %dma_start3A_504 = tpu.memref_slice %arg21[%add3A_500] : memref<327680xf32, #tpu.memory_space<hbm>> -> memref<640xf32, #tpu.memory_space<hbm>>
    %dma_start3A_505 = arith.constant 640 : i32
    %dma_start3A_506 = tpu.memref_slice %arg26[%dma_start3A_505] : memref<10240xf32, #tpu.memory_space<vmem>> -> memref<640xf32, #tpu.memory_space<vmem>>
    tpu.enqueue_dma source(%dma_start3A_506 : memref<640xf32, #tpu.memory_space<vmem>>) target(%dma_start3A_504 : memref<640xf32, #tpu.memory_space<hbm>>) target_semaphore(%arg32 : memref<!tpu.dma_semaphore, #tpu.memory_space<semaphore_mem>>)
    %mul3A_507 = arith.constant 16 : i32
    %mul3A_508 = arith.muli %arg0, %mul3A_507 : i32
    %add3A_509 = arith.constant 2 : i32
    %add3A_510 = arith.addi %mul3A_508, %add3A_509 : i32
    %mul3A_511 = arith.constant 10240 : i32
    %mul3A_512 = arith.muli %add3A_510, %mul3A_511 : i32
    %add3A_513 = arith.addi %mul3A_512, %mul3A_2 : i32
    %dma_start3A_514 = arith.constant 1280 : i32
    %dma_start3A_515 = tpu.memref_slice %arg26[%dma_start3A_514] : memref<10240xf32, #tpu.memory_space<vmem>> -> memref<640xf32, #tpu.memory_space<vmem>>
    %dma_start3A_516 = tpu.memref_slice %arg21[%add3A_513] : memref<327680xf32, #tpu.memory_space<hbm>> -> memref<640xf32, #tpu.memory_space<hbm>>
    %dma_start3A_517 = tpu.memref_slice %arg21[%add3A_513] : memref<327680xf32, #tpu.memory_space<hbm>> -> memref<640xf32, #tpu.memory_space<hbm>>
    %dma_start3A_518 = arith.constant 1280 : i32
    %dma_start3A_519 = tpu.memref_slice %arg26[%dma_start3A_518] : memref<10240xf32, #tpu.memory_space<vmem>> -> memref<640xf32, #tpu.memory_space<vmem>>
    tpu.enqueue_dma source(%dma_start3A_519 : memref<640xf32, #tpu.memory_space<vmem>>) target(%dma_start3A_517 : memref<640xf32, #tpu.memory_space<hbm>>) target_semaphore(%arg32 : memref<!tpu.dma_semaphore, #tpu.memory_space<semaphore_mem>>)
    %mul3A_520 = arith.constant 16 : i32
    %mul3A_521 = arith.muli %arg0, %mul3A_520 : i32
    %add3A_522 = arith.constant 3 : i32
    %add3A_523 = arith.addi %mul3A_521, %add3A_522 : i32
    %mul3A_524 = arith.constant 10240 : i32
    %mul3A_525 = arith.muli %add3A_523, %mul3A_524 : i32
    %add3A_526 = arith.addi %mul3A_525, %mul3A_2 : i32
    %dma_start3A_527 = arith.constant 1920 : i32
    %dma_start3A_528 = tpu.memref_slice %arg26[%dma_start3A_527] : memref<10240xf32, #tpu.memory_space<vmem>> -> memref<640xf32, #tpu.memory_space<vmem>>
    %dma_start3A_529 = tpu.memref_slice %arg21[%add3A_526] : memref<327680xf32, #tpu.memory_space<hbm>> -> memref<640xf32, #tpu.memory_space<hbm>>
    %dma_start3A_530 = tpu.memref_slice %arg21[%add3A_526] : memref<327680xf32, #tpu.memory_space<hbm>> -> memref<640xf32, #tpu.memory_space<hbm>>
    %dma_start3A_531 = arith.constant 1920 : i32
    %dma_start3A_532 = tpu.memref_slice %arg26[%dma_start3A_531] : memref<10240xf32, #tpu.memory_space<vmem>> -> memref<640xf32, #tpu.memory_space<vmem>>
    tpu.enqueue_dma source(%dma_start3A_532 : memref<640xf32, #tpu.memory_space<vmem>>) target(%dma_start3A_530 : memref<640xf32, #tpu.memory_space<hbm>>) target_semaphore(%arg32 : memref<!tpu.dma_semaphore, #tpu.memory_space<semaphore_mem>>)
    %mul3A_533 = arith.constant 16 : i32
    %mul3A_534 = arith.muli %arg0, %mul3A_533 : i32
    %add3A_535 = arith.constant 4 : i32
    %add3A_536 = arith.addi %mul3A_534, %add3A_535 : i32
    %mul3A_537 = arith.constant 10240 : i32
    %mul3A_538 = arith.muli %add3A_536, %mul3A_537 : i32
    %add3A_539 = arith.addi %mul3A_538, %mul3A_2 : i32
    %dma_start3A_540 = arith.constant 2560 : i32
    %dma_start3A_541 = tpu.memref_slice %arg26[%dma_start3A_540] : memref<10240xf32, #tpu.memory_space<vmem>> -> memref<640xf32, #tpu.memory_space<vmem>>
    %dma_start3A_542 = tpu.memref_slice %arg21[%add3A_539] : memref<327680xf32, #tpu.memory_space<hbm>> -> memref<640xf32, #tpu.memory_space<hbm>>
    %dma_start3A_543 = tpu.memref_slice %arg21[%add3A_539] : memref<327680xf32, #tpu.memory_space<hbm>> -> memref<640xf32, #tpu.memory_space<hbm>>
    %dma_start3A_544 = arith.constant 2560 : i32
    %dma_start3A_545 = tpu.memref_slice %arg26[%dma_start3A_544] : memref<10240xf32, #tpu.memory_space<vmem>> -> memref<640xf32, #tpu.memory_space<vmem>>
    tpu.enqueue_dma source(%dma_start3A_545 : memref<640xf32, #tpu.memory_space<vmem>>) target(%dma_start3A_543 : memref<640xf32, #tpu.memory_space<hbm>>) target_semaphore(%arg32 : memref<!tpu.dma_semaphore, #tpu.memory_space<semaphore_mem>>)
    %mul3A_546 = arith.constant 16 : i32
    %mul3A_547 = arith.muli %arg0, %mul3A_546 : i32
    %add3A_548 = arith.constant 5 : i32
    %add3A_549 = arith.addi %mul3A_547, %add3A_548 : i32
    %mul3A_550 = arith.constant 10240 : i32
    %mul3A_551 = arith.muli %add3A_549, %mul3A_550 : i32
    %add3A_552 = arith.addi %mul3A_551, %mul3A_2 : i32
    %dma_start3A_553 = arith.constant 3200 : i32
    %dma_start3A_554 = tpu.memref_slice %arg26[%dma_start3A_553] : memref<10240xf32, #tpu.memory_space<vmem>> -> memref<640xf32, #tpu.memory_space<vmem>>
    %dma_start3A_555 = tpu.memref_slice %arg21[%add3A_552] : memref<327680xf32, #tpu.memory_space<hbm>> -> memref<640xf32, #tpu.memory_space<hbm>>
    %dma_start3A_556 = tpu.memref_slice %arg21[%add3A_552] : memref<327680xf32, #tpu.memory_space<hbm>> -> memref<640xf32, #tpu.memory_space<hbm>>
    %dma_start3A_557 = arith.constant 3200 : i32
    %dma_start3A_558 = tpu.memref_slice %arg26[%dma_start3A_557] : memref<10240xf32, #tpu.memory_space<vmem>> -> memref<640xf32, #tpu.memory_space<vmem>>
    tpu.enqueue_dma source(%dma_start3A_558 : memref<640xf32, #tpu.memory_space<vmem>>) target(%dma_start3A_556 : memref<640xf32, #tpu.memory_space<hbm>>) target_semaphore(%arg32 : memref<!tpu.dma_semaphore, #tpu.memory_space<semaphore_mem>>)
    %mul3A_559 = arith.constant 16 : i32
    %mul3A_560 = arith.muli %arg0, %mul3A_559 : i32
    %add3A_561 = arith.constant 6 : i32
    %add3A_562 = arith.addi %mul3A_560, %add3A_561 : i32
    %mul3A_563 = arith.constant 10240 : i32
    %mul3A_564 = arith.muli %add3A_562, %mul3A_563 : i32
    %add3A_565 = arith.addi %mul3A_564, %mul3A_2 : i32
    %dma_start3A_566 = arith.constant 3840 : i32
    %dma_start3A_567 = tpu.memref_slice %arg26[%dma_start3A_566] : memref<10240xf32, #tpu.memory_space<vmem>> -> memref<640xf32, #tpu.memory_space<vmem>>
    %dma_start3A_568 = tpu.memref_slice %arg21[%add3A_565] : memref<327680xf32, #tpu.memory_space<hbm>> -> memref<640xf32, #tpu.memory_space<hbm>>
    %dma_start3A_569 = tpu.memref_slice %arg21[%add3A_565] : memref<327680xf32, #tpu.memory_space<hbm>> -> memref<640xf32, #tpu.memory_space<hbm>>
    %dma_start3A_570 = arith.constant 3840 : i32
    %dma_start3A_571 = tpu.memref_slice %arg26[%dma_start3A_570] : memref<10240xf32, #tpu.memory_space<vmem>> -> memref<640xf32, #tpu.memory_space<vmem>>
    tpu.enqueue_dma source(%dma_start3A_571 : memref<640xf32, #tpu.memory_space<vmem>>) target(%dma_start3A_569 : memref<640xf32, #tpu.memory_space<hbm>>) target_semaphore(%arg32 : memref<!tpu.dma_semaphore, #tpu.memory_space<semaphore_mem>>)
    %mul3A_572 = arith.constant 16 : i32
    %mul3A_573 = arith.muli %arg0, %mul3A_572 : i32
    %add3A_574 = arith.constant 7 : i32
    %add3A_575 = arith.addi %mul3A_573, %add3A_574 : i32
    %mul3A_576 = arith.constant 10240 : i32
    %mul3A_577 = arith.muli %add3A_575, %mul3A_576 : i32
    %add3A_578 = arith.addi %mul3A_577, %mul3A_2 : i32
    %dma_start3A_579 = arith.constant 4480 : i32
    %dma_start3A_580 = tpu.memref_slice %arg26[%dma_start3A_579] : memref<10240xf32, #tpu.memory_space<vmem>> -> memref<640xf32, #tpu.memory_space<vmem>>
    %dma_start3A_581 = tpu.memref_slice %arg21[%add3A_578] : memref<327680xf32, #tpu.memory_space<hbm>> -> memref<640xf32, #tpu.memory_space<hbm>>
    %dma_start3A_582 = tpu.memref_slice %arg21[%add3A_578] : memref<327680xf32, #tpu.memory_space<hbm>> -> memref<640xf32, #tpu.memory_space<hbm>>
    %dma_start3A_583 = arith.constant 4480 : i32
    %dma_start3A_584 = tpu.memref_slice %arg26[%dma_start3A_583] : memref<10240xf32, #tpu.memory_space<vmem>> -> memref<640xf32, #tpu.memory_space<vmem>>
    tpu.enqueue_dma source(%dma_start3A_584 : memref<640xf32, #tpu.memory_space<vmem>>) target(%dma_start3A_582 : memref<640xf32, #tpu.memory_space<hbm>>) target_semaphore(%arg32 : memref<!tpu.dma_semaphore, #tpu.memory_space<semaphore_mem>>)
    %mul3A_585 = arith.constant 16 : i32
    %mul3A_586 = arith.muli %arg0, %mul3A_585 : i32
    %add3A_587 = arith.constant 8 : i32
    %add3A_588 = arith.addi %mul3A_586, %add3A_587 : i32
    %mul3A_589 = arith.constant 10240 : i32
    %mul3A_590 = arith.muli %add3A_588, %mul3A_589 : i32
    %add3A_591 = arith.addi %mul3A_590, %mul3A_2 : i32
    %dma_start3A_592 = arith.constant 5120 : i32
    %dma_start3A_593 = tpu.memref_slice %arg26[%dma_start3A_592] : memref<10240xf32, #tpu.memory_space<vmem>> -> memref<640xf32, #tpu.memory_space<vmem>>
    %dma_start3A_594 = tpu.memref_slice %arg21[%add3A_591] : memref<327680xf32, #tpu.memory_space<hbm>> -> memref<640xf32, #tpu.memory_space<hbm>>
    %dma_start3A_595 = tpu.memref_slice %arg21[%add3A_591] : memref<327680xf32, #tpu.memory_space<hbm>> -> memref<640xf32, #tpu.memory_space<hbm>>
    %dma_start3A_596 = arith.constant 5120 : i32
    %dma_start3A_597 = tpu.memref_slice %arg26[%dma_start3A_596] : memref<10240xf32, #tpu.memory_space<vmem>> -> memref<640xf32, #tpu.memory_space<vmem>>
    tpu.enqueue_dma source(%dma_start3A_597 : memref<640xf32, #tpu.memory_space<vmem>>) target(%dma_start3A_595 : memref<640xf32, #tpu.memory_space<hbm>>) target_semaphore(%arg32 : memref<!tpu.dma_semaphore, #tpu.memory_space<semaphore_mem>>)
    %mul3A_598 = arith.constant 16 : i32
    %mul3A_599 = arith.muli %arg0, %mul3A_598 : i32
    %add3A_600 = arith.constant 9 : i32
    %add3A_601 = arith.addi %mul3A_599, %add3A_600 : i32
    %mul3A_602 = arith.constant 10240 : i32
    %mul3A_603 = arith.muli %add3A_601, %mul3A_602 : i32
    %add3A_604 = arith.addi %mul3A_603, %mul3A_2 : i32
    %dma_start3A_605 = arith.constant 5760 : i32
    %dma_start3A_606 = tpu.memref_slice %arg26[%dma_start3A_605] : memref<10240xf32, #tpu.memory_space<vmem>> -> memref<640xf32, #tpu.memory_space<vmem>>
    %dma_start3A_607 = tpu.memref_slice %arg21[%add3A_604] : memref<327680xf32, #tpu.memory_space<hbm>> -> memref<640xf32, #tpu.memory_space<hbm>>
    %dma_start3A_608 = tpu.memref_slice %arg21[%add3A_604] : memref<327680xf32, #tpu.memory_space<hbm>> -> memref<640xf32, #tpu.memory_space<hbm>>
    %dma_start3A_609 = arith.constant 5760 : i32
    %dma_start3A_610 = tpu.memref_slice %arg26[%dma_start3A_609] : memref<10240xf32, #tpu.memory_space<vmem>> -> memref<640xf32, #tpu.memory_space<vmem>>
    tpu.enqueue_dma source(%dma_start3A_610 : memref<640xf32, #tpu.memory_space<vmem>>) target(%dma_start3A_608 : memref<640xf32, #tpu.memory_space<hbm>>) target_semaphore(%arg32 : memref<!tpu.dma_semaphore, #tpu.memory_space<semaphore_mem>>)
    %mul3A_611 = arith.constant 16 : i32
    %mul3A_612 = arith.muli %arg0, %mul3A_611 : i32
    %add3A_613 = arith.constant 10 : i32
    %add3A_614 = arith.addi %mul3A_612, %add3A_613 : i32
    %mul3A_615 = arith.constant 10240 : i32
    %mul3A_616 = arith.muli %add3A_614, %mul3A_615 : i32
    %add3A_617 = arith.addi %mul3A_616, %mul3A_2 : i32
    %dma_start3A_618 = arith.constant 6400 : i32
    %dma_start3A_619 = tpu.memref_slice %arg26[%dma_start3A_618] : memref<10240xf32, #tpu.memory_space<vmem>> -> memref<640xf32, #tpu.memory_space<vmem>>
    %dma_start3A_620 = tpu.memref_slice %arg21[%add3A_617] : memref<327680xf32, #tpu.memory_space<hbm>> -> memref<640xf32, #tpu.memory_space<hbm>>
    %dma_start3A_621 = tpu.memref_slice %arg21[%add3A_617] : memref<327680xf32, #tpu.memory_space<hbm>> -> memref<640xf32, #tpu.memory_space<hbm>>
    %dma_start3A_622 = arith.constant 6400 : i32
    %dma_start3A_623 = tpu.memref_slice %arg26[%dma_start3A_622] : memref<10240xf32, #tpu.memory_space<vmem>> -> memref<640xf32, #tpu.memory_space<vmem>>
    tpu.enqueue_dma source(%dma_start3A_623 : memref<640xf32, #tpu.memory_space<vmem>>) target(%dma_start3A_621 : memref<640xf32, #tpu.memory_space<hbm>>) target_semaphore(%arg32 : memref<!tpu.dma_semaphore, #tpu.memory_space<semaphore_mem>>)
    %mul3A_624 = arith.constant 16 : i32
    %mul3A_625 = arith.muli %arg0, %mul3A_624 : i32
    %add3A_626 = arith.constant 11 : i32
    %add3A_627 = arith.addi %mul3A_625, %add3A_626 : i32
    %mul3A_628 = arith.constant 10240 : i32
    %mul3A_629 = arith.muli %add3A_627, %mul3A_628 : i32
    %add3A_630 = arith.addi %mul3A_629, %mul3A_2 : i32
    %dma_start3A_631 = arith.constant 7040 : i32
    %dma_start3A_632 = tpu.memref_slice %arg26[%dma_start3A_631] : memref<10240xf32, #tpu.memory_space<vmem>> -> memref<640xf32, #tpu.memory_space<vmem>>
    %dma_start3A_633 = tpu.memref_slice %arg21[%add3A_630] : memref<327680xf32, #tpu.memory_space<hbm>> -> memref<640xf32, #tpu.memory_space<hbm>>
    %dma_start3A_634 = tpu.memref_slice %arg21[%add3A_630] : memref<327680xf32, #tpu.memory_space<hbm>> -> memref<640xf32, #tpu.memory_space<hbm>>
    %dma_start3A_635 = arith.constant 7040 : i32
    %dma_start3A_636 = tpu.memref_slice %arg26[%dma_start3A_635] : memref<10240xf32, #tpu.memory_space<vmem>> -> memref<640xf32, #tpu.memory_space<vmem>>
    tpu.enqueue_dma source(%dma_start3A_636 : memref<640xf32, #tpu.memory_space<vmem>>) target(%dma_start3A_634 : memref<640xf32, #tpu.memory_space<hbm>>) target_semaphore(%arg32 : memref<!tpu.dma_semaphore, #tpu.memory_space<semaphore_mem>>)
    %mul3A_637 = arith.constant 16 : i32
    %mul3A_638 = arith.muli %arg0, %mul3A_637 : i32
    %add3A_639 = arith.constant 12 : i32
    %add3A_640 = arith.addi %mul3A_638, %add3A_639 : i32
    %mul3A_641 = arith.constant 10240 : i32
    %mul3A_642 = arith.muli %add3A_640, %mul3A_641 : i32
    %add3A_643 = arith.addi %mul3A_642, %mul3A_2 : i32
    %dma_start3A_644 = arith.constant 7680 : i32
    %dma_start3A_645 = tpu.memref_slice %arg26[%dma_start3A_644] : memref<10240xf32, #tpu.memory_space<vmem>> -> memref<640xf32, #tpu.memory_space<vmem>>
    %dma_start3A_646 = tpu.memref_slice %arg21[%add3A_643] : memref<327680xf32, #tpu.memory_space<hbm>> -> memref<640xf32, #tpu.memory_space<hbm>>
    %dma_start3A_647 = tpu.memref_slice %arg21[%add3A_643] : memref<327680xf32, #tpu.memory_space<hbm>> -> memref<640xf32, #tpu.memory_space<hbm>>
    %dma_start3A_648 = arith.constant 7680 : i32
    %dma_start3A_649 = tpu.memref_slice %arg26[%dma_start3A_648] : memref<10240xf32, #tpu.memory_space<vmem>> -> memref<640xf32, #tpu.memory_space<vmem>>
    tpu.enqueue_dma source(%dma_start3A_649 : memref<640xf32, #tpu.memory_space<vmem>>) target(%dma_start3A_647 : memref<640xf32, #tpu.memory_space<hbm>>) target_semaphore(%arg32 : memref<!tpu.dma_semaphore, #tpu.memory_space<semaphore_mem>>)
    %mul3A_650 = arith.constant 16 : i32
    %mul3A_651 = arith.muli %arg0, %mul3A_650 : i32
    %add3A_652 = arith.constant 13 : i32
    %add3A_653 = arith.addi %mul3A_651, %add3A_652 : i32
    %mul3A_654 = arith.constant 10240 : i32
    %mul3A_655 = arith.muli %add3A_653, %mul3A_654 : i32
    %add3A_656 = arith.addi %mul3A_655, %mul3A_2 : i32
    %dma_start3A_657 = arith.constant 8320 : i32
    %dma_start3A_658 = tpu.memref_slice %arg26[%dma_start3A_657] : memref<10240xf32, #tpu.memory_space<vmem>> -> memref<640xf32, #tpu.memory_space<vmem>>
    %dma_start3A_659 = tpu.memref_slice %arg21[%add3A_656] : memref<327680xf32, #tpu.memory_space<hbm>> -> memref<640xf32, #tpu.memory_space<hbm>>
    %dma_start3A_660 = tpu.memref_slice %arg21[%add3A_656] : memref<327680xf32, #tpu.memory_space<hbm>> -> memref<640xf32, #tpu.memory_space<hbm>>
    %dma_start3A_661 = arith.constant 8320 : i32
    %dma_start3A_662 = tpu.memref_slice %arg26[%dma_start3A_661] : memref<10240xf32, #tpu.memory_space<vmem>> -> memref<640xf32, #tpu.memory_space<vmem>>
    tpu.enqueue_dma source(%dma_start3A_662 : memref<640xf32, #tpu.memory_space<vmem>>) target(%dma_start3A_660 : memref<640xf32, #tpu.memory_space<hbm>>) target_semaphore(%arg32 : memref<!tpu.dma_semaphore, #tpu.memory_space<semaphore_mem>>)
    %mul3A_663 = arith.constant 16 : i32
    %mul3A_664 = arith.muli %arg0, %mul3A_663 : i32
    %add3A_665 = arith.constant 14 : i32
    %add3A_666 = arith.addi %mul3A_664, %add3A_665 : i32
    %mul3A_667 = arith.constant 10240 : i32
    %mul3A_668 = arith.muli %add3A_666, %mul3A_667 : i32
    %add3A_669 = arith.addi %mul3A_668, %mul3A_2 : i32
    %dma_start3A_670 = arith.constant 8960 : i32
    %dma_start3A_671 = tpu.memref_slice %arg26[%dma_start3A_670] : memref<10240xf32, #tpu.memory_space<vmem>> -> memref<640xf32, #tpu.memory_space<vmem>>
    %dma_start3A_672 = tpu.memref_slice %arg21[%add3A_669] : memref<327680xf32, #tpu.memory_space<hbm>> -> memref<640xf32, #tpu.memory_space<hbm>>
    %dma_start3A_673 = tpu.memref_slice %arg21[%add3A_669] : memref<327680xf32, #tpu.memory_space<hbm>> -> memref<640xf32, #tpu.memory_space<hbm>>
    %dma_start3A_674 = arith.constant 8960 : i32
    %dma_start3A_675 = tpu.memref_slice %arg26[%dma_start3A_674] : memref<10240xf32, #tpu.memory_space<vmem>> -> memref<640xf32, #tpu.memory_space<vmem>>
    tpu.enqueue_dma source(%dma_start3A_675 : memref<640xf32, #tpu.memory_space<vmem>>) target(%dma_start3A_673 : memref<640xf32, #tpu.memory_space<hbm>>) target_semaphore(%arg32 : memref<!tpu.dma_semaphore, #tpu.memory_space<semaphore_mem>>)
    %mul3A_676 = arith.constant 16 : i32
    %mul3A_677 = arith.muli %arg0, %mul3A_676 : i32
    %add3A_678 = arith.constant 15 : i32
    %add3A_679 = arith.addi %mul3A_677, %add3A_678 : i32
    %mul3A_680 = arith.constant 10240 : i32
    %mul3A_681 = arith.muli %add3A_679, %mul3A_680 : i32
    %add3A_682 = arith.addi %mul3A_681, %mul3A_2 : i32
    %dma_start3A_683 = arith.constant 9600 : i32
    %dma_start3A_684 = tpu.memref_slice %arg26[%dma_start3A_683] : memref<10240xf32, #tpu.memory_space<vmem>> -> memref<640xf32, #tpu.memory_space<vmem>>
    %dma_start3A_685 = tpu.memref_slice %arg21[%add3A_682] : memref<327680xf32, #tpu.memory_space<hbm>> -> memref<640xf32, #tpu.memory_space<hbm>>
    %dma_start3A_686 = tpu.memref_slice %arg21[%add3A_682] : memref<327680xf32, #tpu.memory_space<hbm>> -> memref<640xf32, #tpu.memory_space<hbm>>
    %dma_start3A_687 = arith.constant 9600 : i32
    %dma_start3A_688 = tpu.memref_slice %arg26[%dma_start3A_687] : memref<10240xf32, #tpu.memory_space<vmem>> -> memref<640xf32, #tpu.memory_space<vmem>>
    tpu.enqueue_dma source(%dma_start3A_688 : memref<640xf32, #tpu.memory_space<vmem>>) target(%dma_start3A_686 : memref<640xf32, #tpu.memory_space<hbm>>) target_semaphore(%arg32 : memref<!tpu.dma_semaphore, #tpu.memory_space<semaphore_mem>>)
    %mul3A_689 = arith.constant 16 : i32
    %mul3A_690 = arith.muli %arg0, %mul3A_689 : i32
    %add3A_691 = arith.constant 0 : i32
    %add3A_692 = arith.addi %mul3A_690, %add3A_691 : i32
    %mul3A_693 = arith.constant 10240 : i32
    %mul3A_694 = arith.muli %add3A_692, %mul3A_693 : i32
    %add3A_695 = arith.addi %mul3A_694, %mul3A_2 : i32
    %dma_wait3A_696 = arith.constant 0 : i32
    %dma_wait3A_697 = tpu.memref_slice %arg26[%dma_wait3A_696] : memref<10240xf32, #tpu.memory_space<vmem>> -> memref<640xf32, #tpu.memory_space<vmem>>
    %dma_wait3A_698 = tpu.memref_slice %arg21[%add3A_695] : memref<327680xf32, #tpu.memory_space<hbm>> -> memref<640xf32, #tpu.memory_space<hbm>>
    %dma_wait3A_699 = tpu.memref_slice %arg21[%add3A_695] : memref<327680xf32, #tpu.memory_space<hbm>> -> memref<640xf32, #tpu.memory_space<hbm>>
    %dma_wait3A_700 = arith.constant 0 : i32
    %dma_wait3A_701 = tpu.memref_slice %arg26[%dma_wait3A_700] : memref<10240xf32, #tpu.memory_space<vmem>> -> memref<640xf32, #tpu.memory_space<vmem>>
    tpu.wait_dma2 semaphore(%arg32 : memref<!tpu.dma_semaphore, #tpu.memory_space<semaphore_mem>>) src(%dma_wait3A_701 : memref<640xf32, #tpu.memory_space<vmem>>) dst(%dma_wait3A_699 : memref<640xf32, #tpu.memory_space<hbm>>)
    %mul3A_702 = arith.constant 16 : i32
    %mul3A_703 = arith.muli %arg0, %mul3A_702 : i32
    %add3A_704 = arith.constant 1 : i32
    %add3A_705 = arith.addi %mul3A_703, %add3A_704 : i32
    %mul3A_706 = arith.constant 10240 : i32
    %mul3A_707 = arith.muli %add3A_705, %mul3A_706 : i32
    %add3A_708 = arith.addi %mul3A_707, %mul3A_2 : i32
    %dma_wait3A_709 = arith.constant 640 : i32
    %dma_wait3A_710 = tpu.memref_slice %arg26[%dma_wait3A_709] : memref<10240xf32, #tpu.memory_space<vmem>> -> memref<640xf32, #tpu.memory_space<vmem>>
    %dma_wait3A_711 = tpu.memref_slice %arg21[%add3A_708] : memref<327680xf32, #tpu.memory_space<hbm>> -> memref<640xf32, #tpu.memory_space<hbm>>
    %dma_wait3A_712 = tpu.memref_slice %arg21[%add3A_708] : memref<327680xf32, #tpu.memory_space<hbm>> -> memref<640xf32, #tpu.memory_space<hbm>>
    %dma_wait3A_713 = arith.constant 640 : i32
    %dma_wait3A_714 = tpu.memref_slice %arg26[%dma_wait3A_713] : memref<10240xf32, #tpu.memory_space<vmem>> -> memref<640xf32, #tpu.memory_space<vmem>>
    tpu.wait_dma2 semaphore(%arg32 : memref<!tpu.dma_semaphore, #tpu.memory_space<semaphore_mem>>) src(%dma_wait3A_714 : memref<640xf32, #tpu.memory_space<vmem>>) dst(%dma_wait3A_712 : memref<640xf32, #tpu.memory_space<hbm>>)
    %mul3A_715 = arith.constant 16 : i32
    %mul3A_716 = arith.muli %arg0, %mul3A_715 : i32
    %add3A_717 = arith.constant 2 : i32
    %add3A_718 = arith.addi %mul3A_716, %add3A_717 : i32
    %mul3A_719 = arith.constant 10240 : i32
    %mul3A_720 = arith.muli %add3A_718, %mul3A_719 : i32
    %add3A_721 = arith.addi %mul3A_720, %mul3A_2 : i32
    %dma_wait3A_722 = arith.constant 1280 : i32
    %dma_wait3A_723 = tpu.memref_slice %arg26[%dma_wait3A_722] : memref<10240xf32, #tpu.memory_space<vmem>> -> memref<640xf32, #tpu.memory_space<vmem>>
    %dma_wait3A_724 = tpu.memref_slice %arg21[%add3A_721] : memref<327680xf32, #tpu.memory_space<hbm>> -> memref<640xf32, #tpu.memory_space<hbm>>
    %dma_wait3A_725 = tpu.memref_slice %arg21[%add3A_721] : memref<327680xf32, #tpu.memory_space<hbm>> -> memref<640xf32, #tpu.memory_space<hbm>>
    %dma_wait3A_726 = arith.constant 1280 : i32
    %dma_wait3A_727 = tpu.memref_slice %arg26[%dma_wait3A_726] : memref<10240xf32, #tpu.memory_space<vmem>> -> memref<640xf32, #tpu.memory_space<vmem>>
    tpu.wait_dma2 semaphore(%arg32 : memref<!tpu.dma_semaphore, #tpu.memory_space<semaphore_mem>>) src(%dma_wait3A_727 : memref<640xf32, #tpu.memory_space<vmem>>) dst(%dma_wait3A_725 : memref<640xf32, #tpu.memory_space<hbm>>)
    %mul3A_728 = arith.constant 16 : i32
    %mul3A_729 = arith.muli %arg0, %mul3A_728 : i32
    %add3A_730 = arith.constant 3 : i32
    %add3A_731 = arith.addi %mul3A_729, %add3A_730 : i32
    %mul3A_732 = arith.constant 10240 : i32
    %mul3A_733 = arith.muli %add3A_731, %mul3A_732 : i32
    %add3A_734 = arith.addi %mul3A_733, %mul3A_2 : i32
    %dma_wait3A_735 = arith.constant 1920 : i32
    %dma_wait3A_736 = tpu.memref_slice %arg26[%dma_wait3A_735] : memref<10240xf32, #tpu.memory_space<vmem>> -> memref<640xf32, #tpu.memory_space<vmem>>
    %dma_wait3A_737 = tpu.memref_slice %arg21[%add3A_734] : memref<327680xf32, #tpu.memory_space<hbm>> -> memref<640xf32, #tpu.memory_space<hbm>>
    %dma_wait3A_738 = tpu.memref_slice %arg21[%add3A_734] : memref<327680xf32, #tpu.memory_space<hbm>> -> memref<640xf32, #tpu.memory_space<hbm>>
    %dma_wait3A_739 = arith.constant 1920 : i32
    %dma_wait3A_740 = tpu.memref_slice %arg26[%dma_wait3A_739] : memref<10240xf32, #tpu.memory_space<vmem>> -> memref<640xf32, #tpu.memory_space<vmem>>
    tpu.wait_dma2 semaphore(%arg32 : memref<!tpu.dma_semaphore, #tpu.memory_space<semaphore_mem>>) src(%dma_wait3A_740 : memref<640xf32, #tpu.memory_space<vmem>>) dst(%dma_wait3A_738 : memref<640xf32, #tpu.memory_space<hbm>>)
    %mul3A_741 = arith.constant 16 : i32
    %mul3A_742 = arith.muli %arg0, %mul3A_741 : i32
    %add3A_743 = arith.constant 4 : i32
    %add3A_744 = arith.addi %mul3A_742, %add3A_743 : i32
    %mul3A_745 = arith.constant 10240 : i32
    %mul3A_746 = arith.muli %add3A_744, %mul3A_745 : i32
    %add3A_747 = arith.addi %mul3A_746, %mul3A_2 : i32
    %dma_wait3A_748 = arith.constant 2560 : i32
    %dma_wait3A_749 = tpu.memref_slice %arg26[%dma_wait3A_748] : memref<10240xf32, #tpu.memory_space<vmem>> -> memref<640xf32, #tpu.memory_space<vmem>>
    %dma_wait3A_750 = tpu.memref_slice %arg21[%add3A_747] : memref<327680xf32, #tpu.memory_space<hbm>> -> memref<640xf32, #tpu.memory_space<hbm>>
    %dma_wait3A_751 = tpu.memref_slice %arg21[%add3A_747] : memref<327680xf32, #tpu.memory_space<hbm>> -> memref<640xf32, #tpu.memory_space<hbm>>
    %dma_wait3A_752 = arith.constant 2560 : i32
    %dma_wait3A_753 = tpu.memref_slice %arg26[%dma_wait3A_752] : memref<10240xf32, #tpu.memory_space<vmem>> -> memref<640xf32, #tpu.memory_space<vmem>>
    tpu.wait_dma2 semaphore(%arg32 : memref<!tpu.dma_semaphore, #tpu.memory_space<semaphore_mem>>) src(%dma_wait3A_753 : memref<640xf32, #tpu.memory_space<vmem>>) dst(%dma_wait3A_751 : memref<640xf32, #tpu.memory_space<hbm>>)
    %mul3A_754 = arith.constant 16 : i32
    %mul3A_755 = arith.muli %arg0, %mul3A_754 : i32
    %add3A_756 = arith.constant 5 : i32
    %add3A_757 = arith.addi %mul3A_755, %add3A_756 : i32
    %mul3A_758 = arith.constant 10240 : i32
    %mul3A_759 = arith.muli %add3A_757, %mul3A_758 : i32
    %add3A_760 = arith.addi %mul3A_759, %mul3A_2 : i32
    %dma_wait3A_761 = arith.constant 3200 : i32
    %dma_wait3A_762 = tpu.memref_slice %arg26[%dma_wait3A_761] : memref<10240xf32, #tpu.memory_space<vmem>> -> memref<640xf32, #tpu.memory_space<vmem>>
    %dma_wait3A_763 = tpu.memref_slice %arg21[%add3A_760] : memref<327680xf32, #tpu.memory_space<hbm>> -> memref<640xf32, #tpu.memory_space<hbm>>
    %dma_wait3A_764 = tpu.memref_slice %arg21[%add3A_760] : memref<327680xf32, #tpu.memory_space<hbm>> -> memref<640xf32, #tpu.memory_space<hbm>>
    %dma_wait3A_765 = arith.constant 3200 : i32
    %dma_wait3A_766 = tpu.memref_slice %arg26[%dma_wait3A_765] : memref<10240xf32, #tpu.memory_space<vmem>> -> memref<640xf32, #tpu.memory_space<vmem>>
    tpu.wait_dma2 semaphore(%arg32 : memref<!tpu.dma_semaphore, #tpu.memory_space<semaphore_mem>>) src(%dma_wait3A_766 : memref<640xf32, #tpu.memory_space<vmem>>) dst(%dma_wait3A_764 : memref<640xf32, #tpu.memory_space<hbm>>)
    %mul3A_767 = arith.constant 16 : i32
    %mul3A_768 = arith.muli %arg0, %mul3A_767 : i32
    %add3A_769 = arith.constant 6 : i32
    %add3A_770 = arith.addi %mul3A_768, %add3A_769 : i32
    %mul3A_771 = arith.constant 10240 : i32
    %mul3A_772 = arith.muli %add3A_770, %mul3A_771 : i32
    %add3A_773 = arith.addi %mul3A_772, %mul3A_2 : i32
    %dma_wait3A_774 = arith.constant 3840 : i32
    %dma_wait3A_775 = tpu.memref_slice %arg26[%dma_wait3A_774] : memref<10240xf32, #tpu.memory_space<vmem>> -> memref<640xf32, #tpu.memory_space<vmem>>
    %dma_wait3A_776 = tpu.memref_slice %arg21[%add3A_773] : memref<327680xf32, #tpu.memory_space<hbm>> -> memref<640xf32, #tpu.memory_space<hbm>>
    %dma_wait3A_777 = tpu.memref_slice %arg21[%add3A_773] : memref<327680xf32, #tpu.memory_space<hbm>> -> memref<640xf32, #tpu.memory_space<hbm>>
    %dma_wait3A_778 = arith.constant 3840 : i32
    %dma_wait3A_779 = tpu.memref_slice %arg26[%dma_wait3A_778] : memref<10240xf32, #tpu.memory_space<vmem>> -> memref<640xf32, #tpu.memory_space<vmem>>
    tpu.wait_dma2 semaphore(%arg32 : memref<!tpu.dma_semaphore, #tpu.memory_space<semaphore_mem>>) src(%dma_wait3A_779 : memref<640xf32, #tpu.memory_space<vmem>>) dst(%dma_wait3A_777 : memref<640xf32, #tpu.memory_space<hbm>>)
    %mul3A_780 = arith.constant 16 : i32
    %mul3A_781 = arith.muli %arg0, %mul3A_780 : i32
    %add3A_782 = arith.constant 7 : i32
    %add3A_783 = arith.addi %mul3A_781, %add3A_782 : i32
    %mul3A_784 = arith.constant 10240 : i32
    %mul3A_785 = arith.muli %add3A_783, %mul3A_784 : i32
    %add3A_786 = arith.addi %mul3A_785, %mul3A_2 : i32
    %dma_wait3A_787 = arith.constant 4480 : i32
    %dma_wait3A_788 = tpu.memref_slice %arg26[%dma_wait3A_787] : memref<10240xf32, #tpu.memory_space<vmem>> -> memref<640xf32, #tpu.memory_space<vmem>>
    %dma_wait3A_789 = tpu.memref_slice %arg21[%add3A_786] : memref<327680xf32, #tpu.memory_space<hbm>> -> memref<640xf32, #tpu.memory_space<hbm>>
    %dma_wait3A_790 = tpu.memref_slice %arg21[%add3A_786] : memref<327680xf32, #tpu.memory_space<hbm>> -> memref<640xf32, #tpu.memory_space<hbm>>
    %dma_wait3A_791 = arith.constant 4480 : i32
    %dma_wait3A_792 = tpu.memref_slice %arg26[%dma_wait3A_791] : memref<10240xf32, #tpu.memory_space<vmem>> -> memref<640xf32, #tpu.memory_space<vmem>>
    tpu.wait_dma2 semaphore(%arg32 : memref<!tpu.dma_semaphore, #tpu.memory_space<semaphore_mem>>) src(%dma_wait3A_792 : memref<640xf32, #tpu.memory_space<vmem>>) dst(%dma_wait3A_790 : memref<640xf32, #tpu.memory_space<hbm>>)
    %mul3A_793 = arith.constant 16 : i32
    %mul3A_794 = arith.muli %arg0, %mul3A_793 : i32
    %add3A_795 = arith.constant 8 : i32
    %add3A_796 = arith.addi %mul3A_794, %add3A_795 : i32
    %mul3A_797 = arith.constant 10240 : i32
    %mul3A_798 = arith.muli %add3A_796, %mul3A_797 : i32
    %add3A_799 = arith.addi %mul3A_798, %mul3A_2 : i32
    %dma_wait3A_800 = arith.constant 5120 : i32
    %dma_wait3A_801 = tpu.memref_slice %arg26[%dma_wait3A_800] : memref<10240xf32, #tpu.memory_space<vmem>> -> memref<640xf32, #tpu.memory_space<vmem>>
    %dma_wait3A_802 = tpu.memref_slice %arg21[%add3A_799] : memref<327680xf32, #tpu.memory_space<hbm>> -> memref<640xf32, #tpu.memory_space<hbm>>
    %dma_wait3A_803 = tpu.memref_slice %arg21[%add3A_799] : memref<327680xf32, #tpu.memory_space<hbm>> -> memref<640xf32, #tpu.memory_space<hbm>>
    %dma_wait3A_804 = arith.constant 5120 : i32
    %dma_wait3A_805 = tpu.memref_slice %arg26[%dma_wait3A_804] : memref<10240xf32, #tpu.memory_space<vmem>> -> memref<640xf32, #tpu.memory_space<vmem>>
    tpu.wait_dma2 semaphore(%arg32 : memref<!tpu.dma_semaphore, #tpu.memory_space<semaphore_mem>>) src(%dma_wait3A_805 : memref<640xf32, #tpu.memory_space<vmem>>) dst(%dma_wait3A_803 : memref<640xf32, #tpu.memory_space<hbm>>)
    %mul3A_806 = arith.constant 16 : i32
    %mul3A_807 = arith.muli %arg0, %mul3A_806 : i32
    %add3A_808 = arith.constant 9 : i32
    %add3A_809 = arith.addi %mul3A_807, %add3A_808 : i32
    %mul3A_810 = arith.constant 10240 : i32
    %mul3A_811 = arith.muli %add3A_809, %mul3A_810 : i32
    %add3A_812 = arith.addi %mul3A_811, %mul3A_2 : i32
    %dma_wait3A_813 = arith.constant 5760 : i32
    %dma_wait3A_814 = tpu.memref_slice %arg26[%dma_wait3A_813] : memref<10240xf32, #tpu.memory_space<vmem>> -> memref<640xf32, #tpu.memory_space<vmem>>
    %dma_wait3A_815 = tpu.memref_slice %arg21[%add3A_812] : memref<327680xf32, #tpu.memory_space<hbm>> -> memref<640xf32, #tpu.memory_space<hbm>>
    %dma_wait3A_816 = tpu.memref_slice %arg21[%add3A_812] : memref<327680xf32, #tpu.memory_space<hbm>> -> memref<640xf32, #tpu.memory_space<hbm>>
    %dma_wait3A_817 = arith.constant 5760 : i32
    %dma_wait3A_818 = tpu.memref_slice %arg26[%dma_wait3A_817] : memref<10240xf32, #tpu.memory_space<vmem>> -> memref<640xf32, #tpu.memory_space<vmem>>
    tpu.wait_dma2 semaphore(%arg32 : memref<!tpu.dma_semaphore, #tpu.memory_space<semaphore_mem>>) src(%dma_wait3A_818 : memref<640xf32, #tpu.memory_space<vmem>>) dst(%dma_wait3A_816 : memref<640xf32, #tpu.memory_space<hbm>>)
    %mul3A_819 = arith.constant 16 : i32
    %mul3A_820 = arith.muli %arg0, %mul3A_819 : i32
    %add3A_821 = arith.constant 10 : i32
    %add3A_822 = arith.addi %mul3A_820, %add3A_821 : i32
    %mul3A_823 = arith.constant 10240 : i32
    %mul3A_824 = arith.muli %add3A_822, %mul3A_823 : i32
    %add3A_825 = arith.addi %mul3A_824, %mul3A_2 : i32
    %dma_wait3A_826 = arith.constant 6400 : i32
    %dma_wait3A_827 = tpu.memref_slice %arg26[%dma_wait3A_826] : memref<10240xf32, #tpu.memory_space<vmem>> -> memref<640xf32, #tpu.memory_space<vmem>>
    %dma_wait3A_828 = tpu.memref_slice %arg21[%add3A_825] : memref<327680xf32, #tpu.memory_space<hbm>> -> memref<640xf32, #tpu.memory_space<hbm>>
    %dma_wait3A_829 = tpu.memref_slice %arg21[%add3A_825] : memref<327680xf32, #tpu.memory_space<hbm>> -> memref<640xf32, #tpu.memory_space<hbm>>
    %dma_wait3A_830 = arith.constant 6400 : i32
    %dma_wait3A_831 = tpu.memref_slice %arg26[%dma_wait3A_830] : memref<10240xf32, #tpu.memory_space<vmem>> -> memref<640xf32, #tpu.memory_space<vmem>>
    tpu.wait_dma2 semaphore(%arg32 : memref<!tpu.dma_semaphore, #tpu.memory_space<semaphore_mem>>) src(%dma_wait3A_831 : memref<640xf32, #tpu.memory_space<vmem>>) dst(%dma_wait3A_829 : memref<640xf32, #tpu.memory_space<hbm>>)
    %mul3A_832 = arith.constant 16 : i32
    %mul3A_833 = arith.muli %arg0, %mul3A_832 : i32
    %add3A_834 = arith.constant 11 : i32
    %add3A_835 = arith.addi %mul3A_833, %add3A_834 : i32
    %mul3A_836 = arith.constant 10240 : i32
    %mul3A_837 = arith.muli %add3A_835, %mul3A_836 : i32
    %add3A_838 = arith.addi %mul3A_837, %mul3A_2 : i32
    %dma_wait3A_839 = arith.constant 7040 : i32
    %dma_wait3A_840 = tpu.memref_slice %arg26[%dma_wait3A_839] : memref<10240xf32, #tpu.memory_space<vmem>> -> memref<640xf32, #tpu.memory_space<vmem>>
    %dma_wait3A_841 = tpu.memref_slice %arg21[%add3A_838] : memref<327680xf32, #tpu.memory_space<hbm>> -> memref<640xf32, #tpu.memory_space<hbm>>
    %dma_wait3A_842 = tpu.memref_slice %arg21[%add3A_838] : memref<327680xf32, #tpu.memory_space<hbm>> -> memref<640xf32, #tpu.memory_space<hbm>>
    %dma_wait3A_843 = arith.constant 7040 : i32
    %dma_wait3A_844 = tpu.memref_slice %arg26[%dma_wait3A_843] : memref<10240xf32, #tpu.memory_space<vmem>> -> memref<640xf32, #tpu.memory_space<vmem>>
    tpu.wait_dma2 semaphore(%arg32 : memref<!tpu.dma_semaphore, #tpu.memory_space<semaphore_mem>>) src(%dma_wait3A_844 : memref<640xf32, #tpu.memory_space<vmem>>) dst(%dma_wait3A_842 : memref<640xf32, #tpu.memory_space<hbm>>)
    %mul3A_845 = arith.constant 16 : i32
    %mul3A_846 = arith.muli %arg0, %mul3A_845 : i32
    %add3A_847 = arith.constant 12 : i32
    %add3A_848 = arith.addi %mul3A_846, %add3A_847 : i32
    %mul3A_849 = arith.constant 10240 : i32
    %mul3A_850 = arith.muli %add3A_848, %mul3A_849 : i32
    %add3A_851 = arith.addi %mul3A_850, %mul3A_2 : i32
    %dma_wait3A_852 = arith.constant 7680 : i32
    %dma_wait3A_853 = tpu.memref_slice %arg26[%dma_wait3A_852] : memref<10240xf32, #tpu.memory_space<vmem>> -> memref<640xf32, #tpu.memory_space<vmem>>
    %dma_wait3A_854 = tpu.memref_slice %arg21[%add3A_851] : memref<327680xf32, #tpu.memory_space<hbm>> -> memref<640xf32, #tpu.memory_space<hbm>>
    %dma_wait3A_855 = tpu.memref_slice %arg21[%add3A_851] : memref<327680xf32, #tpu.memory_space<hbm>> -> memref<640xf32, #tpu.memory_space<hbm>>
    %dma_wait3A_856 = arith.constant 7680 : i32
    %dma_wait3A_857 = tpu.memref_slice %arg26[%dma_wait3A_856] : memref<10240xf32, #tpu.memory_space<vmem>> -> memref<640xf32, #tpu.memory_space<vmem>>
    tpu.wait_dma2 semaphore(%arg32 : memref<!tpu.dma_semaphore, #tpu.memory_space<semaphore_mem>>) src(%dma_wait3A_857 : memref<640xf32, #tpu.memory_space<vmem>>) dst(%dma_wait3A_855 : memref<640xf32, #tpu.memory_space<hbm>>)
    %mul3A_858 = arith.constant 16 : i32
    %mul3A_859 = arith.muli %arg0, %mul3A_858 : i32
    %add3A_860 = arith.constant 13 : i32
    %add3A_861 = arith.addi %mul3A_859, %add3A_860 : i32
    %mul3A_862 = arith.constant 10240 : i32
    %mul3A_863 = arith.muli %add3A_861, %mul3A_862 : i32
    %add3A_864 = arith.addi %mul3A_863, %mul3A_2 : i32
    %dma_wait3A_865 = arith.constant 8320 : i32
    %dma_wait3A_866 = tpu.memref_slice %arg26[%dma_wait3A_865] : memref<10240xf32, #tpu.memory_space<vmem>> -> memref<640xf32, #tpu.memory_space<vmem>>
    %dma_wait3A_867 = tpu.memref_slice %arg21[%add3A_864] : memref<327680xf32, #tpu.memory_space<hbm>> -> memref<640xf32, #tpu.memory_space<hbm>>
    %dma_wait3A_868 = tpu.memref_slice %arg21[%add3A_864] : memref<327680xf32, #tpu.memory_space<hbm>> -> memref<640xf32, #tpu.memory_space<hbm>>
    %dma_wait3A_869 = arith.constant 8320 : i32
    %dma_wait3A_870 = tpu.memref_slice %arg26[%dma_wait3A_869] : memref<10240xf32, #tpu.memory_space<vmem>> -> memref<640xf32, #tpu.memory_space<vmem>>
    tpu.wait_dma2 semaphore(%arg32 : memref<!tpu.dma_semaphore, #tpu.memory_space<semaphore_mem>>) src(%dma_wait3A_870 : memref<640xf32, #tpu.memory_space<vmem>>) dst(%dma_wait3A_868 : memref<640xf32, #tpu.memory_space<hbm>>)
    %mul3A_871 = arith.constant 16 : i32
    %mul3A_872 = arith.muli %arg0, %mul3A_871 : i32
    %add3A_873 = arith.constant 14 : i32
    %add3A_874 = arith.addi %mul3A_872, %add3A_873 : i32
    %mul3A_875 = arith.constant 10240 : i32
    %mul3A_876 = arith.muli %add3A_874, %mul3A_875 : i32
    %add3A_877 = arith.addi %mul3A_876, %mul3A_2 : i32
    %dma_wait3A_878 = arith.constant 8960 : i32
    %dma_wait3A_879 = tpu.memref_slice %arg26[%dma_wait3A_878] : memref<10240xf32, #tpu.memory_space<vmem>> -> memref<640xf32, #tpu.memory_space<vmem>>
    %dma_wait3A_880 = tpu.memref_slice %arg21[%add3A_877] : memref<327680xf32, #tpu.memory_space<hbm>> -> memref<640xf32, #tpu.memory_space<hbm>>
    %dma_wait3A_881 = tpu.memref_slice %arg21[%add3A_877] : memref<327680xf32, #tpu.memory_space<hbm>> -> memref<640xf32, #tpu.memory_space<hbm>>
    %dma_wait3A_882 = arith.constant 8960 : i32
    %dma_wait3A_883 = tpu.memref_slice %arg26[%dma_wait3A_882] : memref<10240xf32, #tpu.memory_space<vmem>> -> memref<640xf32, #tpu.memory_space<vmem>>
    tpu.wait_dma2 semaphore(%arg32 : memref<!tpu.dma_semaphore, #tpu.memory_space<semaphore_mem>>) src(%dma_wait3A_883 : memref<640xf32, #tpu.memory_space<vmem>>) dst(%dma_wait3A_881 : memref<640xf32, #tpu.memory_space<hbm>>)
    %mul3A_884 = arith.constant 16 : i32
    %mul3A_885 = arith.muli %arg0, %mul3A_884 : i32
    %add3A_886 = arith.constant 15 : i32
    %add3A_887 = arith.addi %mul3A_885, %add3A_886 : i32
    %mul3A_888 = arith.constant 10240 : i32
    %mul3A_889 = arith.muli %add3A_887, %mul3A_888 : i32
    %add3A_890 = arith.addi %mul3A_889, %mul3A_2 : i32
    %dma_wait3A_891 = arith.constant 9600 : i32
    %dma_wait3A_892 = tpu.memref_slice %arg26[%dma_wait3A_891] : memref<10240xf32, #tpu.memory_space<vmem>> -> memref<640xf32, #tpu.memory_space<vmem>>
    %dma_wait3A_893 = tpu.memref_slice %arg21[%add3A_890] : memref<327680xf32, #tpu.memory_space<hbm>> -> memref<640xf32, #tpu.memory_space<hbm>>
    %dma_wait3A_894 = tpu.memref_slice %arg21[%add3A_890] : memref<327680xf32, #tpu.memory_space<hbm>> -> memref<640xf32, #tpu.memory_space<hbm>>
    %dma_wait3A_895 = arith.constant 9600 : i32
    %dma_wait3A_896 = tpu.memref_slice %arg26[%dma_wait3A_895] : memref<10240xf32, #tpu.memory_space<vmem>> -> memref<640xf32, #tpu.memory_space<vmem>>
    tpu.wait_dma2 semaphore(%arg32 : memref<!tpu.dma_semaphore, #tpu.memory_space<semaphore_mem>>) src(%dma_wait3A_896 : memref<640xf32, #tpu.memory_space<vmem>>) dst(%dma_wait3A_894 : memref<640xf32, #tpu.memory_space<hbm>>)
    return
  }
}

module attributes {stable_mosaic.version = 14 : i64} {
  func.func @_pre_edge_body(%arg0: i32, %arg1: memref<16x32768xf32, #tpu.memory_space<vmem>>, %arg2: memref<16x16xf32, #tpu.memory_space<vmem>>, %arg3: memref<32768xf32, #tpu.memory_space<vmem>>, %arg4: memref<32768xf32, #tpu.memory_space<vmem>>, %arg5: memref<32768xf32, #tpu.memory_space<vmem>>, %arg6: memref<32768xf32, #tpu.memory_space<vmem>>, %arg7: memref<32768xf32, #tpu.memory_space<vmem>>, %arg8: memref<32768xf32, #tpu.memory_space<vmem>>, %arg9: memref<32768xf32, #tpu.memory_space<vmem>>, %arg10: memref<32768xf32, #tpu.memory_space<vmem>>, %arg11: memref<32768xf32, #tpu.memory_space<vmem>>, %arg12: memref<32768xf32, #tpu.memory_space<vmem>>, %arg13: memref<32768xf32, #tpu.memory_space<vmem>>, %arg14: memref<32768xf32, #tpu.memory_space<vmem>>, %arg15: memref<32768xf32, #tpu.memory_space<vmem>>, %arg16: memref<32768xf32, #tpu.memory_space<vmem>>, %arg17: memref<32768xf32, #tpu.memory_space<vmem>>, %arg18: memref<32768xf32, #tpu.memory_space<vmem>>) attributes {dimension_semantics = [#tpu.dimension_semantics<arbitrary>], iteration_bounds = array<i64: 10>, scalar_prefetch = 0 : i64, scratch_operands = 0 : i64, tpu.core_type = #tpu.core_type<tc>, window_params = [{transform_indices = @transform_0, window_bounds = array<i64: 16, 32768>}, {pipeline_mode = #tpu.pipeline_mode<synchronous>, transform_indices = @transform_1, window_bounds = array<i64: 16, 16>}, {transform_indices = @transform_2, window_bounds = array<i64: 32768>}, {transform_indices = @transform_3, window_bounds = array<i64: 32768>}, {transform_indices = @transform_4, window_bounds = array<i64: 32768>}, {transform_indices = @transform_5, window_bounds = array<i64: 32768>}, {transform_indices = @transform_6, window_bounds = array<i64: 32768>}, {transform_indices = @transform_7, window_bounds = array<i64: 32768>}, {transform_indices = @transform_8, window_bounds = array<i64: 32768>}, {transform_indices = @transform_9, window_bounds = array<i64: 32768>}, {transform_indices = @transform_10, window_bounds = array<i64: 32768>}, {transform_indices = @transform_11, window_bounds = array<i64: 32768>}, {transform_indices = @transform_12, window_bounds = array<i64: 32768>}, {transform_indices = @transform_13, window_bounds = array<i64: 32768>}, {transform_indices = @transform_14, window_bounds = array<i64: 32768>}, {transform_indices = @transform_15, window_bounds = array<i64: 32768>}, {transform_indices = @transform_16, window_bounds = array<i64: 32768>}, {transform_indices = @transform_17, window_bounds = array<i64: 32768>}]} {
    %get3A = arith.constant 0 : index
    %get3A_0 = arith.constant 0 : index
    %get3A_1 = vector.load %arg2[%get3A, %get3A_0] : memref<16x16xf32, #tpu.memory_space<vmem>>, vector<16x16xf32>
    %get3A_2 = arith.constant 0 : index
    %get3A_3 = arith.constant 0 : index
    %get3A_4 = vector.load %arg1[%get3A_2, %get3A_3] : memref<16x32768xf32, #tpu.memory_space<vmem>>, vector<16x32768xf32>
    %dot_general3A = arith.constant dense<0.000000e+00> : vector<16x32768xf32>
    %dot_general3A_5 = tpu.matmul %get3A_1, %get3A_4, %dot_general3A {dimension_numbers = #tpu.dot_dimension_numbers<[1], [0], [0], [1], [0, 0, 1, 1], [], []>, transpose_lhs_hint = false} : vector<16x16xf32>, vector<16x32768xf32>, vector<16x32768xf32> -> vector<16x32768xf32>
    %slice3A = vector.extract_strided_slice %dot_general3A_5 {offsets = [0, 0], sizes = [1, 32768], strides = [1, 1]} : vector<16x32768xf32> to vector<1x32768xf32>
    %squeeze3A = vector.shape_cast %slice3A : vector<1x32768xf32> to vector<32768xf32>
    %swap3A = arith.constant 0 : index
    %swap3A_6 = vector.load %arg3[%swap3A] : memref<32768xf32, #tpu.memory_space<vmem>>, vector<32768xf32>
    tpu.vector_store %arg3[%swap3A], %squeeze3A {strides = array<i32>} : memref<32768xf32, #tpu.memory_space<vmem>>, vector<32768xf32>,
    %slice3A_7 = vector.extract_strided_slice %dot_general3A_5 {offsets = [1, 0], sizes = [1, 32768], strides = [1, 1]} : vector<16x32768xf32> to vector<1x32768xf32>
    %squeeze3A_8 = vector.shape_cast %slice3A_7 : vector<1x32768xf32> to vector<32768xf32>
    %swap3A_9 = arith.constant 0 : index
    %swap3A_10 = vector.load %arg4[%swap3A_9] : memref<32768xf32, #tpu.memory_space<vmem>>, vector<32768xf32>
    tpu.vector_store %arg4[%swap3A_9], %squeeze3A_8 {strides = array<i32>} : memref<32768xf32, #tpu.memory_space<vmem>>, vector<32768xf32>,
    %slice3A_11 = vector.extract_strided_slice %dot_general3A_5 {offsets = [2, 0], sizes = [1, 32768], strides = [1, 1]} : vector<16x32768xf32> to vector<1x32768xf32>
    %squeeze3A_12 = vector.shape_cast %slice3A_11 : vector<1x32768xf32> to vector<32768xf32>
    %swap3A_13 = arith.constant 0 : index
    %swap3A_14 = vector.load %arg5[%swap3A_13] : memref<32768xf32, #tpu.memory_space<vmem>>, vector<32768xf32>
    tpu.vector_store %arg5[%swap3A_13], %squeeze3A_12 {strides = array<i32>} : memref<32768xf32, #tpu.memory_space<vmem>>, vector<32768xf32>,
    %slice3A_15 = vector.extract_strided_slice %dot_general3A_5 {offsets = [3, 0], sizes = [1, 32768], strides = [1, 1]} : vector<16x32768xf32> to vector<1x32768xf32>
    %squeeze3A_16 = vector.shape_cast %slice3A_15 : vector<1x32768xf32> to vector<32768xf32>
    %swap3A_17 = arith.constant 0 : index
    %swap3A_18 = vector.load %arg6[%swap3A_17] : memref<32768xf32, #tpu.memory_space<vmem>>, vector<32768xf32>
    tpu.vector_store %arg6[%swap3A_17], %squeeze3A_16 {strides = array<i32>} : memref<32768xf32, #tpu.memory_space<vmem>>, vector<32768xf32>,
    %slice3A_19 = vector.extract_strided_slice %dot_general3A_5 {offsets = [4, 0], sizes = [1, 32768], strides = [1, 1]} : vector<16x32768xf32> to vector<1x32768xf32>
    %squeeze3A_20 = vector.shape_cast %slice3A_19 : vector<1x32768xf32> to vector<32768xf32>
    %swap3A_21 = arith.constant 0 : index
    %swap3A_22 = vector.load %arg7[%swap3A_21] : memref<32768xf32, #tpu.memory_space<vmem>>, vector<32768xf32>
    tpu.vector_store %arg7[%swap3A_21], %squeeze3A_20 {strides = array<i32>} : memref<32768xf32, #tpu.memory_space<vmem>>, vector<32768xf32>,
    %slice3A_23 = vector.extract_strided_slice %dot_general3A_5 {offsets = [5, 0], sizes = [1, 32768], strides = [1, 1]} : vector<16x32768xf32> to vector<1x32768xf32>
    %squeeze3A_24 = vector.shape_cast %slice3A_23 : vector<1x32768xf32> to vector<32768xf32>
    %swap3A_25 = arith.constant 0 : index
    %swap3A_26 = vector.load %arg8[%swap3A_25] : memref<32768xf32, #tpu.memory_space<vmem>>, vector<32768xf32>
    tpu.vector_store %arg8[%swap3A_25], %squeeze3A_24 {strides = array<i32>} : memref<32768xf32, #tpu.memory_space<vmem>>, vector<32768xf32>,
    %slice3A_27 = vector.extract_strided_slice %dot_general3A_5 {offsets = [6, 0], sizes = [1, 32768], strides = [1, 1]} : vector<16x32768xf32> to vector<1x32768xf32>
    %squeeze3A_28 = vector.shape_cast %slice3A_27 : vector<1x32768xf32> to vector<32768xf32>
    %swap3A_29 = arith.constant 0 : index
    %swap3A_30 = vector.load %arg9[%swap3A_29] : memref<32768xf32, #tpu.memory_space<vmem>>, vector<32768xf32>
    tpu.vector_store %arg9[%swap3A_29], %squeeze3A_28 {strides = array<i32>} : memref<32768xf32, #tpu.memory_space<vmem>>, vector<32768xf32>,
    %slice3A_31 = vector.extract_strided_slice %dot_general3A_5 {offsets = [7, 0], sizes = [1, 32768], strides = [1, 1]} : vector<16x32768xf32> to vector<1x32768xf32>
    %squeeze3A_32 = vector.shape_cast %slice3A_31 : vector<1x32768xf32> to vector<32768xf32>
    %swap3A_33 = arith.constant 0 : index
    %swap3A_34 = vector.load %arg10[%swap3A_33] : memref<32768xf32, #tpu.memory_space<vmem>>, vector<32768xf32>
    tpu.vector_store %arg10[%swap3A_33], %squeeze3A_32 {strides = array<i32>} : memref<32768xf32, #tpu.memory_space<vmem>>, vector<32768xf32>,
    %slice3A_35 = vector.extract_strided_slice %dot_general3A_5 {offsets = [8, 0], sizes = [1, 32768], strides = [1, 1]} : vector<16x32768xf32> to vector<1x32768xf32>
    %squeeze3A_36 = vector.shape_cast %slice3A_35 : vector<1x32768xf32> to vector<32768xf32>
    %swap3A_37 = arith.constant 0 : index
    %swap3A_38 = vector.load %arg11[%swap3A_37] : memref<32768xf32, #tpu.memory_space<vmem>>, vector<32768xf32>
    tpu.vector_store %arg11[%swap3A_37], %squeeze3A_36 {strides = array<i32>} : memref<32768xf32, #tpu.memory_space<vmem>>, vector<32768xf32>,
    %slice3A_39 = vector.extract_strided_slice %dot_general3A_5 {offsets = [9, 0], sizes = [1, 32768], strides = [1, 1]} : vector<16x32768xf32> to vector<1x32768xf32>
    %squeeze3A_40 = vector.shape_cast %slice3A_39 : vector<1x32768xf32> to vector<32768xf32>
    %swap3A_41 = arith.constant 0 : index
    %swap3A_42 = vector.load %arg12[%swap3A_41] : memref<32768xf32, #tpu.memory_space<vmem>>, vector<32768xf32>
    tpu.vector_store %arg12[%swap3A_41], %squeeze3A_40 {strides = array<i32>} : memref<32768xf32, #tpu.memory_space<vmem>>, vector<32768xf32>,
    %slice3A_43 = vector.extract_strided_slice %dot_general3A_5 {offsets = [10, 0], sizes = [1, 32768], strides = [1, 1]} : vector<16x32768xf32> to vector<1x32768xf32>
    %squeeze3A_44 = vector.shape_cast %slice3A_43 : vector<1x32768xf32> to vector<32768xf32>
    %swap3A_45 = arith.constant 0 : index
    %swap3A_46 = vector.load %arg13[%swap3A_45] : memref<32768xf32, #tpu.memory_space<vmem>>, vector<32768xf32>
    tpu.vector_store %arg13[%swap3A_45], %squeeze3A_44 {strides = array<i32>} : memref<32768xf32, #tpu.memory_space<vmem>>, vector<32768xf32>,
    %slice3A_47 = vector.extract_strided_slice %dot_general3A_5 {offsets = [11, 0], sizes = [1, 32768], strides = [1, 1]} : vector<16x32768xf32> to vector<1x32768xf32>
    %squeeze3A_48 = vector.shape_cast %slice3A_47 : vector<1x32768xf32> to vector<32768xf32>
    %swap3A_49 = arith.constant 0 : index
    %swap3A_50 = vector.load %arg14[%swap3A_49] : memref<32768xf32, #tpu.memory_space<vmem>>, vector<32768xf32>
    tpu.vector_store %arg14[%swap3A_49], %squeeze3A_48 {strides = array<i32>} : memref<32768xf32, #tpu.memory_space<vmem>>, vector<32768xf32>,
    %slice3A_51 = vector.extract_strided_slice %dot_general3A_5 {offsets = [12, 0], sizes = [1, 32768], strides = [1, 1]} : vector<16x32768xf32> to vector<1x32768xf32>
    %squeeze3A_52 = vector.shape_cast %slice3A_51 : vector<1x32768xf32> to vector<32768xf32>
    %swap3A_53 = arith.constant 0 : index
    %swap3A_54 = vector.load %arg15[%swap3A_53] : memref<32768xf32, #tpu.memory_space<vmem>>, vector<32768xf32>
    tpu.vector_store %arg15[%swap3A_53], %squeeze3A_52 {strides = array<i32>} : memref<32768xf32, #tpu.memory_space<vmem>>, vector<32768xf32>,
    %slice3A_55 = vector.extract_strided_slice %dot_general3A_5 {offsets = [13, 0], sizes = [1, 32768], strides = [1, 1]} : vector<16x32768xf32> to vector<1x32768xf32>
    %squeeze3A_56 = vector.shape_cast %slice3A_55 : vector<1x32768xf32> to vector<32768xf32>
    %swap3A_57 = arith.constant 0 : index
    %swap3A_58 = vector.load %arg16[%swap3A_57] : memref<32768xf32, #tpu.memory_space<vmem>>, vector<32768xf32>
    tpu.vector_store %arg16[%swap3A_57], %squeeze3A_56 {strides = array<i32>} : memref<32768xf32, #tpu.memory_space<vmem>>, vector<32768xf32>,
    %slice3A_59 = vector.extract_strided_slice %dot_general3A_5 {offsets = [14, 0], sizes = [1, 32768], strides = [1, 1]} : vector<16x32768xf32> to vector<1x32768xf32>
    %squeeze3A_60 = vector.shape_cast %slice3A_59 : vector<1x32768xf32> to vector<32768xf32>
    %swap3A_61 = arith.constant 0 : index
    %swap3A_62 = vector.load %arg17[%swap3A_61] : memref<32768xf32, #tpu.memory_space<vmem>>, vector<32768xf32>
    tpu.vector_store %arg17[%swap3A_61], %squeeze3A_60 {strides = array<i32>} : memref<32768xf32, #tpu.memory_space<vmem>>, vector<32768xf32>,
    %slice3A_63 = vector.extract_strided_slice %dot_general3A_5 {offsets = [15, 0], sizes = [1, 32768], strides = [1, 1]} : vector<16x32768xf32> to vector<1x32768xf32>
    %squeeze3A_64 = vector.shape_cast %slice3A_63 : vector<1x32768xf32> to vector<32768xf32>
    %swap3A_65 = arith.constant 0 : index
    %swap3A_66 = vector.load %arg18[%swap3A_65] : memref<32768xf32, #tpu.memory_space<vmem>>, vector<32768xf32>
    tpu.vector_store %arg18[%swap3A_65], %squeeze3A_64 {strides = array<i32>} : memref<32768xf32, #tpu.memory_space<vmem>>, vector<32768xf32>,
    return
  }
  func.func @transform_0(%arg0: i32) -> (i32, i32) {
    %c0_i32 = arith.constant 0 : i32
    %c0_i32_0 = arith.constant 0 : i32
    return %c0_i32, %arg0 : i32, i32
  }
  func.func @transform_1(%arg0: i32) -> (i32, i32) {
    %c0_i32 = arith.constant 0 : i32
    %c0_i32_0 = arith.constant 0 : i32
    %c0_i32_1 = arith.constant 0 : i32
    return %c0_i32, %c0_i32_0 : i32, i32
  }
  func.func @transform_2(%arg0: i32) -> i32 {
    %c0_i32 = arith.constant 0 : i32
    return %arg0 : i32
  }
  func.func @transform_3(%arg0: i32) -> i32 {
    %c0_i32 = arith.constant 0 : i32
    return %arg0 : i32
  }
  func.func @transform_4(%arg0: i32) -> i32 {
    %c0_i32 = arith.constant 0 : i32
    return %arg0 : i32
  }
  func.func @transform_5(%arg0: i32) -> i32 {
    %c0_i32 = arith.constant 0 : i32
    return %arg0 : i32
  }
  func.func @transform_6(%arg0: i32) -> i32 {
    %c0_i32 = arith.constant 0 : i32
    return %arg0 : i32
  }
  func.func @transform_7(%arg0: i32) -> i32 {
    %c0_i32 = arith.constant 0 : i32
    return %arg0 : i32
  }
  func.func @transform_8(%arg0: i32) -> i32 {
    %c0_i32 = arith.constant 0 : i32
    return %arg0 : i32
  }
  func.func @transform_9(%arg0: i32) -> i32 {
    %c0_i32 = arith.constant 0 : i32
    return %arg0 : i32
  }
  func.func @transform_10(%arg0: i32) -> i32 {
    %c0_i32 = arith.constant 0 : i32
    return %arg0 : i32
  }
  func.func @transform_11(%arg0: i32) -> i32 {
    %c0_i32 = arith.constant 0 : i32
    return %arg0 : i32
  }
  func.func @transform_12(%arg0: i32) -> i32 {
    %c0_i32 = arith.constant 0 : i32
    return %arg0 : i32
  }
  func.func @transform_13(%arg0: i32) -> i32 {
    %c0_i32 = arith.constant 0 : i32
    return %arg0 : i32
  }
  func.func @transform_14(%arg0: i32) -> i32 {
    %c0_i32 = arith.constant 0 : i32
    return %arg0 : i32
  }
  func.func @transform_15(%arg0: i32) -> i32 {
    %c0_i32 = arith.constant 0 : i32
    return %arg0 : i32
  }
  func.func @transform_16(%arg0: i32) -> i32 {
    %c0_i32 = arith.constant 0 : i32
    return %arg0 : i32
  }
  func.func @transform_17(%arg0: i32) -> i32 {
    %c0_i32 = arith.constant 0 : i32
    return %arg0 : i32
  }
}

module attributes {stable_mosaic.version = 14 : i64} {
  func.func @_pre_node_body(%arg0: memref<10240x128xf32, #tpu.memory_space<vmem>>, %arg1: memref<128x16xf32, #tpu.memory_space<vmem>>, %arg2: memref<1x16xf32, #tpu.memory_space<vmem>>, %arg3: memref<128x16xf32, #tpu.memory_space<vmem>>, %arg4: memref<1x16xf32, #tpu.memory_space<vmem>>, %arg5: memref<163840xf32, #tpu.memory_space<vmem>>, %arg6: memref<163840xf32, #tpu.memory_space<vmem>>) attributes {dimension_semantics = [], scalar_prefetch = 0 : i64, scratch_operands = 0 : i64, tpu.core_type = #tpu.core_type<tc>} {
    %get3A = arith.constant 0 : index
    %get3A_0 = arith.constant 0 : index
    %get3A_1 = vector.load %arg0[%get3A, %get3A_0] : memref<10240x128xf32, #tpu.memory_space<vmem>>, vector<10240x128xf32>
    %get3A_2 = arith.constant 0 : index
    %get3A_3 = arith.constant 0 : index
    %get3A_4 = vector.load %arg1[%get3A_2, %get3A_3] : memref<128x16xf32, #tpu.memory_space<vmem>>, vector<128x16xf32>
    %dot_general3A = arith.constant dense<0.000000e+00> : vector<16x10240xf32>
    %dot_general3A_5 = tpu.matmul %get3A_4, %get3A_1, %dot_general3A {dimension_numbers = #tpu.dot_dimension_numbers<[0], [1], [1], [0], [0, 1, 1, 0], [], []>, transpose_lhs_hint = false} : vector<128x16xf32>, vector<10240x128xf32>, vector<16x10240xf32> -> vector<16x10240xf32>
    %get3A_6 = arith.constant 0 : index
    %get3A_7 = arith.constant 0 : index
    %get3A_8 = vector.load %arg3[%get3A_6, %get3A_7] : memref<128x16xf32, #tpu.memory_space<vmem>>, vector<128x16xf32>
    %dot_general3A_9 = arith.constant dense<0.000000e+00> : vector<16x10240xf32>
    %dot_general3A_10 = tpu.matmul %get3A_8, %get3A_1, %dot_general3A_9 {dimension_numbers = #tpu.dot_dimension_numbers<[0], [1], [1], [0], [0, 1, 1, 0], [], []>, transpose_lhs_hint = false} : vector<128x16xf32>, vector<10240x128xf32>, vector<16x10240xf32> -> vector<16x10240xf32>
    %slice3A = vector.extract_strided_slice %dot_general3A_5 {offsets = [0, 0], sizes = [1, 10240], strides = [1, 1]} : vector<16x10240xf32> to vector<1x10240xf32>
    %squeeze3A = vector.shape_cast %slice3A : vector<1x10240xf32> to vector<10240xf32>
    %get3A_11 = arith.constant 0 : index
    %get3A_12 = arith.constant 0 : index
    %get3A_13 = vector.load %arg2[%get3A_11, %get3A_12] : memref<1x16xf32, #tpu.memory_space<vmem>>, vector<1x1xf32>
    %get3A_14 = vector.extract %get3A_13[0, 0] : f32 from vector<1x1xf32>
    %add3A = vector.broadcast %get3A_14 : f32 to vector<10240xf32>
    %add3A_15 = arith.addf %squeeze3A, %add3A : vector<10240xf32>
    %swap3A = arith.constant 0 : index
    %swap3A_16 = vector.load %arg6[%swap3A] : memref<163840xf32, #tpu.memory_space<vmem>>, vector<10240xf32>
    tpu.vector_store %arg6[%swap3A], %add3A_15 {strides = array<i32>} : memref<163840xf32, #tpu.memory_space<vmem>>, vector<10240xf32>,
    %slice3A_17 = vector.extract_strided_slice %dot_general3A_10 {offsets = [0, 0], sizes = [1, 10240], strides = [1, 1]} : vector<16x10240xf32> to vector<1x10240xf32>
    %squeeze3A_18 = vector.shape_cast %slice3A_17 : vector<1x10240xf32> to vector<10240xf32>
    %get3A_19 = arith.constant 0 : index
    %get3A_20 = arith.constant 0 : index
    %get3A_21 = vector.load %arg4[%get3A_19, %get3A_20] : memref<1x16xf32, #tpu.memory_space<vmem>>, vector<1x1xf32>
    %get3A_22 = vector.extract %get3A_21[0, 0] : f32 from vector<1x1xf32>
    %add3A_23 = vector.broadcast %get3A_22 : f32 to vector<10240xf32>
    %add3A_24 = arith.addf %squeeze3A_18, %add3A_23 : vector<10240xf32>
    %swap3A_25 = arith.constant 0 : index
    %swap3A_26 = vector.load %arg5[%swap3A_25] : memref<163840xf32, #tpu.memory_space<vmem>>, vector<10240xf32>
    tpu.vector_store %arg5[%swap3A_25], %add3A_24 {strides = array<i32>} : memref<163840xf32, #tpu.memory_space<vmem>>, vector<10240xf32>,
    %slice3A_27 = vector.extract_strided_slice %dot_general3A_5 {offsets = [1, 0], sizes = [1, 10240], strides = [1, 1]} : vector<16x10240xf32> to vector<1x10240xf32>
    %squeeze3A_28 = vector.shape_cast %slice3A_27 : vector<1x10240xf32> to vector<10240xf32>
    %get3A_29 = arith.constant 0 : index
    %get3A_30 = arith.constant 1 : index
    %get3A_31 = vector.load %arg2[%get3A_29, %get3A_30] : memref<1x16xf32, #tpu.memory_space<vmem>>, vector<1x1xf32>
    %get3A_32 = vector.extract %get3A_31[0, 0] : f32 from vector<1x1xf32>
    %add3A_33 = vector.broadcast %get3A_32 : f32 to vector<10240xf32>
    %add3A_34 = arith.addf %squeeze3A_28, %add3A_33 : vector<10240xf32>
    %swap3A_35 = arith.constant 10240 : index
    %swap3A_36 = vector.load %arg6[%swap3A_35] : memref<163840xf32, #tpu.memory_space<vmem>>, vector<10240xf32>
    tpu.vector_store %arg6[%swap3A_35], %add3A_34 {strides = array<i32>} : memref<163840xf32, #tpu.memory_space<vmem>>, vector<10240xf32>,
    %slice3A_37 = vector.extract_strided_slice %dot_general3A_10 {offsets = [1, 0], sizes = [1, 10240], strides = [1, 1]} : vector<16x10240xf32> to vector<1x10240xf32>
    %squeeze3A_38 = vector.shape_cast %slice3A_37 : vector<1x10240xf32> to vector<10240xf32>
    %get3A_39 = arith.constant 0 : index
    %get3A_40 = arith.constant 1 : index
    %get3A_41 = vector.load %arg4[%get3A_39, %get3A_40] : memref<1x16xf32, #tpu.memory_space<vmem>>, vector<1x1xf32>
    %get3A_42 = vector.extract %get3A_41[0, 0] : f32 from vector<1x1xf32>
    %add3A_43 = vector.broadcast %get3A_42 : f32 to vector<10240xf32>
    %add3A_44 = arith.addf %squeeze3A_38, %add3A_43 : vector<10240xf32>
    %swap3A_45 = arith.constant 10240 : index
    %swap3A_46 = vector.load %arg5[%swap3A_45] : memref<163840xf32, #tpu.memory_space<vmem>>, vector<10240xf32>
    tpu.vector_store %arg5[%swap3A_45], %add3A_44 {strides = array<i32>} : memref<163840xf32, #tpu.memory_space<vmem>>, vector<10240xf32>,
    %slice3A_47 = vector.extract_strided_slice %dot_general3A_5 {offsets = [2, 0], sizes = [1, 10240], strides = [1, 1]} : vector<16x10240xf32> to vector<1x10240xf32>
    %squeeze3A_48 = vector.shape_cast %slice3A_47 : vector<1x10240xf32> to vector<10240xf32>
    %get3A_49 = arith.constant 0 : index
    %get3A_50 = arith.constant 2 : index
    %get3A_51 = vector.load %arg2[%get3A_49, %get3A_50] : memref<1x16xf32, #tpu.memory_space<vmem>>, vector<1x1xf32>
    %get3A_52 = vector.extract %get3A_51[0, 0] : f32 from vector<1x1xf32>
    %add3A_53 = vector.broadcast %get3A_52 : f32 to vector<10240xf32>
    %add3A_54 = arith.addf %squeeze3A_48, %add3A_53 : vector<10240xf32>
    %swap3A_55 = arith.constant 20480 : index
    %swap3A_56 = vector.load %arg6[%swap3A_55] : memref<163840xf32, #tpu.memory_space<vmem>>, vector<10240xf32>
    tpu.vector_store %arg6[%swap3A_55], %add3A_54 {strides = array<i32>} : memref<163840xf32, #tpu.memory_space<vmem>>, vector<10240xf32>,
    %slice3A_57 = vector.extract_strided_slice %dot_general3A_10 {offsets = [2, 0], sizes = [1, 10240], strides = [1, 1]} : vector<16x10240xf32> to vector<1x10240xf32>
    %squeeze3A_58 = vector.shape_cast %slice3A_57 : vector<1x10240xf32> to vector<10240xf32>
    %get3A_59 = arith.constant 0 : index
    %get3A_60 = arith.constant 2 : index
    %get3A_61 = vector.load %arg4[%get3A_59, %get3A_60] : memref<1x16xf32, #tpu.memory_space<vmem>>, vector<1x1xf32>
    %get3A_62 = vector.extract %get3A_61[0, 0] : f32 from vector<1x1xf32>
    %add3A_63 = vector.broadcast %get3A_62 : f32 to vector<10240xf32>
    %add3A_64 = arith.addf %squeeze3A_58, %add3A_63 : vector<10240xf32>
    %swap3A_65 = arith.constant 20480 : index
    %swap3A_66 = vector.load %arg5[%swap3A_65] : memref<163840xf32, #tpu.memory_space<vmem>>, vector<10240xf32>
    tpu.vector_store %arg5[%swap3A_65], %add3A_64 {strides = array<i32>} : memref<163840xf32, #tpu.memory_space<vmem>>, vector<10240xf32>,
    %slice3A_67 = vector.extract_strided_slice %dot_general3A_5 {offsets = [3, 0], sizes = [1, 10240], strides = [1, 1]} : vector<16x10240xf32> to vector<1x10240xf32>
    %squeeze3A_68 = vector.shape_cast %slice3A_67 : vector<1x10240xf32> to vector<10240xf32>
    %get3A_69 = arith.constant 0 : index
    %get3A_70 = arith.constant 3 : index
    %get3A_71 = vector.load %arg2[%get3A_69, %get3A_70] : memref<1x16xf32, #tpu.memory_space<vmem>>, vector<1x1xf32>
    %get3A_72 = vector.extract %get3A_71[0, 0] : f32 from vector<1x1xf32>
    %add3A_73 = vector.broadcast %get3A_72 : f32 to vector<10240xf32>
    %add3A_74 = arith.addf %squeeze3A_68, %add3A_73 : vector<10240xf32>
    %swap3A_75 = arith.constant 30720 : index
    %swap3A_76 = vector.load %arg6[%swap3A_75] : memref<163840xf32, #tpu.memory_space<vmem>>, vector<10240xf32>
    tpu.vector_store %arg6[%swap3A_75], %add3A_74 {strides = array<i32>} : memref<163840xf32, #tpu.memory_space<vmem>>, vector<10240xf32>,
    %slice3A_77 = vector.extract_strided_slice %dot_general3A_10 {offsets = [3, 0], sizes = [1, 10240], strides = [1, 1]} : vector<16x10240xf32> to vector<1x10240xf32>
    %squeeze3A_78 = vector.shape_cast %slice3A_77 : vector<1x10240xf32> to vector<10240xf32>
    %get3A_79 = arith.constant 0 : index
    %get3A_80 = arith.constant 3 : index
    %get3A_81 = vector.load %arg4[%get3A_79, %get3A_80] : memref<1x16xf32, #tpu.memory_space<vmem>>, vector<1x1xf32>
    %get3A_82 = vector.extract %get3A_81[0, 0] : f32 from vector<1x1xf32>
    %add3A_83 = vector.broadcast %get3A_82 : f32 to vector<10240xf32>
    %add3A_84 = arith.addf %squeeze3A_78, %add3A_83 : vector<10240xf32>
    %swap3A_85 = arith.constant 30720 : index
    %swap3A_86 = vector.load %arg5[%swap3A_85] : memref<163840xf32, #tpu.memory_space<vmem>>, vector<10240xf32>
    tpu.vector_store %arg5[%swap3A_85], %add3A_84 {strides = array<i32>} : memref<163840xf32, #tpu.memory_space<vmem>>, vector<10240xf32>,
    %slice3A_87 = vector.extract_strided_slice %dot_general3A_5 {offsets = [4, 0], sizes = [1, 10240], strides = [1, 1]} : vector<16x10240xf32> to vector<1x10240xf32>
    %squeeze3A_88 = vector.shape_cast %slice3A_87 : vector<1x10240xf32> to vector<10240xf32>
    %get3A_89 = arith.constant 0 : index
    %get3A_90 = arith.constant 4 : index
    %get3A_91 = vector.load %arg2[%get3A_89, %get3A_90] : memref<1x16xf32, #tpu.memory_space<vmem>>, vector<1x1xf32>
    %get3A_92 = vector.extract %get3A_91[0, 0] : f32 from vector<1x1xf32>
    %add3A_93 = vector.broadcast %get3A_92 : f32 to vector<10240xf32>
    %add3A_94 = arith.addf %squeeze3A_88, %add3A_93 : vector<10240xf32>
    %swap3A_95 = arith.constant 40960 : index
    %swap3A_96 = vector.load %arg6[%swap3A_95] : memref<163840xf32, #tpu.memory_space<vmem>>, vector<10240xf32>
    tpu.vector_store %arg6[%swap3A_95], %add3A_94 {strides = array<i32>} : memref<163840xf32, #tpu.memory_space<vmem>>, vector<10240xf32>,
    %slice3A_97 = vector.extract_strided_slice %dot_general3A_10 {offsets = [4, 0], sizes = [1, 10240], strides = [1, 1]} : vector<16x10240xf32> to vector<1x10240xf32>
    %squeeze3A_98 = vector.shape_cast %slice3A_97 : vector<1x10240xf32> to vector<10240xf32>
    %get3A_99 = arith.constant 0 : index
    %get3A_100 = arith.constant 4 : index
    %get3A_101 = vector.load %arg4[%get3A_99, %get3A_100] : memref<1x16xf32, #tpu.memory_space<vmem>>, vector<1x1xf32>
    %get3A_102 = vector.extract %get3A_101[0, 0] : f32 from vector<1x1xf32>
    %add3A_103 = vector.broadcast %get3A_102 : f32 to vector<10240xf32>
    %add3A_104 = arith.addf %squeeze3A_98, %add3A_103 : vector<10240xf32>
    %swap3A_105 = arith.constant 40960 : index
    %swap3A_106 = vector.load %arg5[%swap3A_105] : memref<163840xf32, #tpu.memory_space<vmem>>, vector<10240xf32>
    tpu.vector_store %arg5[%swap3A_105], %add3A_104 {strides = array<i32>} : memref<163840xf32, #tpu.memory_space<vmem>>, vector<10240xf32>,
    %slice3A_107 = vector.extract_strided_slice %dot_general3A_5 {offsets = [5, 0], sizes = [1, 10240], strides = [1, 1]} : vector<16x10240xf32> to vector<1x10240xf32>
    %squeeze3A_108 = vector.shape_cast %slice3A_107 : vector<1x10240xf32> to vector<10240xf32>
    %get3A_109 = arith.constant 0 : index
    %get3A_110 = arith.constant 5 : index
    %get3A_111 = vector.load %arg2[%get3A_109, %get3A_110] : memref<1x16xf32, #tpu.memory_space<vmem>>, vector<1x1xf32>
    %get3A_112 = vector.extract %get3A_111[0, 0] : f32 from vector<1x1xf32>
    %add3A_113 = vector.broadcast %get3A_112 : f32 to vector<10240xf32>
    %add3A_114 = arith.addf %squeeze3A_108, %add3A_113 : vector<10240xf32>
    %swap3A_115 = arith.constant 51200 : index
    %swap3A_116 = vector.load %arg6[%swap3A_115] : memref<163840xf32, #tpu.memory_space<vmem>>, vector<10240xf32>
    tpu.vector_store %arg6[%swap3A_115], %add3A_114 {strides = array<i32>} : memref<163840xf32, #tpu.memory_space<vmem>>, vector<10240xf32>,
    %slice3A_117 = vector.extract_strided_slice %dot_general3A_10 {offsets = [5, 0], sizes = [1, 10240], strides = [1, 1]} : vector<16x10240xf32> to vector<1x10240xf32>
    %squeeze3A_118 = vector.shape_cast %slice3A_117 : vector<1x10240xf32> to vector<10240xf32>
    %get3A_119 = arith.constant 0 : index
    %get3A_120 = arith.constant 5 : index
    %get3A_121 = vector.load %arg4[%get3A_119, %get3A_120] : memref<1x16xf32, #tpu.memory_space<vmem>>, vector<1x1xf32>
    %get3A_122 = vector.extract %get3A_121[0, 0] : f32 from vector<1x1xf32>
    %add3A_123 = vector.broadcast %get3A_122 : f32 to vector<10240xf32>
    %add3A_124 = arith.addf %squeeze3A_118, %add3A_123 : vector<10240xf32>
    %swap3A_125 = arith.constant 51200 : index
    %swap3A_126 = vector.load %arg5[%swap3A_125] : memref<163840xf32, #tpu.memory_space<vmem>>, vector<10240xf32>
    tpu.vector_store %arg5[%swap3A_125], %add3A_124 {strides = array<i32>} : memref<163840xf32, #tpu.memory_space<vmem>>, vector<10240xf32>,
    %slice3A_127 = vector.extract_strided_slice %dot_general3A_5 {offsets = [6, 0], sizes = [1, 10240], strides = [1, 1]} : vector<16x10240xf32> to vector<1x10240xf32>
    %squeeze3A_128 = vector.shape_cast %slice3A_127 : vector<1x10240xf32> to vector<10240xf32>
    %get3A_129 = arith.constant 0 : index
    %get3A_130 = arith.constant 6 : index
    %get3A_131 = vector.load %arg2[%get3A_129, %get3A_130] : memref<1x16xf32, #tpu.memory_space<vmem>>, vector<1x1xf32>
    %get3A_132 = vector.extract %get3A_131[0, 0] : f32 from vector<1x1xf32>
    %add3A_133 = vector.broadcast %get3A_132 : f32 to vector<10240xf32>
    %add3A_134 = arith.addf %squeeze3A_128, %add3A_133 : vector<10240xf32>
    %swap3A_135 = arith.constant 61440 : index
    %swap3A_136 = vector.load %arg6[%swap3A_135] : memref<163840xf32, #tpu.memory_space<vmem>>, vector<10240xf32>
    tpu.vector_store %arg6[%swap3A_135], %add3A_134 {strides = array<i32>} : memref<163840xf32, #tpu.memory_space<vmem>>, vector<10240xf32>,
    %slice3A_137 = vector.extract_strided_slice %dot_general3A_10 {offsets = [6, 0], sizes = [1, 10240], strides = [1, 1]} : vector<16x10240xf32> to vector<1x10240xf32>
    %squeeze3A_138 = vector.shape_cast %slice3A_137 : vector<1x10240xf32> to vector<10240xf32>
    %get3A_139 = arith.constant 0 : index
    %get3A_140 = arith.constant 6 : index
    %get3A_141 = vector.load %arg4[%get3A_139, %get3A_140] : memref<1x16xf32, #tpu.memory_space<vmem>>, vector<1x1xf32>
    %get3A_142 = vector.extract %get3A_141[0, 0] : f32 from vector<1x1xf32>
    %add3A_143 = vector.broadcast %get3A_142 : f32 to vector<10240xf32>
    %add3A_144 = arith.addf %squeeze3A_138, %add3A_143 : vector<10240xf32>
    %swap3A_145 = arith.constant 61440 : index
    %swap3A_146 = vector.load %arg5[%swap3A_145] : memref<163840xf32, #tpu.memory_space<vmem>>, vector<10240xf32>
    tpu.vector_store %arg5[%swap3A_145], %add3A_144 {strides = array<i32>} : memref<163840xf32, #tpu.memory_space<vmem>>, vector<10240xf32>,
    %slice3A_147 = vector.extract_strided_slice %dot_general3A_5 {offsets = [7, 0], sizes = [1, 10240], strides = [1, 1]} : vector<16x10240xf32> to vector<1x10240xf32>
    %squeeze3A_148 = vector.shape_cast %slice3A_147 : vector<1x10240xf32> to vector<10240xf32>
    %get3A_149 = arith.constant 0 : index
    %get3A_150 = arith.constant 7 : index
    %get3A_151 = vector.load %arg2[%get3A_149, %get3A_150] : memref<1x16xf32, #tpu.memory_space<vmem>>, vector<1x1xf32>
    %get3A_152 = vector.extract %get3A_151[0, 0] : f32 from vector<1x1xf32>
    %add3A_153 = vector.broadcast %get3A_152 : f32 to vector<10240xf32>
    %add3A_154 = arith.addf %squeeze3A_148, %add3A_153 : vector<10240xf32>
    %swap3A_155 = arith.constant 71680 : index
    %swap3A_156 = vector.load %arg6[%swap3A_155] : memref<163840xf32, #tpu.memory_space<vmem>>, vector<10240xf32>
    tpu.vector_store %arg6[%swap3A_155], %add3A_154 {strides = array<i32>} : memref<163840xf32, #tpu.memory_space<vmem>>, vector<10240xf32>,
    %slice3A_157 = vector.extract_strided_slice %dot_general3A_10 {offsets = [7, 0], sizes = [1, 10240], strides = [1, 1]} : vector<16x10240xf32> to vector<1x10240xf32>
    %squeeze3A_158 = vector.shape_cast %slice3A_157 : vector<1x10240xf32> to vector<10240xf32>
    %get3A_159 = arith.constant 0 : index
    %get3A_160 = arith.constant 7 : index
    %get3A_161 = vector.load %arg4[%get3A_159, %get3A_160] : memref<1x16xf32, #tpu.memory_space<vmem>>, vector<1x1xf32>
    %get3A_162 = vector.extract %get3A_161[0, 0] : f32 from vector<1x1xf32>
    %add3A_163 = vector.broadcast %get3A_162 : f32 to vector<10240xf32>
    %add3A_164 = arith.addf %squeeze3A_158, %add3A_163 : vector<10240xf32>
    %swap3A_165 = arith.constant 71680 : index
    %swap3A_166 = vector.load %arg5[%swap3A_165] : memref<163840xf32, #tpu.memory_space<vmem>>, vector<10240xf32>
    tpu.vector_store %arg5[%swap3A_165], %add3A_164 {strides = array<i32>} : memref<163840xf32, #tpu.memory_space<vmem>>, vector<10240xf32>,
    %slice3A_167 = vector.extract_strided_slice %dot_general3A_5 {offsets = [8, 0], sizes = [1, 10240], strides = [1, 1]} : vector<16x10240xf32> to vector<1x10240xf32>
    %squeeze3A_168 = vector.shape_cast %slice3A_167 : vector<1x10240xf32> to vector<10240xf32>
    %get3A_169 = arith.constant 0 : index
    %get3A_170 = arith.constant 8 : index
    %get3A_171 = vector.load %arg2[%get3A_169, %get3A_170] : memref<1x16xf32, #tpu.memory_space<vmem>>, vector<1x1xf32>
    %get3A_172 = vector.extract %get3A_171[0, 0] : f32 from vector<1x1xf32>
    %add3A_173 = vector.broadcast %get3A_172 : f32 to vector<10240xf32>
    %add3A_174 = arith.addf %squeeze3A_168, %add3A_173 : vector<10240xf32>
    %swap3A_175 = arith.constant 81920 : index
    %swap3A_176 = vector.load %arg6[%swap3A_175] : memref<163840xf32, #tpu.memory_space<vmem>>, vector<10240xf32>
    tpu.vector_store %arg6[%swap3A_175], %add3A_174 {strides = array<i32>} : memref<163840xf32, #tpu.memory_space<vmem>>, vector<10240xf32>,
    %slice3A_177 = vector.extract_strided_slice %dot_general3A_10 {offsets = [8, 0], sizes = [1, 10240], strides = [1, 1]} : vector<16x10240xf32> to vector<1x10240xf32>
    %squeeze3A_178 = vector.shape_cast %slice3A_177 : vector<1x10240xf32> to vector<10240xf32>
    %get3A_179 = arith.constant 0 : index
    %get3A_180 = arith.constant 8 : index
    %get3A_181 = vector.load %arg4[%get3A_179, %get3A_180] : memref<1x16xf32, #tpu.memory_space<vmem>>, vector<1x1xf32>
    %get3A_182 = vector.extract %get3A_181[0, 0] : f32 from vector<1x1xf32>
    %add3A_183 = vector.broadcast %get3A_182 : f32 to vector<10240xf32>
    %add3A_184 = arith.addf %squeeze3A_178, %add3A_183 : vector<10240xf32>
    %swap3A_185 = arith.constant 81920 : index
    %swap3A_186 = vector.load %arg5[%swap3A_185] : memref<163840xf32, #tpu.memory_space<vmem>>, vector<10240xf32>
    tpu.vector_store %arg5[%swap3A_185], %add3A_184 {strides = array<i32>} : memref<163840xf32, #tpu.memory_space<vmem>>, vector<10240xf32>,
    %slice3A_187 = vector.extract_strided_slice %dot_general3A_5 {offsets = [9, 0], sizes = [1, 10240], strides = [1, 1]} : vector<16x10240xf32> to vector<1x10240xf32>
    %squeeze3A_188 = vector.shape_cast %slice3A_187 : vector<1x10240xf32> to vector<10240xf32>
    %get3A_189 = arith.constant 0 : index
    %get3A_190 = arith.constant 9 : index
    %get3A_191 = vector.load %arg2[%get3A_189, %get3A_190] : memref<1x16xf32, #tpu.memory_space<vmem>>, vector<1x1xf32>
    %get3A_192 = vector.extract %get3A_191[0, 0] : f32 from vector<1x1xf32>
    %add3A_193 = vector.broadcast %get3A_192 : f32 to vector<10240xf32>
    %add3A_194 = arith.addf %squeeze3A_188, %add3A_193 : vector<10240xf32>
    %swap3A_195 = arith.constant 92160 : index
    %swap3A_196 = vector.load %arg6[%swap3A_195] : memref<163840xf32, #tpu.memory_space<vmem>>, vector<10240xf32>
    tpu.vector_store %arg6[%swap3A_195], %add3A_194 {strides = array<i32>} : memref<163840xf32, #tpu.memory_space<vmem>>, vector<10240xf32>,
    %slice3A_197 = vector.extract_strided_slice %dot_general3A_10 {offsets = [9, 0], sizes = [1, 10240], strides = [1, 1]} : vector<16x10240xf32> to vector<1x10240xf32>
    %squeeze3A_198 = vector.shape_cast %slice3A_197 : vector<1x10240xf32> to vector<10240xf32>
    %get3A_199 = arith.constant 0 : index
    %get3A_200 = arith.constant 9 : index
    %get3A_201 = vector.load %arg4[%get3A_199, %get3A_200] : memref<1x16xf32, #tpu.memory_space<vmem>>, vector<1x1xf32>
    %get3A_202 = vector.extract %get3A_201[0, 0] : f32 from vector<1x1xf32>
    %add3A_203 = vector.broadcast %get3A_202 : f32 to vector<10240xf32>
    %add3A_204 = arith.addf %squeeze3A_198, %add3A_203 : vector<10240xf32>
    %swap3A_205 = arith.constant 92160 : index
    %swap3A_206 = vector.load %arg5[%swap3A_205] : memref<163840xf32, #tpu.memory_space<vmem>>, vector<10240xf32>
    tpu.vector_store %arg5[%swap3A_205], %add3A_204 {strides = array<i32>} : memref<163840xf32, #tpu.memory_space<vmem>>, vector<10240xf32>,
    %slice3A_207 = vector.extract_strided_slice %dot_general3A_5 {offsets = [10, 0], sizes = [1, 10240], strides = [1, 1]} : vector<16x10240xf32> to vector<1x10240xf32>
    %squeeze3A_208 = vector.shape_cast %slice3A_207 : vector<1x10240xf32> to vector<10240xf32>
    %get3A_209 = arith.constant 0 : index
    %get3A_210 = arith.constant 10 : index
    %get3A_211 = vector.load %arg2[%get3A_209, %get3A_210] : memref<1x16xf32, #tpu.memory_space<vmem>>, vector<1x1xf32>
    %get3A_212 = vector.extract %get3A_211[0, 0] : f32 from vector<1x1xf32>
    %add3A_213 = vector.broadcast %get3A_212 : f32 to vector<10240xf32>
    %add3A_214 = arith.addf %squeeze3A_208, %add3A_213 : vector<10240xf32>
    %swap3A_215 = arith.constant 102400 : index
    %swap3A_216 = vector.load %arg6[%swap3A_215] : memref<163840xf32, #tpu.memory_space<vmem>>, vector<10240xf32>
    tpu.vector_store %arg6[%swap3A_215], %add3A_214 {strides = array<i32>} : memref<163840xf32, #tpu.memory_space<vmem>>, vector<10240xf32>,
    %slice3A_217 = vector.extract_strided_slice %dot_general3A_10 {offsets = [10, 0], sizes = [1, 10240], strides = [1, 1]} : vector<16x10240xf32> to vector<1x10240xf32>
    %squeeze3A_218 = vector.shape_cast %slice3A_217 : vector<1x10240xf32> to vector<10240xf32>
    %get3A_219 = arith.constant 0 : index
    %get3A_220 = arith.constant 10 : index
    %get3A_221 = vector.load %arg4[%get3A_219, %get3A_220] : memref<1x16xf32, #tpu.memory_space<vmem>>, vector<1x1xf32>
    %get3A_222 = vector.extract %get3A_221[0, 0] : f32 from vector<1x1xf32>
    %add3A_223 = vector.broadcast %get3A_222 : f32 to vector<10240xf32>
    %add3A_224 = arith.addf %squeeze3A_218, %add3A_223 : vector<10240xf32>
    %swap3A_225 = arith.constant 102400 : index
    %swap3A_226 = vector.load %arg5[%swap3A_225] : memref<163840xf32, #tpu.memory_space<vmem>>, vector<10240xf32>
    tpu.vector_store %arg5[%swap3A_225], %add3A_224 {strides = array<i32>} : memref<163840xf32, #tpu.memory_space<vmem>>, vector<10240xf32>,
    %slice3A_227 = vector.extract_strided_slice %dot_general3A_5 {offsets = [11, 0], sizes = [1, 10240], strides = [1, 1]} : vector<16x10240xf32> to vector<1x10240xf32>
    %squeeze3A_228 = vector.shape_cast %slice3A_227 : vector<1x10240xf32> to vector<10240xf32>
    %get3A_229 = arith.constant 0 : index
    %get3A_230 = arith.constant 11 : index
    %get3A_231 = vector.load %arg2[%get3A_229, %get3A_230] : memref<1x16xf32, #tpu.memory_space<vmem>>, vector<1x1xf32>
    %get3A_232 = vector.extract %get3A_231[0, 0] : f32 from vector<1x1xf32>
    %add3A_233 = vector.broadcast %get3A_232 : f32 to vector<10240xf32>
    %add3A_234 = arith.addf %squeeze3A_228, %add3A_233 : vector<10240xf32>
    %swap3A_235 = arith.constant 112640 : index
    %swap3A_236 = vector.load %arg6[%swap3A_235] : memref<163840xf32, #tpu.memory_space<vmem>>, vector<10240xf32>
    tpu.vector_store %arg6[%swap3A_235], %add3A_234 {strides = array<i32>} : memref<163840xf32, #tpu.memory_space<vmem>>, vector<10240xf32>,
    %slice3A_237 = vector.extract_strided_slice %dot_general3A_10 {offsets = [11, 0], sizes = [1, 10240], strides = [1, 1]} : vector<16x10240xf32> to vector<1x10240xf32>
    %squeeze3A_238 = vector.shape_cast %slice3A_237 : vector<1x10240xf32> to vector<10240xf32>
    %get3A_239 = arith.constant 0 : index
    %get3A_240 = arith.constant 11 : index
    %get3A_241 = vector.load %arg4[%get3A_239, %get3A_240] : memref<1x16xf32, #tpu.memory_space<vmem>>, vector<1x1xf32>
    %get3A_242 = vector.extract %get3A_241[0, 0] : f32 from vector<1x1xf32>
    %add3A_243 = vector.broadcast %get3A_242 : f32 to vector<10240xf32>
    %add3A_244 = arith.addf %squeeze3A_238, %add3A_243 : vector<10240xf32>
    %swap3A_245 = arith.constant 112640 : index
    %swap3A_246 = vector.load %arg5[%swap3A_245] : memref<163840xf32, #tpu.memory_space<vmem>>, vector<10240xf32>
    tpu.vector_store %arg5[%swap3A_245], %add3A_244 {strides = array<i32>} : memref<163840xf32, #tpu.memory_space<vmem>>, vector<10240xf32>,
    %slice3A_247 = vector.extract_strided_slice %dot_general3A_5 {offsets = [12, 0], sizes = [1, 10240], strides = [1, 1]} : vector<16x10240xf32> to vector<1x10240xf32>
    %squeeze3A_248 = vector.shape_cast %slice3A_247 : vector<1x10240xf32> to vector<10240xf32>
    %get3A_249 = arith.constant 0 : index
    %get3A_250 = arith.constant 12 : index
    %get3A_251 = vector.load %arg2[%get3A_249, %get3A_250] : memref<1x16xf32, #tpu.memory_space<vmem>>, vector<1x1xf32>
    %get3A_252 = vector.extract %get3A_251[0, 0] : f32 from vector<1x1xf32>
    %add3A_253 = vector.broadcast %get3A_252 : f32 to vector<10240xf32>
    %add3A_254 = arith.addf %squeeze3A_248, %add3A_253 : vector<10240xf32>
    %swap3A_255 = arith.constant 122880 : index
    %swap3A_256 = vector.load %arg6[%swap3A_255] : memref<163840xf32, #tpu.memory_space<vmem>>, vector<10240xf32>
    tpu.vector_store %arg6[%swap3A_255], %add3A_254 {strides = array<i32>} : memref<163840xf32, #tpu.memory_space<vmem>>, vector<10240xf32>,
    %slice3A_257 = vector.extract_strided_slice %dot_general3A_10 {offsets = [12, 0], sizes = [1, 10240], strides = [1, 1]} : vector<16x10240xf32> to vector<1x10240xf32>
    %squeeze3A_258 = vector.shape_cast %slice3A_257 : vector<1x10240xf32> to vector<10240xf32>
    %get3A_259 = arith.constant 0 : index
    %get3A_260 = arith.constant 12 : index
    %get3A_261 = vector.load %arg4[%get3A_259, %get3A_260] : memref<1x16xf32, #tpu.memory_space<vmem>>, vector<1x1xf32>
    %get3A_262 = vector.extract %get3A_261[0, 0] : f32 from vector<1x1xf32>
    %add3A_263 = vector.broadcast %get3A_262 : f32 to vector<10240xf32>
    %add3A_264 = arith.addf %squeeze3A_258, %add3A_263 : vector<10240xf32>
    %swap3A_265 = arith.constant 122880 : index
    %swap3A_266 = vector.load %arg5[%swap3A_265] : memref<163840xf32, #tpu.memory_space<vmem>>, vector<10240xf32>
    tpu.vector_store %arg5[%swap3A_265], %add3A_264 {strides = array<i32>} : memref<163840xf32, #tpu.memory_space<vmem>>, vector<10240xf32>,
    %slice3A_267 = vector.extract_strided_slice %dot_general3A_5 {offsets = [13, 0], sizes = [1, 10240], strides = [1, 1]} : vector<16x10240xf32> to vector<1x10240xf32>
    %squeeze3A_268 = vector.shape_cast %slice3A_267 : vector<1x10240xf32> to vector<10240xf32>
    %get3A_269 = arith.constant 0 : index
    %get3A_270 = arith.constant 13 : index
    %get3A_271 = vector.load %arg2[%get3A_269, %get3A_270] : memref<1x16xf32, #tpu.memory_space<vmem>>, vector<1x1xf32>
    %get3A_272 = vector.extract %get3A_271[0, 0] : f32 from vector<1x1xf32>
    %add3A_273 = vector.broadcast %get3A_272 : f32 to vector<10240xf32>
    %add3A_274 = arith.addf %squeeze3A_268, %add3A_273 : vector<10240xf32>
    %swap3A_275 = arith.constant 133120 : index
    %swap3A_276 = vector.load %arg6[%swap3A_275] : memref<163840xf32, #tpu.memory_space<vmem>>, vector<10240xf32>
    tpu.vector_store %arg6[%swap3A_275], %add3A_274 {strides = array<i32>} : memref<163840xf32, #tpu.memory_space<vmem>>, vector<10240xf32>,
    %slice3A_277 = vector.extract_strided_slice %dot_general3A_10 {offsets = [13, 0], sizes = [1, 10240], strides = [1, 1]} : vector<16x10240xf32> to vector<1x10240xf32>
    %squeeze3A_278 = vector.shape_cast %slice3A_277 : vector<1x10240xf32> to vector<10240xf32>
    %get3A_279 = arith.constant 0 : index
    %get3A_280 = arith.constant 13 : index
    %get3A_281 = vector.load %arg4[%get3A_279, %get3A_280] : memref<1x16xf32, #tpu.memory_space<vmem>>, vector<1x1xf32>
    %get3A_282 = vector.extract %get3A_281[0, 0] : f32 from vector<1x1xf32>
    %add3A_283 = vector.broadcast %get3A_282 : f32 to vector<10240xf32>
    %add3A_284 = arith.addf %squeeze3A_278, %add3A_283 : vector<10240xf32>
    %swap3A_285 = arith.constant 133120 : index
    %swap3A_286 = vector.load %arg5[%swap3A_285] : memref<163840xf32, #tpu.memory_space<vmem>>, vector<10240xf32>
    tpu.vector_store %arg5[%swap3A_285], %add3A_284 {strides = array<i32>} : memref<163840xf32, #tpu.memory_space<vmem>>, vector<10240xf32>,
    %slice3A_287 = vector.extract_strided_slice %dot_general3A_5 {offsets = [14, 0], sizes = [1, 10240], strides = [1, 1]} : vector<16x10240xf32> to vector<1x10240xf32>
    %squeeze3A_288 = vector.shape_cast %slice3A_287 : vector<1x10240xf32> to vector<10240xf32>
    %get3A_289 = arith.constant 0 : index
    %get3A_290 = arith.constant 14 : index
    %get3A_291 = vector.load %arg2[%get3A_289, %get3A_290] : memref<1x16xf32, #tpu.memory_space<vmem>>, vector<1x1xf32>
    %get3A_292 = vector.extract %get3A_291[0, 0] : f32 from vector<1x1xf32>
    %add3A_293 = vector.broadcast %get3A_292 : f32 to vector<10240xf32>
    %add3A_294 = arith.addf %squeeze3A_288, %add3A_293 : vector<10240xf32>
    %swap3A_295 = arith.constant 143360 : index
    %swap3A_296 = vector.load %arg6[%swap3A_295] : memref<163840xf32, #tpu.memory_space<vmem>>, vector<10240xf32>
    tpu.vector_store %arg6[%swap3A_295], %add3A_294 {strides = array<i32>} : memref<163840xf32, #tpu.memory_space<vmem>>, vector<10240xf32>,
    %slice3A_297 = vector.extract_strided_slice %dot_general3A_10 {offsets = [14, 0], sizes = [1, 10240], strides = [1, 1]} : vector<16x10240xf32> to vector<1x10240xf32>
    %squeeze3A_298 = vector.shape_cast %slice3A_297 : vector<1x10240xf32> to vector<10240xf32>
    %get3A_299 = arith.constant 0 : index
    %get3A_300 = arith.constant 14 : index
    %get3A_301 = vector.load %arg4[%get3A_299, %get3A_300] : memref<1x16xf32, #tpu.memory_space<vmem>>, vector<1x1xf32>
    %get3A_302 = vector.extract %get3A_301[0, 0] : f32 from vector<1x1xf32>
    %add3A_303 = vector.broadcast %get3A_302 : f32 to vector<10240xf32>
    %add3A_304 = arith.addf %squeeze3A_298, %add3A_303 : vector<10240xf32>
    %swap3A_305 = arith.constant 143360 : index
    %swap3A_306 = vector.load %arg5[%swap3A_305] : memref<163840xf32, #tpu.memory_space<vmem>>, vector<10240xf32>
    tpu.vector_store %arg5[%swap3A_305], %add3A_304 {strides = array<i32>} : memref<163840xf32, #tpu.memory_space<vmem>>, vector<10240xf32>,
    %slice3A_307 = vector.extract_strided_slice %dot_general3A_5 {offsets = [15, 0], sizes = [1, 10240], strides = [1, 1]} : vector<16x10240xf32> to vector<1x10240xf32>
    %squeeze3A_308 = vector.shape_cast %slice3A_307 : vector<1x10240xf32> to vector<10240xf32>
    %get3A_309 = arith.constant 0 : index
    %get3A_310 = arith.constant 15 : index
    %get3A_311 = vector.load %arg2[%get3A_309, %get3A_310] : memref<1x16xf32, #tpu.memory_space<vmem>>, vector<1x1xf32>
    %get3A_312 = vector.extract %get3A_311[0, 0] : f32 from vector<1x1xf32>
    %add3A_313 = vector.broadcast %get3A_312 : f32 to vector<10240xf32>
    %add3A_314 = arith.addf %squeeze3A_308, %add3A_313 : vector<10240xf32>
    %swap3A_315 = arith.constant 153600 : index
    %swap3A_316 = vector.load %arg6[%swap3A_315] : memref<163840xf32, #tpu.memory_space<vmem>>, vector<10240xf32>
    tpu.vector_store %arg6[%swap3A_315], %add3A_314 {strides = array<i32>} : memref<163840xf32, #tpu.memory_space<vmem>>, vector<10240xf32>,
    %slice3A_317 = vector.extract_strided_slice %dot_general3A_10 {offsets = [15, 0], sizes = [1, 10240], strides = [1, 1]} : vector<16x10240xf32> to vector<1x10240xf32>
    %squeeze3A_318 = vector.shape_cast %slice3A_317 : vector<1x10240xf32> to vector<10240xf32>
    %get3A_319 = arith.constant 0 : index
    %get3A_320 = arith.constant 15 : index
    %get3A_321 = vector.load %arg4[%get3A_319, %get3A_320] : memref<1x16xf32, #tpu.memory_space<vmem>>, vector<1x1xf32>
    %get3A_322 = vector.extract %get3A_321[0, 0] : f32 from vector<1x1xf32>
    %add3A_323 = vector.broadcast %get3A_322 : f32 to vector<10240xf32>
    %add3A_324 = arith.addf %squeeze3A_318, %add3A_323 : vector<10240xf32>
    %swap3A_325 = arith.constant 153600 : index
    %swap3A_326 = vector.load %arg5[%swap3A_325] : memref<163840xf32, #tpu.memory_space<vmem>>, vector<10240xf32>
    tpu.vector_store %arg5[%swap3A_325], %add3A_324 {strides = array<i32>} : memref<163840xf32, #tpu.memory_space<vmem>>, vector<10240xf32>,
    return
  }
}

module attributes {stable_mosaic.version = 14 : i64} {
  func.func @_head_body(%arg0: memref<327680xf32, #tpu.memory_space<vmem>>, %arg1: memref<163840xf32, #tpu.memory_space<vmem>>, %arg2: memref<1x10000xi32, #tpu.memory_space<vmem>>, %arg3: memref<16x16xf32, #tpu.memory_space<vmem>>, %arg4: memref<16x16xf32, #tpu.memory_space<vmem>>, %arg5: memref<16x1xf32, #tpu.memory_space<vmem>>, %arg6: memref<16x16xf32, #tpu.memory_space<vmem>>, %arg7: memref<16x1xf32, #tpu.memory_space<vmem>>, %arg8: memref<16x16xf32, #tpu.memory_space<vmem>>, %arg9: memref<16x1xf32, #tpu.memory_space<vmem>>, %arg10: memref<16x16xf32, #tpu.memory_space<vmem>>, %arg11: memref<16x1xf32, #tpu.memory_space<vmem>>, %arg12: memref<16x64xf32, #tpu.memory_space<vmem>>) attributes {dimension_semantics = [], scalar_prefetch = 0 : i64, scratch_operands = 0 : i64, tpu.core_type = #tpu.core_type<tc>} {
    %get3A = arith.constant 0 : index
    %get3A_0 = vector.load %arg0[%get3A] : memref<327680xf32, #tpu.memory_space<vmem>>, vector<10000xf32>
    %get3A_1 = arith.constant 163840 : index
    %get3A_2 = vector.load %arg0[%get3A_1] : memref<327680xf32, #tpu.memory_space<vmem>>, vector<10000xf32>
    %add3A = arith.addf %get3A_0, %get3A_2 : vector<10000xf32>
    %get3A_3 = arith.constant 10240 : index
    %get3A_4 = vector.load %arg0[%get3A_3] : memref<327680xf32, #tpu.memory_space<vmem>>, vector<10000xf32>
    %get3A_5 = arith.constant 174080 : index
    %get3A_6 = vector.load %arg0[%get3A_5] : memref<327680xf32, #tpu.memory_space<vmem>>, vector<10000xf32>
    %add3A_7 = arith.addf %get3A_4, %get3A_6 : vector<10000xf32>
    %get3A_8 = arith.constant 20480 : index
    %get3A_9 = vector.load %arg0[%get3A_8] : memref<327680xf32, #tpu.memory_space<vmem>>, vector<10000xf32>
    %get3A_10 = arith.constant 184320 : index
    %get3A_11 = vector.load %arg0[%get3A_10] : memref<327680xf32, #tpu.memory_space<vmem>>, vector<10000xf32>
    %add3A_12 = arith.addf %get3A_9, %get3A_11 : vector<10000xf32>
    %get3A_13 = arith.constant 30720 : index
    %get3A_14 = vector.load %arg0[%get3A_13] : memref<327680xf32, #tpu.memory_space<vmem>>, vector<10000xf32>
    %get3A_15 = arith.constant 194560 : index
    %get3A_16 = vector.load %arg0[%get3A_15] : memref<327680xf32, #tpu.memory_space<vmem>>, vector<10000xf32>
    %add3A_17 = arith.addf %get3A_14, %get3A_16 : vector<10000xf32>
    %get3A_18 = arith.constant 40960 : index
    %get3A_19 = vector.load %arg0[%get3A_18] : memref<327680xf32, #tpu.memory_space<vmem>>, vector<10000xf32>
    %get3A_20 = arith.constant 204800 : index
    %get3A_21 = vector.load %arg0[%get3A_20] : memref<327680xf32, #tpu.memory_space<vmem>>, vector<10000xf32>
    %add3A_22 = arith.addf %get3A_19, %get3A_21 : vector<10000xf32>
    %get3A_23 = arith.constant 51200 : index
    %get3A_24 = vector.load %arg0[%get3A_23] : memref<327680xf32, #tpu.memory_space<vmem>>, vector<10000xf32>
    %get3A_25 = arith.constant 215040 : index
    %get3A_26 = vector.load %arg0[%get3A_25] : memref<327680xf32, #tpu.memory_space<vmem>>, vector<10000xf32>
    %add3A_27 = arith.addf %get3A_24, %get3A_26 : vector<10000xf32>
    %get3A_28 = arith.constant 61440 : index
    %get3A_29 = vector.load %arg0[%get3A_28] : memref<327680xf32, #tpu.memory_space<vmem>>, vector<10000xf32>
    %get3A_30 = arith.constant 225280 : index
    %get3A_31 = vector.load %arg0[%get3A_30] : memref<327680xf32, #tpu.memory_space<vmem>>, vector<10000xf32>
    %add3A_32 = arith.addf %get3A_29, %get3A_31 : vector<10000xf32>
    %get3A_33 = arith.constant 71680 : index
    %get3A_34 = vector.load %arg0[%get3A_33] : memref<327680xf32, #tpu.memory_space<vmem>>, vector<10000xf32>
    %get3A_35 = arith.constant 235520 : index
    %get3A_36 = vector.load %arg0[%get3A_35] : memref<327680xf32, #tpu.memory_space<vmem>>, vector<10000xf32>
    %add3A_37 = arith.addf %get3A_34, %get3A_36 : vector<10000xf32>
    %get3A_38 = arith.constant 81920 : index
    %get3A_39 = vector.load %arg0[%get3A_38] : memref<327680xf32, #tpu.memory_space<vmem>>, vector<10000xf32>
    %get3A_40 = arith.constant 245760 : index
    %get3A_41 = vector.load %arg0[%get3A_40] : memref<327680xf32, #tpu.memory_space<vmem>>, vector<10000xf32>
    %add3A_42 = arith.addf %get3A_39, %get3A_41 : vector<10000xf32>
    %get3A_43 = arith.constant 92160 : index
    %get3A_44 = vector.load %arg0[%get3A_43] : memref<327680xf32, #tpu.memory_space<vmem>>, vector<10000xf32>
    %get3A_45 = arith.constant 256000 : index
    %get3A_46 = vector.load %arg0[%get3A_45] : memref<327680xf32, #tpu.memory_space<vmem>>, vector<10000xf32>
    %add3A_47 = arith.addf %get3A_44, %get3A_46 : vector<10000xf32>
    %get3A_48 = arith.constant 102400 : index
    %get3A_49 = vector.load %arg0[%get3A_48] : memref<327680xf32, #tpu.memory_space<vmem>>, vector<10000xf32>
    %get3A_50 = arith.constant 266240 : index
    %get3A_51 = vector.load %arg0[%get3A_50] : memref<327680xf32, #tpu.memory_space<vmem>>, vector<10000xf32>
    %add3A_52 = arith.addf %get3A_49, %get3A_51 : vector<10000xf32>
    %get3A_53 = arith.constant 112640 : index
    %get3A_54 = vector.load %arg0[%get3A_53] : memref<327680xf32, #tpu.memory_space<vmem>>, vector<10000xf32>
    %get3A_55 = arith.constant 276480 : index
    %get3A_56 = vector.load %arg0[%get3A_55] : memref<327680xf32, #tpu.memory_space<vmem>>, vector<10000xf32>
    %add3A_57 = arith.addf %get3A_54, %get3A_56 : vector<10000xf32>
    %get3A_58 = arith.constant 122880 : index
    %get3A_59 = vector.load %arg0[%get3A_58] : memref<327680xf32, #tpu.memory_space<vmem>>, vector<10000xf32>
    %get3A_60 = arith.constant 286720 : index
    %get3A_61 = vector.load %arg0[%get3A_60] : memref<327680xf32, #tpu.memory_space<vmem>>, vector<10000xf32>
    %add3A_62 = arith.addf %get3A_59, %get3A_61 : vector<10000xf32>
    %get3A_63 = arith.constant 133120 : index
    %get3A_64 = vector.load %arg0[%get3A_63] : memref<327680xf32, #tpu.memory_space<vmem>>, vector<10000xf32>
    %get3A_65 = arith.constant 296960 : index
    %get3A_66 = vector.load %arg0[%get3A_65] : memref<327680xf32, #tpu.memory_space<vmem>>, vector<10000xf32>
    %add3A_67 = arith.addf %get3A_64, %get3A_66 : vector<10000xf32>
    %get3A_68 = arith.constant 143360 : index
    %get3A_69 = vector.load %arg0[%get3A_68] : memref<327680xf32, #tpu.memory_space<vmem>>, vector<10000xf32>
    %get3A_70 = arith.constant 307200 : index
    %get3A_71 = vector.load %arg0[%get3A_70] : memref<327680xf32, #tpu.memory_space<vmem>>, vector<10000xf32>
    %add3A_72 = arith.addf %get3A_69, %get3A_71 : vector<10000xf32>
    %get3A_73 = arith.constant 153600 : index
    %get3A_74 = vector.load %arg0[%get3A_73] : memref<327680xf32, #tpu.memory_space<vmem>>, vector<10000xf32>
    %get3A_75 = arith.constant 317440 : index
    %get3A_76 = vector.load %arg0[%get3A_75] : memref<327680xf32, #tpu.memory_space<vmem>>, vector<10000xf32>
    %add3A_77 = arith.addf %get3A_74, %get3A_76 : vector<10000xf32>
    %stack3A = vector.shape_cast %add3A : vector<10000xf32> to vector<1x10000xf32>
    %stack3A_78 = vector.shape_cast %add3A_7 : vector<10000xf32> to vector<1x10000xf32>
    %stack3A_79 = vector.shape_cast %add3A_12 : vector<10000xf32> to vector<1x10000xf32>
    %stack3A_80 = vector.shape_cast %add3A_17 : vector<10000xf32> to vector<1x10000xf32>
    %stack3A_81 = vector.shape_cast %add3A_22 : vector<10000xf32> to vector<1x10000xf32>
    %stack3A_82 = vector.shape_cast %add3A_27 : vector<10000xf32> to vector<1x10000xf32>
    %stack3A_83 = vector.shape_cast %add3A_32 : vector<10000xf32> to vector<1x10000xf32>
    %stack3A_84 = vector.shape_cast %add3A_37 : vector<10000xf32> to vector<1x10000xf32>
    %stack3A_85 = vector.shape_cast %add3A_42 : vector<10000xf32> to vector<1x10000xf32>
    %stack3A_86 = vector.shape_cast %add3A_47 : vector<10000xf32> to vector<1x10000xf32>
    %stack3A_87 = vector.shape_cast %add3A_52 : vector<10000xf32> to vector<1x10000xf32>
    %stack3A_88 = vector.shape_cast %add3A_57 : vector<10000xf32> to vector<1x10000xf32>
    %stack3A_89 = vector.shape_cast %add3A_62 : vector<10000xf32> to vector<1x10000xf32>
    %stack3A_90 = vector.shape_cast %add3A_67 : vector<10000xf32> to vector<1x10000xf32>
    %stack3A_91 = vector.shape_cast %add3A_72 : vector<10000xf32> to vector<1x10000xf32>
    %stack3A_92 = vector.shape_cast %add3A_77 : vector<10000xf32> to vector<1x10000xf32>
    %stack3A_93 = tpu.concatenate %stack3A, %stack3A_78, %stack3A_79, %stack3A_80, %stack3A_81, %stack3A_82, %stack3A_83, %stack3A_84, %stack3A_85, %stack3A_86, %stack3A_87, %stack3A_88, %stack3A_89, %stack3A_90, %stack3A_91, %stack3A_92 in 0 : vector<1x10000xf32>, vector<1x10000xf32>, vector<1x10000xf32>, vector<1x10000xf32>, vector<1x10000xf32>, vector<1x10000xf32>, vector<1x10000xf32>, vector<1x10000xf32>, vector<1x10000xf32>, vector<1x10000xf32>, vector<1x10000xf32>, vector<1x10000xf32>, vector<1x10000xf32>, vector<1x10000xf32>, vector<1x10000xf32>, vector<1x10000xf32> -> vector<16x10000xf32>
    %get3A_94 = arith.constant 0 : index
    %get3A_95 = vector.load %arg1[%get3A_94] : memref<163840xf32, #tpu.memory_space<vmem>>, vector<10000xf32>
    %get3A_96 = arith.constant 10240 : index
    %get3A_97 = vector.load %arg1[%get3A_96] : memref<163840xf32, #tpu.memory_space<vmem>>, vector<10000xf32>
    %get3A_98 = arith.constant 20480 : index
    %get3A_99 = vector.load %arg1[%get3A_98] : memref<163840xf32, #tpu.memory_space<vmem>>, vector<10000xf32>
    %get3A_100 = arith.constant 30720 : index
    %get3A_101 = vector.load %arg1[%get3A_100] : memref<163840xf32, #tpu.memory_space<vmem>>, vector<10000xf32>
    %get3A_102 = arith.constant 40960 : index
    %get3A_103 = vector.load %arg1[%get3A_102] : memref<163840xf32, #tpu.memory_space<vmem>>, vector<10000xf32>
    %get3A_104 = arith.constant 51200 : index
    %get3A_105 = vector.load %arg1[%get3A_104] : memref<163840xf32, #tpu.memory_space<vmem>>, vector<10000xf32>
    %get3A_106 = arith.constant 61440 : index
    %get3A_107 = vector.load %arg1[%get3A_106] : memref<163840xf32, #tpu.memory_space<vmem>>, vector<10000xf32>
    %get3A_108 = arith.constant 71680 : index
    %get3A_109 = vector.load %arg1[%get3A_108] : memref<163840xf32, #tpu.memory_space<vmem>>, vector<10000xf32>
    %get3A_110 = arith.constant 81920 : index
    %get3A_111 = vector.load %arg1[%get3A_110] : memref<163840xf32, #tpu.memory_space<vmem>>, vector<10000xf32>
    %get3A_112 = arith.constant 92160 : index
    %get3A_113 = vector.load %arg1[%get3A_112] : memref<163840xf32, #tpu.memory_space<vmem>>, vector<10000xf32>
    %get3A_114 = arith.constant 102400 : index
    %get3A_115 = vector.load %arg1[%get3A_114] : memref<163840xf32, #tpu.memory_space<vmem>>, vector<10000xf32>
    %get3A_116 = arith.constant 112640 : index
    %get3A_117 = vector.load %arg1[%get3A_116] : memref<163840xf32, #tpu.memory_space<vmem>>, vector<10000xf32>
    %get3A_118 = arith.constant 122880 : index
    %get3A_119 = vector.load %arg1[%get3A_118] : memref<163840xf32, #tpu.memory_space<vmem>>, vector<10000xf32>
    %get3A_120 = arith.constant 133120 : index
    %get3A_121 = vector.load %arg1[%get3A_120] : memref<163840xf32, #tpu.memory_space<vmem>>, vector<10000xf32>
    %get3A_122 = arith.constant 143360 : index
    %get3A_123 = vector.load %arg1[%get3A_122] : memref<163840xf32, #tpu.memory_space<vmem>>, vector<10000xf32>
    %get3A_124 = arith.constant 153600 : index
    %get3A_125 = vector.load %arg1[%get3A_124] : memref<163840xf32, #tpu.memory_space<vmem>>, vector<10000xf32>
    %stack3A_126 = vector.shape_cast %get3A_95 : vector<10000xf32> to vector<1x10000xf32>
    %stack3A_127 = vector.shape_cast %get3A_97 : vector<10000xf32> to vector<1x10000xf32>
    %stack3A_128 = vector.shape_cast %get3A_99 : vector<10000xf32> to vector<1x10000xf32>
    %stack3A_129 = vector.shape_cast %get3A_101 : vector<10000xf32> to vector<1x10000xf32>
    %stack3A_130 = vector.shape_cast %get3A_103 : vector<10000xf32> to vector<1x10000xf32>
    %stack3A_131 = vector.shape_cast %get3A_105 : vector<10000xf32> to vector<1x10000xf32>
    %stack3A_132 = vector.shape_cast %get3A_107 : vector<10000xf32> to vector<1x10000xf32>
    %stack3A_133 = vector.shape_cast %get3A_109 : vector<10000xf32> to vector<1x10000xf32>
    %stack3A_134 = vector.shape_cast %get3A_111 : vector<10000xf32> to vector<1x10000xf32>
    %stack3A_135 = vector.shape_cast %get3A_113 : vector<10000xf32> to vector<1x10000xf32>
    %stack3A_136 = vector.shape_cast %get3A_115 : vector<10000xf32> to vector<1x10000xf32>
    %stack3A_137 = vector.shape_cast %get3A_117 : vector<10000xf32> to vector<1x10000xf32>
    %stack3A_138 = vector.shape_cast %get3A_119 : vector<10000xf32> to vector<1x10000xf32>
    %stack3A_139 = vector.shape_cast %get3A_121 : vector<10000xf32> to vector<1x10000xf32>
    %stack3A_140 = vector.shape_cast %get3A_123 : vector<10000xf32> to vector<1x10000xf32>
    %stack3A_141 = vector.shape_cast %get3A_125 : vector<10000xf32> to vector<1x10000xf32>
    %stack3A_142 = tpu.concatenate %stack3A_126, %stack3A_127, %stack3A_128, %stack3A_129, %stack3A_130, %stack3A_131, %stack3A_132, %stack3A_133, %stack3A_134, %stack3A_135, %stack3A_136, %stack3A_137, %stack3A_138, %stack3A_139, %stack3A_140, %stack3A_141 in 0 : vector<1x10000xf32>, vector<1x10000xf32>, vector<1x10000xf32>, vector<1x10000xf32>, vector<1x10000xf32>, vector<1x10000xf32>, vector<1x10000xf32>, vector<1x10000xf32>, vector<1x10000xf32>, vector<1x10000xf32>, vector<1x10000xf32>, vector<1x10000xf32>, vector<1x10000xf32>, vector<1x10000xf32>, vector<1x10000xf32>, vector<1x10000xf32> -> vector<16x10000xf32>
    %get3A_143 = arith.constant 0 : index
    %get3A_144 = arith.constant 0 : index
    %get3A_145 = vector.load %arg3[%get3A_143, %get3A_144] : memref<16x16xf32, #tpu.memory_space<vmem>>, vector<16x16xf32>
    %dot_general3A = arith.constant dense<0.000000e+00> : vector<16x10000xf32>
    %dot_general3A_146 = tpu.matmul %get3A_145, %stack3A_93, %dot_general3A {dimension_numbers = #tpu.dot_dimension_numbers<[1], [0], [0], [1], [0, 0, 1, 1], [], []>, transpose_lhs_hint = false} : vector<16x16xf32>, vector<16x10000xf32>, vector<16x10000xf32> -> vector<16x10000xf32>
    %add3A_147 = arith.addf %stack3A_142, %dot_general3A_146 : vector<16x10000xf32>
    %max3A = arith.constant 0.000000e+00 : f32
    %max3A_148 = vector.broadcast %max3A : f32 to vector<16x10000xf32>
    %max3A_149 = arith.maximumf %add3A_147, %max3A_148 : vector<16x10000xf32>
    %get3A_150 = arith.constant 0 : index
    %get3A_151 = arith.constant 0 : index
    %get3A_152 = vector.load %arg4[%get3A_150, %get3A_151] : memref<16x16xf32, #tpu.memory_space<vmem>>, vector<16x16xf32>
    %dot_general3A_153 = arith.constant dense<0.000000e+00> : vector<16x10000xf32>
    %dot_general3A_154 = tpu.matmul %get3A_152, %max3A_149, %dot_general3A_153 {dimension_numbers = #tpu.dot_dimension_numbers<[1], [0], [0], [1], [0, 0, 1, 1], [], []>, transpose_lhs_hint = false} : vector<16x16xf32>, vector<16x10000xf32>, vector<16x10000xf32> -> vector<16x10000xf32>
    %get3A_155 = arith.constant 0 : index
    %get3A_156 = arith.constant 0 : index
    %get3A_157 = vector.load %arg5[%get3A_155, %get3A_156] : memref<16x1xf32, #tpu.memory_space<vmem>>, vector<16x1xf32>
    %add3A_158 = vector.broadcast %get3A_157 : vector<16x1xf32> to vector<16x10000xf32>
    %add3A_159 = arith.addf %dot_general3A_154, %add3A_158 : vector<16x10000xf32>
    %logistic3A = arith.negf %add3A_159 : vector<16x10000xf32>
    %logistic3A_160 = math.exp %logistic3A : vector<16x10000xf32>
    %logistic3A_161 = arith.constant 1.000000e+00 : f32
    %logistic3A_162 = vector.broadcast %logistic3A_161 : f32 to vector<16x10000xf32>
    %logistic3A_163 = arith.addf %logistic3A_162, %logistic3A_160 : vector<16x10000xf32>
    %logistic3A_164 = arith.divf %logistic3A_162, %logistic3A_163 : vector<16x10000xf32>
    %get3A_165 = arith.constant 0 : index
    %get3A_166 = arith.constant 0 : index
    %get3A_167 = vector.load %arg6[%get3A_165, %get3A_166] : memref<16x16xf32, #tpu.memory_space<vmem>>, vector<16x16xf32>
    %dot_general3A_168 = arith.constant dense<0.000000e+00> : vector<16x10000xf32>
    %dot_general3A_169 = tpu.matmul %get3A_167, %logistic3A_164, %dot_general3A_168 {dimension_numbers = #tpu.dot_dimension_numbers<[1], [0], [0], [1], [0, 0, 1, 1], [], []>, transpose_lhs_hint = false} : vector<16x16xf32>, vector<16x10000xf32>, vector<16x10000xf32> -> vector<16x10000xf32>
    %get3A_170 = arith.constant 0 : index
    %get3A_171 = arith.constant 0 : index
    %get3A_172 = vector.load %arg7[%get3A_170, %get3A_171] : memref<16x1xf32, #tpu.memory_space<vmem>>, vector<16x1xf32>
    %add3A_173 = vector.broadcast %get3A_172 : vector<16x1xf32> to vector<16x10000xf32>
    %add3A_174 = arith.addf %dot_general3A_169, %add3A_173 : vector<16x10000xf32>
    %logistic3A_175 = arith.negf %add3A_174 : vector<16x10000xf32>
    %logistic3A_176 = math.exp %logistic3A_175 : vector<16x10000xf32>
    %logistic3A_177 = arith.constant 1.000000e+00 : f32
    %logistic3A_178 = vector.broadcast %logistic3A_177 : f32 to vector<16x10000xf32>
    %logistic3A_179 = arith.addf %logistic3A_178, %logistic3A_176 : vector<16x10000xf32>
    %logistic3A_180 = arith.divf %logistic3A_178, %logistic3A_179 : vector<16x10000xf32>
    %iota3A = tpu.iota {dimensions = array<i32: 0>} : vector<64x10000xi32>
    %get3A_181 = arith.constant 0 : index
    %get3A_182 = arith.constant 0 : index
    %get3A_183 = vector.load %arg2[%get3A_181, %get3A_182] : memref<1x10000xi32, #tpu.memory_space<vmem>>, vector<1x10000xi32>
    %eq3A = vector.broadcast %get3A_183 : vector<1x10000xi32> to vector<64x10000xi32>
    %eq3A_184 = arith.cmpi eq, %iota3A, %eq3A : vector<64x10000xi32>
    %jit3A = arith.constant 1.000000e+00 : f32
    %jit3A_185 = arith.constant 0.000000e+00 : f32
    %broadcast_in_dim3A = vector.broadcast %jit3A : f32 to vector<64x10000xf32>
    %broadcast_in_dim3A_186 = vector.broadcast %jit3A_185 : f32 to vector<64x10000xf32>
    %select_n3A = arith.select %eq3A_184, %broadcast_in_dim3A, %broadcast_in_dim3A_186 : vector<64x10000xi1>, vector<64x10000xf32>
    %dot_general3A_187 = arith.constant dense<0.000000e+00> : vector<16x64xf32>
    %dot_general3A_188 = tpu.matmul %logistic3A_180, %select_n3A, %dot_general3A_187 {dimension_numbers = #tpu.dot_dimension_numbers<[1], [1], [0], [0], [0, 0, 1, 0], [], []>, transpose_lhs_hint = false} : vector<16x10000xf32>, vector<64x10000xf32>, vector<16x64xf32> -> vector<16x64xf32>
    %get3A_189 = arith.constant 0 : index
    %get3A_190 = arith.constant 0 : index
    %get3A_191 = vector.load %arg8[%get3A_189, %get3A_190] : memref<16x16xf32, #tpu.memory_space<vmem>>, vector<16x16xf32>
    %dot_general3A_192 = arith.constant dense<0.000000e+00> : vector<16x64xf32>
    %dot_general3A_193 = tpu.matmul %get3A_191, %dot_general3A_188, %dot_general3A_192 {dimension_numbers = #tpu.dot_dimension_numbers<[1], [0], [0], [1], [0, 0, 1, 1], [], []>, transpose_lhs_hint = false} : vector<16x16xf32>, vector<16x64xf32>, vector<16x64xf32> -> vector<16x64xf32>
    %get3A_194 = arith.constant 0 : index
    %get3A_195 = arith.constant 0 : index
    %get3A_196 = vector.load %arg9[%get3A_194, %get3A_195] : memref<16x1xf32, #tpu.memory_space<vmem>>, vector<16x1xf32>
    %add3A_197 = vector.broadcast %get3A_196 : vector<16x1xf32> to vector<16x64xf32>
    %add3A_198 = arith.addf %dot_general3A_193, %add3A_197 : vector<16x64xf32>
    %logistic3A_199 = arith.negf %add3A_198 : vector<16x64xf32>
    %logistic3A_200 = math.exp %logistic3A_199 : vector<16x64xf32>
    %logistic3A_201 = arith.constant 1.000000e+00 : f32
    %logistic3A_202 = vector.broadcast %logistic3A_201 : f32 to vector<16x64xf32>
    %logistic3A_203 = arith.addf %logistic3A_202, %logistic3A_200 : vector<16x64xf32>
    %logistic3A_204 = arith.divf %logistic3A_202, %logistic3A_203 : vector<16x64xf32>
    %get3A_205 = arith.constant 0 : index
    %get3A_206 = arith.constant 0 : index
    %get3A_207 = vector.load %arg10[%get3A_205, %get3A_206] : memref<16x16xf32, #tpu.memory_space<vmem>>, vector<16x16xf32>
    %dot_general3A_208 = arith.constant dense<0.000000e+00> : vector<16x64xf32>
    %dot_general3A_209 = tpu.matmul %get3A_207, %logistic3A_204, %dot_general3A_208 {dimension_numbers = #tpu.dot_dimension_numbers<[1], [0], [0], [1], [0, 0, 1, 1], [], []>, transpose_lhs_hint = false} : vector<16x16xf32>, vector<16x64xf32>, vector<16x64xf32> -> vector<16x64xf32>
    %get3A_210 = arith.constant 0 : index
    %get3A_211 = arith.constant 0 : index
    %get3A_212 = vector.load %arg11[%get3A_210, %get3A_211] : memref<16x1xf32, #tpu.memory_space<vmem>>, vector<16x1xf32>
    %add3A_213 = vector.broadcast %get3A_212 : vector<16x1xf32> to vector<16x64xf32>
    %add3A_214 = arith.addf %dot_general3A_209, %add3A_213 : vector<16x64xf32>
    %swap3A = arith.constant 0 : index
    %swap3A_215 = arith.constant 0 : index
    %swap3A_216 = vector.load %arg12[%swap3A, %swap3A_215] : memref<16x64xf32, #tpu.memory_space<vmem>>, vector<16x64xf32>
    tpu.vector_store %arg12[%swap3A, %swap3A_215], %add3A_214 {strides = array<i32>} : memref<16x64xf32, #tpu.memory_space<vmem>>, vector<16x64xf32>,
    return
  }
}

</mosaic_0001>

<sc_bundles>
// kernel: kernel.6.cloned.1.call-start
scs
__scs_entry_jumppad:
0x0: {  	(pc) =	sbr.rel $0x88, $3  }
0x1: {  	(tag) =	ssettag $0x0;
	lr =	simm.s32 $0x1  }
0x2: {  	[smem:$0x3F91] =	sst lr;
	_ =	strace $0xD0000000  }
0x3: {  	_ = 	snop  }
0x4: {  	_ = 	snop  }
0x5: {  	_ = 	snop  }
0x6: {  	_ = 	snop  }
0x7: {  	_ = 	snop  }
__scs_overlays_trampoline_lowered:
0x8: {  	[smem:$0x3FA0] =	sst s0  }
0x9: {  	[smem:$0x3FA1] =	sst s1  }
0xa: {  	[smem:$0x3FA2] =	sst s2  }
0xb: {  	[smem:$0x3FA3] =	sst s3  }
0xc: {  	[smem:$0x3FA4] =	sst s4  }
0xd: {  	[smem:$0x3FA5] =	sst s5  }
0xe: {  	[smem:$0x3FA6] =	sst s6  }
0xf: {  	[smem:$0x3FA7] =	sst s7  }
0x10: {  	[smem:$0x3FA8] =	sst s8  }
0x11: {  	[smem:$0x3FA9] =	sst s9;
	s0 =	simm.s32 @!p0 $0x0  }
0x12: {  	s1 =	sld [smem:$0x3F8F];
	s0 =	simm.s32 @p0 $0x1  }
0x13: {  	[smem:$0x3FAA] =	sst s0;
	s0 =	simm.s32 @!p1 $0x0  }
0x14: {  	s2 =	sld [smem:$0x3F8E];
	s0 =	simm.s32 @p1 $0x1  }
0x15: {  	[smem:$0x3FAB] =	sst s0;
	s0 =	simm.s32 @!p2 $0x0  }
0x16: {  	s3 =	sld [smem:$0x3FDB];
	s0 =	simm.s32 @p2 $0x1  }
0x17: {  	s4 =	simm.s32 $0x1BF5;
	[smem:$0x3FAD] =	sst s0  }
0x18: {  	s0 =	sld [smem:$0x3F90];
	_ =	swait.ge [sflag:s4], $0x0  }
0x19: {  	s7 =	sld [smem:$0x3F91]  }
0x1a: {  	s8 =	sadd.s32 $0xFFFFE003, lr  }
0x1b: {  	s9 =	sadd.s32 $0xFFFFFEF7, lr;
	s5 =	simm.s32 $0xFFFFFFFF;
	p2 =	slt.u32 s8, $0xFFFFF086  }
0x1c: {  	p1 =	slt.u32 s9, $0xF7A;
	s5 =	simm.s32 @!p2 $0x0  }
0x1d: {  	s5 =	simm.s32 @p1 $0x1;
	p0 =	seq.s32 s7, s2  }
0x1e: {  	s7 =	smul.u32 @!p0 $0xF7A, s2;
	p2 =	seq.s32 @!p0 s5, $0x0  }
0x1f: {  	s9 =	smul.u32 $0xF7A, s1;
	s8 =	simm.s32 @!p0 $0x1BF5;
	p2 =	por !p2, p0  }
0x20: {  	[sflag:s8] =	ssyncset.s32 @!p0 $0xFFFFF086;
	s6 =	sadd.s32 @!p0 s3, s7;
	s7 =	simm.s32 @!p0 $0x108  }
0x21: {  	s3 =	sadd.s32 s3, s9;
	s6 =	sadd.s32 @!p0 $0x88, s6;
	s7 =	simm.s32 @p2 $0x1082  }
0x22: {  	[simem:s7], [sflag:s8] =	dma.local @!p0 [hbm:s6], $0xF7A  }
0x23: {  	s9 =	sor.u32 $0xD0000000, s2;
	s6 =	simm.s32 $0x108;
	_ =	swait.ge @!p0 [sflag:s8], $0x0  }
0x24: {  	s3 =	sadd.s32 $0x88, s3;
	s6 =	simm.s32 @!p1 $0x1082;
	[sflag:s4] =	ssyncset.s32 $0xFFFFF086  }
0x25: {  	[simem:s6], [sflag:s4] =	dma.local [hbm:s3], $0xF7A  }
0x26: {  	[smem:$0x3F91] =	sst s1;
	(tag) =	ssettag s2;
	_ =	strace s9  }
0x27: {  	s1 =	sld [smem:$0x3FA1]  }
0x28: {  	s2 =	sld [smem:$0x3FA2]  }
0x29: {  	s4 =	sld [smem:$0x3FA4]  }
0x2a: {  	p0 =	seq.s32 s5, $0x0;
	s5 =	sld [smem:$0x3FA5]  }
0x2b: {  	s6 =	sld [smem:$0x3FA6]  }
0x2c: {  	s7 =	sld [smem:$0x3FA7]  }
0x2d: {  	s3 =	simm.s32 $0x108;
	s8 =	sld [smem:$0x3FA8]  }
0x2e: {  	s3 =	simm.s32 @!p0 $0x1082;
	s9 =	sld [smem:$0x3FA9]  }
0x2f: {  	lr =	sadd.s32 s0, s3;
	s0 =	sld [smem:$0x3FA0]  }
0x30: {  	s3 =	sld [smem:$0x3FA3]  }
0x31: {  	[smem:$0x3FAC] =	sst s10  }
0x32: {  	s10 =	sld [smem:$0x3FAA];
	_ =	sdelay $0x3  }
0x33: {  	p0 =	seq.s32 s10, $0x1;
	s10 =	sld [smem:$0x3FAC];
	_ =	sdelay $0x3  }
0x34: {  	[smem:$0x3FAC] =	sst s10  }
0x35: {  	s10 =	sld [smem:$0x3FAB];
	_ =	sdelay $0x3  }
0x36: {  	p1 =	seq.s32 s10, $0x1;
	s10 =	sld [smem:$0x3FAC];
	_ =	sdelay $0x3  }
0x37: {  	[smem:$0x3FAC] =	sst s10  }
0x38: {  	s10 =	sld [smem:$0x3FAD]  }
0x39: {  	_ = 	snop;
	(pc) =	sbr.ind lr, $3  }
0x3a: {  	_ = 	snop  }
0x3b: {  	_ = 	snop  }
0x3c: {  	p2 =	seq.s32 s10, $0x1;
	s10 =	sld [smem:$0x3FAC]  }
0x3d: {  	_ =	shalt  }
0x3e: {  	_ =	shalt  }
0x3f: {  	_ =	shalt  }
0x40: {  	_ =	shalt  }
0x41: {  	_ =	shalt  }
0x42: {  	_ =	shalt  }
0x43: {  	_ =	shalt  }
0x44: {  	_ =	shalt  }
0x45: {  	_ =	shalt  }
0x46: {  	_ =	shalt  }
0x47: {  	_ =	shalt  }
0x48: {  	_ =	shalt  }
0x49: {  	_ =	shalt  }
0x4a: {  	_ =	shalt  }
0x4b: {  	_ =	shalt  }
0x4c: {  	_ =	shalt  }
0x4d: {  	_ =	shalt  }
0x4e: {  	_ =	shalt  }
0x4f: {  	_ =	shalt  }
0x50: {  	_ =	shalt  }
0x51: {  	_ =	shalt  }
0x52: {  	_ =	shalt  }
0x53: {  	_ =	shalt  }
0x54: {  	_ =	shalt  }
0x55: {  	_ =	shalt  }
0x56: {  	_ =	shalt  }
0x57: {  	_ =	shalt  }
0x58: {  	_ =	shalt  }
0x59: {  	_ =	shalt  }
0x5a: {  	_ =	shalt  }
0x5b: {  	_ =	shalt  }
0x5c: {  	_ =	shalt  }
0x5d: {  	_ =	shalt  }
0x5e: {  	_ =	shalt  }
0x5f: {  	_ =	shalt  }
0x60: {  	_ =	shalt  }
0x61: {  	_ =	shalt  }
0x62: {  	_ =	shalt  }
0x63: {  	_ =	shalt  }
0x64: {  	_ =	shalt  }
0x65: {  	_ =	shalt  }
0x66: {  	_ =	shalt  }
0x67: {  	_ =	shalt  }
0x68: {  	_ =	shalt  }
0x69: {  	_ =	shalt  }
0x6a: {  	_ =	shalt  }
0x6b: {  	_ =	shalt  }
0x6c: {  	_ =	shalt  }
0x6d: {  	_ =	shalt  }
0x6e: {  	_ =	shalt  }
0x6f: {  	_ =	shalt  }
0x70: {  	_ =	shalt  }
0x71: {  	_ =	shalt  }
0x72: {  	_ =	shalt  }
0x73: {  	_ =	shalt  }
0x74: {  	_ =	shalt  }
0x75: {  	_ =	shalt  }
0x76: {  	_ =	shalt  }
0x77: {  	_ =	shalt  }
0x78: {  	_ =	shalt  }
0x79: {  	_ =	shalt  }
0x7a: {  	_ =	shalt  }
0x7b: {  	_ =	shalt  }
0x7c: {  	_ =	shalt  }
0x7d: {  	_ =	shalt  }
0x7e: {  	_ =	shalt  }
0x7f: {  	_ =	shalt  }
0x80: {  	_ =	shalt  }
0x81: {  	_ =	shalt  }
0x82: {  	_ =	shalt  }
0x83: {  	_ =	shalt  }
0x84: {  	_ =	shalt  }
0x85: {  	_ =	shalt  }
0x86: {  	_ =	shalt  }
0x87: {  	_ =	shalt  }
.Lfunc_end0:
.L_simem_size_0:
called_computation_lowered:
.L_overlay_start_0:
0x88: {  	s2 =	sld [smem:$0x3FD9]  }
0x89: {  	s3 =	sld [smem:$0x3FFE];
	_ =	sdelay $0x1  }
0x8a: {  	s1 =	srdreg.scid  }
0x8b: {  	s0 =	sand.u32 $0x1, s1  }
0x8c: {  	s16 =	sshll.u32 s0, $0xA;
	s2 =	sadd.s32 s3, s2  }
0x8d: {  	s2 =	sadd.s32 s2, s16  }
0x8e: {  	[smem:$0x3FB8] =	sst s2  }
0x8f: {  	_ = 	snop  }
0x90: {  	(tm) =	ssettm $0x1  }
0x91: {  	s17 =	sld [smem:$0x3FFB];
	_ =	sdelay $0x3  }
0x92: {  	_ =	strace s17  }
0x93: {  	s2 =	sld [smem:$0x3FFC];
	_ =	sdelay $0x3  }
0x94: {  	_ =	strace s2  }
0x95: {  	s2 =	sld [smem:$0x3FFD];
	_ =	sdelay $0x3  }
0x96: {  	_ =	strace s2  }
0x97: {  	_ =	strace $0x8FFFFFFF  }
0x98: {  	s18 =	sld [smem:$0x3FDB];
	_ =	sdelay $0x1  }
0x99: {  	s19 =	simm.s32 $_scs_section_size  }
0x9a: {  	s4 =	simm.s32 $_size__tile_overlayer_lowered;
	s5 =	simm.s32 $_tile_overlayer_lowered  }
0x9b: {  	s22 =	simm.s32 $0x1BFF;
	s21 =	sshll.u32 s5, $0x1;
	s2 =	sadd.s32 s19, s18  }
0x9c: {  	s6 =	simm.s32 $0x0;
	s20 =	sshll.u32 s4, $0x1;
	s4 =	sadd.s32 s21, s2  }
0x9d: {  	[timem:s6], [sflag:s22] =	dma.local [hbm:s4], s20  }
0x9e: {  	_ =	swait.ge [sflag:s22], s20  }
0x9f: {  	s3 =	ssub.s32 $0x0, s20;
	[sflag:s22] =	ssyncset.done $0x0  }
0xa0: {  	[sflag:s22] =	ssyncadd.s32 s3;
	_ =	sdelay $0x1  }
0xa1: {  	s23 =	simm.s32 $0x1B8B  }
0xa2: {  	_ =	swait.ge [sflag:s23], $0x1  }
0xa3: {  	[sflag:s23] =	ssyncset.done $0x0  }
0xa4: {  	s25 =	simm.s32 $0x1B8E;
	s24 =	sld [smem:$0x3FFE];
	[sflag:s23] =	ssyncadd.s32 $0xFFFFFFFF  }
0xa5: {  	s26 =	simm.s32 $execute0_lowered;
	[smem:$0x3FD2] =	sst s25  }
0xa6: {  	s4 =	sshll.u32 s26, $0x1;
	_ =	strace $0x80000046;
	[dreg:$0x1] =	wrdreg $0xFFFFFFFF  }
0xa7: {  	s28 =	simm.s32 $_size_execute0_lowered;
	s2 =	sadd.s32 s2, s4;
	[dreg:$0x0] =	wrdreg $0x0  }
0xa8: {  	s4 =	sshll.u32 s28, $0x1;
	[dreg:$0x2] =	wrdreg s2  }
0xa9: {  	[dreg:$0x3] =	wrdreg s4  }
0xaa: {  	[dreg:$0x4] =	wrdreg $0xC0  }
0xab: {  	_ =	task [dreg:s6], $0x5FFFF  }
0xac: {  	[dreg:$0x1] =	wrdreg $0xFFFFFFFF  }
0xad: {  	[dreg:$0x0] =	wrdreg $0x60  }
0xae: {  	[dreg:$0x2] =	wrdreg s24  }
0xaf: {  	[dreg:$0x3] =	wrdreg $0x1AC700  }
0xb0: {  	[dreg:$0x4] =	wrdreg $0x1D4700  }
0xb1: {  	[dreg:$0x5] =	wrdreg $0x9  }
0xb2: {  	_ =	task.clear_ibuf [dreg:s6], $0x6FFFF;
	_ =	strace $0x90000046  }
0xb3: {  	s29 =	simm.s32 $0x9;
	_ =	strace $0x80000048  }
0xb4: {  	_ =	swait.ge [sflag:s29], $0x1  }
0xb5: {  	[sflag:s29] =	ssyncadd.s32 $0xFFFFFFFF  }
0xb6: {  	_ =	strace $0x90000048  }
0xb7: {  	_ =	sfence  }
0xb8: {  	s30 =	sld [smem:$0x0];
	_ =	sdelay $0x2  }
0xb9: {  	s31 =	sshll.u32 s1, $0xD;
	s1 =	sshrl.u32 s1, $0x2  }
0xba: {  	s3 =	sand.u32 $0x4000, s31;
	s1 =	sadd.s32 s1, s30  }
0xbb: {  	s0 =	sor.u32 s3, s0;
	s1 =	sshll.u32 s1, $0x11  }
0xbc: {  	s0 =	sor.u32 s1, s0  }
0xbd: {  	s0 =	sadd.s32 $0x8F2B, s0  }
0xbe: {  	[sflag:s0] =	ssyncadd.remote.s32 $0x1  }
0xbf: {  	_ =	sfence.sel $0xFFFF  }
0xc0: {  	[dreg:$0x0] =	wrdreg $0xFFFFFFFF;
	(pc) =	sbr.abs _section_cstart, $3  }
0xc1: {  	[dreg:$0x1] =	wrdreg $0xFFFFFFFF  }
0xc2: {  	_ =	task.clear_ibuf [dreg:s6], $0x2FFFF;
	_ =	strace $0x9FFFFFFF  }
0xc3: {  	(tm) =	ssettm $0x7FFFFFFF  }
tec
execute0_lowered:
.L_overlay_start_1:
0x0: {  	(tag) =	ssettag $0x1  }
0x1: {  	s0 =	srdreg.scid  }
0x2: {  	s22 =	stileid.u32;
	s4 =	rddreg [dreg:$0x0]  }
0x3: {  	s0 =	sand.u32 $0x1, s0;
	s1 =	smul.u32 $0x280, s22;
	s3 =	sadd.s32 $0xB8800, s4  }
0x4: {  	s2 =	ssub.s32 $0x2, s0;
	s24 =	sshll.u32 s0, $0x4;
	s0 =	smul.u32 $0x28000, s0  }
0x5: {  	s5 =	sshrl.u32 s2, $0x1;
	s6 =	sshrl.u32 s1, $0x3;
	s7 =	sadd.s32 $0x7800, s1  }
0x6: {  	s25 =	sadd.s32 $0x23000, s1;
	s26 =	sadd.s32 $0x25800, s1;
	s2 =	ssub.s32 s2, s5  }
0x7: {  	s23 =	sadd.s32 s3, s6;
	s5 =	sadd.s32 $0x2800, s1;
	s6 =	sadd.s32 $0x5000, s1  }
0x8: {  	s10 =	sshrl.u32 s7, $0x3;
	s7 =	sadd.s32 s0, s7;
	s8 =	sshrl.u32 s5, $0x3  }
0x9: {  	s9 =	sshrl.u32 s6, $0x3;
	s15 =	sadd.s32 s3, s10;
	s10 =	sadd.s32 $0xF000, s1  }
0xa: {  	s5 =	sor.u32 s0, s5;
	s6 =	sadd.s32 s0, s6;
	s8 =	sadd.s32 s3, s8  }
0xb: {  	s14 =	sadd.s32 s3, s9;
	[dreg:$0x7] =	wrdreg s15;
	s9 =	sadd.s32 $0xC800, s1  }
0xc: {  	s13 =	sshrl.u32 s10, $0x3;
	s10 =	sadd.s32 s0, s10;
	[dreg:$0x5] =	wrdreg s8  }
0xd: {  	[dreg:$0x6] =	wrdreg s14;
	s8 =	sadd.s32 $0xA000, s1;
	s12 =	sshrl.u32 s9, $0x3  }
0xe: {  	s17 =	sadd.s32 s3, s13;
	s13 =	sadd.s32 $0x19000, s1;
	s9 =	sadd.s32 s0, s9  }
0xf: {  	s11 =	sshrl.u32 s8, $0x3;
	s16 =	sadd.s32 s3, s12;
	[dreg:$0xa] =	wrdreg s17  }
0x10: {  	s12 =	sadd.s32 $0x16800, s1;
	s8 =	sadd.s32 s0, s8;
	s11 =	sadd.s32 s3, s11  }
0x11: {  	[dreg:$0x9] =	wrdreg s16;
	s15 =	sshrl.u32 s12, $0x3;
	s16 =	sshrl.u32 s13, $0x3  }
0x12: {  	s12 =	sadd.s32 s0, s12;
	s13 =	sadd.s32 s0, s13;
	[dreg:$0x8] =	wrdreg s11  }
0x13: {  	s11 =	sadd.s32 $0x11800, s1;
	s18 =	sadd.s32 s3, s15;
	s19 =	sadd.s32 s3, s16  }
0x14: {  	s15 =	sadd.s32 $0x1E000, s1;
	s16 =	sadd.s32 $0x20800, s1;
	[dreg:$0xc] =	wrdreg s18  }
0x15: {  	s14 =	sshrl.u32 s11, $0x3;
	[dreg:$0xd] =	wrdreg s19;
	s18 =	sshrl.u32 s15, $0x3  }
0x16: {  	s19 =	sshrl.u32 s16, $0x3;
	s11 =	sadd.s32 s0, s11;
	s14 =	sadd.s32 s3, s14  }
0x17: {  	s15 =	sadd.s32 s0, s15;
	s20 =	sadd.s32 s3, s18;
	[dreg:$0xb] =	wrdreg s14  }
0x18: {  	s16 =	sadd.s32 s0, s16;
	s21 =	sadd.s32 s3, s19;
	[dreg:$0xf] =	wrdreg s20  }
0x19: {  	s18 =	sadd.s32 s0, s26;
	s14 =	sadd.s32 $0x1B800, s1;
	[dreg:$0x10] =	wrdreg s21  }
0x1a: {  	s20 =	sshrl.u32 s25, $0x3;
	s21 =	sshrl.u32 s26, $0x3;
	s1 =	sor.u32 s1, s0  }
0x1b: {  	s17 =	sshrl.u32 s14, $0x3;
	s20 =	sadd.s32 s3, s20;
	s14 =	sadd.s32 s0, s14  }
0x1c: {  	s26 =	sshrl.u32 s1, $0x3;
	s17 =	sadd.s32 s3, s17;
	[dreg:$0x11] =	wrdreg s20  }
0x1d: {  	s1 =	sadd.s32 $0x14000, s1;
	s3 =	sadd.s32 s3, s21;
	[dreg:$0xe] =	wrdreg s17  }
0x1e: {  	s21 =	sor.u32 s22, s24;
	s24 =	simm.s32 $0x0;
	[dreg:$0x12] =	wrdreg s3  }
0x1f: {  	s17 =	sadd.s32 s0, s25;
	s25 =	sshrl.u32 s5, $0x3;
	s5 =	sadd.s32 $0xBD800, s4  }
0x20: {  	s1 =	sshrl.u32 s1, $0x3;
	[smem:$0x7FF] =	sst s24;
	s3 =	sadd.s32 s5, s26  }
0x21: {  	s0 =	sadd.s32 s5, s25;
	s20 =	sadd.s32 s5, s1;
	[dreg:$0x14] =	wrdreg s3  }
0x22: {  	s26 =	sshrl.u32 s14, $0x3;
	[dreg:$0x15] =	wrdreg s0;
	s3 =	sshrl.u32 s6, $0x3  }
0x23: {  	s6 =	sshrl.u32 s7, $0x3;
	[dreg:$0x1c] =	wrdreg s20;
	s1 =	sadd.s32 s5, s26  }
0x24: {  	s7 =	sshrl.u32 s8, $0x3;
	s0 =	sadd.s32 s5, s3;
	[dreg:$0x1f] =	wrdreg s1  }
0x25: {  	s10 =	sshrl.u32 s10, $0x3;
	s8 =	sadd.s32 s5, s7;
	[dreg:$0x16] =	wrdreg s0  }
0x26: {  	s9 =	sshrl.u32 s9, $0x3;
	s0 =	sadd.s32 s5, s6;
	[dreg:$0x18] =	wrdreg s8  }
0x27: {  	s6 =	sshrl.u32 s16, $0x3;
	[dreg:$0x17] =	wrdreg s0;
	s0 =	sadd.s32 s5, s9  }
0x28: {  	s11 =	sshrl.u32 s11, $0x3;
	s1 =	sadd.s32 s5, s6;
	[dreg:$0x19] =	wrdreg s0  }
0x29: {  	s7 =	sshrl.u32 s17, $0x3;
	s0 =	sadd.s32 s5, s10;
	[smem:$0x7DC] =	sst s1  }
0x2a: {  	s19 =	smul.u32 $0x2710, s21;
	s1 =	sadd.s32 s5, s7;
	[dreg:$0x1a] =	wrdreg s0  }
0x2b: {  	s8 =	sshrl.u32 s18, $0x3;
	s0 =	sadd.s32 s5, s11;
	[smem:$0x7DD] =	sst s1  }
0x2c: {  	s21 =	sshrl.u32 s12, $0x3;
	s1 =	sadd.s32 s5, s8;
	[dreg:$0x1b] =	wrdreg s0  }
0x2d: {  	s25 =	sshrl.u32 s13, $0x3;
	s0 =	sadd.s32 s5, s21;
	[smem:$0x7DE] =	sst s1  }
0x2e: {  	[dreg:$0x1d] =	wrdreg s0;
	s0 =	sadd.s32 s5, s25  }
0x2f: {  	s3 =	sshrl.u32 s15, $0x3;
	[dreg:$0x1e] =	wrdreg s0  }
0x30: {  	s0 =	sadd.s32 s5, s3;
	s3 =	rddreg [dreg:$0x2]  }
0x31: {  	s20 =	smul.u32 $0x2800, s22;
	[smem:$0x7DB] =	sst s0  }
0x32: {  	s0 =	rddreg [dreg:$0x1]  }
0x33: {  	s7 =	sadd.s32 s20, s3;
	_ =	strace $0x80000047;
	[dreg:$0x13] =	wrdreg s19  }
0x34: {  	s10 =	sadd.s32 $0x18800, s4;
	s5 =	sshrl.u32 s19, $0x3;
	[smem:$0x7E0] =	sst s7  }
0x35: {  	s1 =	sadd.s32 s10, s5;
	[smem:$0x7E3] =	sst s10  }
0x36: {  	s11 =	sadd.s32 $0x90800, s4;
	[smem:$0x7E4] =	sst s1  }
0x37: {  	s14 =	sadd.s32 s11, s5;
	[smem:$0x7E5] =	sst s11  }
0x38: {  	s28 =	sadd.s32 $0x54800, s4;
	s15 =	sadd.s32 $0x9A800, s4;
	[smem:$0x7E6] =	sst s14  }
0x39: {  	s29 =	sadd.s32 $0x5E800, s4;
	s18 =	sadd.s32 $0xA4800, s4;
	[smem:$0x7E7] =	sst s15  }
0x3a: {  	s30 =	sadd.s32 $0x68800, s4;
	s12 =	sadd.s32 $0x2C800, s4;
	[smem:$0x7E9] =	sst s18  }
0x3b: {  	s31 =	sadd.s32 $0x72800, s4;
	s16 =	sadd.s32 $0xAE800, s4;
	[smem:$0x7ED] =	sst s12  }
0x3c: {  	s26 =	sadd.s32 $0x4A800, s4;
	s17 =	sadd.s32 $0x36800, s4;
	[smem:$0x7EF] =	sst s16  }
0x3d: {  	s6 =	sadd.s32 $0x7C800, s4;
	s8 =	sadd.s32 s26, s5;
	[smem:$0x7F1] =	sst s17  }
0x3e: {  	s25 =	sadd.s32 $0x40800, s4;
	s9 =	sadd.s32 s5, s4;
	[smem:$0x7F4] =	sst s8  }
0x3f: {  	s19 =	sadd.s32 $0x22800, s4;
	s21 =	sadd.s32 s20, s0;
	[dreg:$0x4] =	wrdreg s23  }
0x40: {  	s4 =	sadd.s32 $0x86800, s4;
	s22 =	sadd.s32 $0xEA00, s9;
	[smem:$0x7DF] =	sst s21  }
0x41: {  	s13 =	sadd.s32 $0x4C00, s9;
	s15 =	sadd.s32 s15, s5;
	[smem:$0x7E1] =	sst s22  }
0x42: {  	s18 =	sadd.s32 s18, s5;
	s20 =	sadd.s32 s12, s5;
	[smem:$0x7E2] =	sst s13  }
0x43: {  	s7 =	sadd.s32 s25, s5;
	s14 =	smov.u32 s26;
	[smem:$0x7E8] =	sst s15  }
0x44: {  	s9 =	sadd.s32 s28, s5;
	s10 =	sadd.s32 s29, s5;
	[smem:$0x7EA] =	sst s18  }
0x45: {  	s11 =	sadd.s32 s30, s5;
	s12 =	sadd.s32 s31, s5;
	[smem:$0x7EB] =	sst s19  }
0x46: {  	s26 =	sadd.s32 $0x2800, s23;
	s8 =	simm.s32 $0x168F0;
	[smem:$0x7EE] =	sst s20  }
0x47: {  	s23 =	simm.s32 $0x50;
	s1 =	simm.s32 $0x0;
	[smem:$0x7F3] =	sst s7  }
0x48: {  	s19 =	sadd.s32 s19, s5;
	s21 =	sadd.s32 s16, s5;
	[smem:$0x7F5] =	sst s9  }
0x49: {  	s22 =	sadd.s32 s17, s5;
	s13 =	smov.u32 s25;
	[smem:$0x7F6] =	sst s10  }
0x4a: {  	s15 =	smov.u32 s28;
	s18 =	smov.u32 s29;
	[smem:$0x7F7] =	sst s11  }
0x4b: {  	s20 =	smov.u32 s31;
	[smem:$0x7F8] =	sst s12;
	s16 =	sadd.s32 s6, s5  }
0x4c: {  	s17 =	sadd.s32 s4, s5;
	s25 =	smax.u32 s2, $0x1;
	[smem:$0x7FC] =	sst s26  }
0x4d: {  	s5 =	simm.s32 $0x15EF0;
	s7 =	simm.s32 $0x16670;
	[smem:$0x7FD] =	sst s1  }
0x4e: {  	s9 =	simm.s32 $0x16B70;
	s10 =	simm.s32 $0x16DF0;
	[smem:$0x7EC] =	sst s19  }
0x4f: {  	s11 =	simm.s32 $0x17070;
	s12 =	simm.s32 $0x172F0;
	[smem:$0x7F0] =	sst s21  }
0x50: {  	s28 =	simm.s32 $0x17A70;
	s29 =	simm.s32 $0x17CF0;
	[smem:$0x7F2] =	sst s22  }
0x51: {  	s2 =	simm.s32 $0x181F0;
	s26 =	simm.s32 $0x6220;
	[smem:$0x7F9] =	sst s16  }
0x52: {  	s31 =	simm.s32 $0x1;
	s19 =	smov.u32 s30;
	[smem:$0x7FA] =	sst s17  }
0x53: {  	v2 =	vlaneseq.u32;
	s21 =	smov.u32 s6;
	s22 =	smov.u32 s4;
	[smem:$0x7FB] =	sst s25  }
0x54: {  	v0 =	vmul.u32 $0x280, v2;
	s25 =	simm.s32 $0x15C70;
	s6 =	simm.s32 $0x163F0;
	s16 =	simm.s32 $0x17570  }
0x55: {  	v1 =	vimm.f32 $0.0e+00;
	v2 =	vmul.u32 $0x7D0, v2;
	s17 =	simm.s32 $0x177F0;
	s30 =	simm.s32 $0x17F70;
	s4 =	simm.s32 $0x3  }
.LBB2_1:
0x56: {  	s1 =	rddreg [dreg:$0x4]  }
0x57: {  	[tilespmem:s25], [sflag:$0x3] =	stream.linear.gather [hbm4b:s1+s24], $0x280, $0x38;
	[tilespmem:$0x1FC70] =	vst v63  }
0x58: {  	s1 =	rddreg [dreg:$0x5]  }
0x59: {  	[tilespmem:s5], [sflag:$0x3] =	stream.linear.gather [hbm4b:s1+s24], $0x280, $0x38;
	[tilespmem:$0x1FC70] =	vst v63  }
0x5a: {  	s1 =	rddreg [dreg:$0x6];
	s5 =	simm.s32 $0x16170  }
0x5b: {  	[tilespmem:s5], [sflag:$0x3] =	stream.linear.gather [hbm4b:s1+s24], $0x280, $0x38;
	[tilespmem:$0x1FC70] =	vst v63  }
0x5c: {  	s5 =	rddreg [dreg:$0x7]  }
0x5d: {  	[tilespmem:s6], [sflag:$0x3] =	stream.linear.gather [hbm4b:s5+s24], $0x280, $0x38;
	[tilespmem:$0x1FC70] =	vst v63  }
0x5e: {  	s5 =	rddreg [dreg:$0x8]  }
0x5f: {  	s6 =	rddreg [dreg:$0x9]  }
0x60: {  	[tilespmem:s7], [sflag:$0x3] =	stream.linear.gather [hbm4b:s5+s24], $0x280, $0x38;
	[tilespmem:$0x1FC70] =	vst v63  }
0x61: {  	s7 =	rddreg [dreg:$0xa]  }
0x62: {  	[tilespmem:s8], [sflag:$0x3] =	stream.linear.gather [hbm4b:s6+s24], $0x280, $0x38;
	[tilespmem:$0x1FC70] =	vst v63  }
0x63: {  	s8 =	rddreg [dreg:$0xb]  }
0x64: {  	[tilespmem:s9], [sflag:$0x3] =	stream.linear.gather [hbm4b:s7+s24], $0x280, $0x38;
	[tilespmem:$0x1FC70] =	vst v63  }
0x65: {  	s9 =	sld [smem:$0x7FC]  }
0x66: {  	[tilespmem:s10], [sflag:$0x3] =	stream.linear.gather [hbm4b:s8+s24], $0x280, $0x38;
	[tilespmem:$0x1FC70] =	vst v63  }
0x67: {  	_ = 	snop  }
0x68: {  	[tilespmem:s11], [sflag:$0x3] =	stream.linear.gather [hbm4b:s9+s24], $0x280, $0x38;
	[tilespmem:$0x1FC70] =	vst v63  }
0x69: {  	s10 =	rddreg [dreg:$0xc]  }
0x6a: {  	[tilespmem:s12], [sflag:$0x3] =	stream.linear.gather [hbm4b:s10+s24], $0x280, $0x38;
	[tilespmem:$0x1FC70] =	vst v63  }
0x6b: {  	s11 =	rddreg [dreg:$0xd]  }
0x6c: {  	[tilespmem:s16], [sflag:$0x3] =	stream.linear.gather [hbm4b:s11+s24], $0x280, $0x38;
	[tilespmem:$0x1FC70] =	vst v63  }
0x6d: {  	s12 =	rddreg [dreg:$0xe]  }
0x6e: {  	[tilespmem:s17], [sflag:$0x3] =	stream.linear.gather [hbm4b:s12+s24], $0x280, $0x38;
	[tilespmem:$0x1FC70] =	vst v63  }
0x6f: {  	s16 =	rddreg [dreg:$0xf]  }
0x70: {  	[tilespmem:s28], [sflag:$0x3] =	stream.linear.gather [hbm4b:s16+s24], $0x280, $0x38;
	[tilespmem:$0x1FC70] =	vst v63  }
0x71: {  	s17 =	rddreg [dreg:$0x10]  }
0x72: {  	[tilespmem:s29], [sflag:$0x3] =	stream.linear.gather [hbm4b:s17+s24], $0x280, $0x38;
	[tilespmem:$0x1FC70] =	vst v63  }
0x73: {  	s28 =	rddreg [dreg:$0x11]  }
0x74: {  	[tilespmem:s30], [sflag:$0x3] =	stream.linear.gather [hbm4b:s28+s24], $0x280, $0x38;
	[tilespmem:$0x1FC70] =	vst v63  }
0x75: {  	s29 =	rddreg [dreg:$0x12]  }
0x76: {  	[tilespmem:s2], [sflag:$0x3] =	stream.linear.gather [hbm4b:s29+s24], $0x280, $0x38;
	[tilespmem:$0x1FC70] =	vst v63  }
0x77: {  	_ =	swait.ge [sflag:s4], $0x280  }
0x78: {  	[sflag:s4] =	ssyncset.done $0x0  }
0x79: {  	[sflag:s4] =	ssyncadd.s32 $0xFFFFFD80  }
0x7a: {  	_ =	swait.ge [sflag:s4], $0x280  }
0x7b: {  	[sflag:s4] =	ssyncset.done $0x0  }
0x7c: {  	[sflag:s4] =	ssyncadd.s32 $0xFFFFFD80  }
0x7d: {  	_ =	swait.ge [sflag:s4], $0x280  }
0x7e: {  	[sflag:s4] =	ssyncset.done $0x0  }
0x7f: {  	[sflag:s4] =	ssyncadd.s32 $0xFFFFFD80  }
0x80: {  	_ =	swait.ge [sflag:s4], $0x280  }
0x81: {  	[sflag:s4] =	ssyncset.done $0x0  }
0x82: {  	[sflag:s4] =	ssyncadd.s32 $0xFFFFFD80  }
0x83: {  	_ =	swait.ge [sflag:s4], $0x280  }
0x84: {  	[sflag:s4] =	ssyncset.done $0x0  }
0x85: {  	[sflag:s4] =	ssyncadd.s32 $0xFFFFFD80  }
0x86: {  	_ =	swait.ge [sflag:s4], $0x280  }
0x87: {  	[sflag:s4] =	ssyncset.done $0x0  }
0x88: {  	[sflag:s4] =	ssyncadd.s32 $0xFFFFFD80  }
0x89: {  	_ =	swait.ge [sflag:s4], $0x280  }
0x8a: {  	[sflag:s4] =	ssyncset.done $0x0  }
0x8b: {  	[sflag:s4] =	ssyncadd.s32 $0xFFFFFD80  }
0x8c: {  	_ =	swait.ge [sflag:s4], $0x280  }
0x8d: {  	[sflag:s4] =	ssyncset.done $0x0  }
0x8e: {  	[sflag:s4] =	ssyncadd.s32 $0xFFFFFD80  }
0x8f: {  	_ =	swait.ge [sflag:s4], $0x280  }
0x90: {  	[sflag:s4] =	ssyncset.done $0x0  }
0x91: {  	[sflag:s4] =	ssyncadd.s32 $0xFFFFFD80  }
0x92: {  	_ =	swait.ge [sflag:s4], $0x280  }
0x93: {  	[sflag:s4] =	ssyncset.done $0x0  }
0x94: {  	[sflag:s4] =	ssyncadd.s32 $0xFFFFFD80  }
0x95: {  	_ =	swait.ge [sflag:s4], $0x280  }
0x96: {  	[sflag:s4] =	ssyncset.done $0x0  }
0x97: {  	[sflag:s4] =	ssyncadd.s32 $0xFFFFFD80  }
0x98: {  	_ =	swait.ge [sflag:s4], $0x280  }
0x99: {  	[sflag:s4] =	ssyncset.done $0x0  }
0x9a: {  	[sflag:s4] =	ssyncadd.s32 $0xFFFFFD80  }
0x9b: {  	_ =	swait.ge [sflag:s4], $0x280  }
0x9c: {  	[sflag:s4] =	ssyncset.done $0x0  }
0x9d: {  	[sflag:s4] =	ssyncadd.s32 $0xFFFFFD80  }
0x9e: {  	_ =	swait.ge [sflag:s4], $0x280  }
0x9f: {  	[sflag:s4] =	ssyncset.done $0x0  }
0xa0: {  	[sflag:s4] =	ssyncadd.s32 $0xFFFFFD80  }
0xa1: {  	s30 =	simm.s32 $0x7;
	_ =	swait.ge [sflag:s4], $0x280  }
0xa2: {  	s1 =	simm.s32 $0x1;
	v3 =	vadd.s32 s30, v0;
	[sflag:s4] =	ssyncset.done $0x0  }
0xa3: {  	v4 =	vadd.s32 s1, v0;
	s6 =	simm.s32 $0x2;
	[sflag:s4] =	ssyncadd.s32 $0xFFFFFD80  }
0xa4: {  	v5 =	vadd.s32 s6, v0;
	s7 =	simm.s32 $0x3;
	_ =	swait.ge [sflag:s4], $0x280  }
0xa5: {  	v6 =	vadd.s32 s7, v0;
	s8 =	simm.s32 $0x4;
	[sflag:s4] =	ssyncset.done $0x0  }
0xa6: {  	v7 =	vadd.s32 s8, v0;
	s9 =	simm.s32 $0x5;
	[sflag:s4] =	ssyncadd.s32 $0xFFFFFD80  }
0xa7: {  	v8 =	vadd.s32 s9, v0;
	s10 =	simm.s32 $0x6;
	v3 =	vld.idx.msk [tilespmem:v3+s25+$0x0], $0xffff  }
0xa8: {  	v9 =	vadd.s32 s10, v0;
	s11 =	simm.s32 $0xF;
	v4 =	vld.idx.msk [tilespmem:v4+s25+$0x0], $0xffff  }
0xa9: {  	v13 =	vadd.s32 s11, v0;
	v11 =	vld.idx.msk [tilespmem:v5+s25+$0x0], $0xffff  }
0xaa: {  	v10 =	vadd.s32 s24, v0;
	s16 =	simm.s32 $0xA;
	v14 =	vld.idx.msk [tilespmem:v6+s25+$0x0], $0xffff  }
0xab: {  	s12 =	simm.s32 $0x9;
	v17 =	vadd.s32 s16, v0;
	v16 =	vld.idx.msk [tilespmem:v7+s25+$0x0], $0xffff  }
0xac: {  	v15 =	vadd.s32 s12, v0;
	s17 =	simm.s32 $0xB;
	s2 =	simm.s32 $0x184B0;
	v7 =	vld.idx.msk [tilespmem:v8+s25+$0x0], $0xffff  }
0xad: {  	v12 =	vadd.s32 s17, v0;
	s24 =	simm.s32 $0xC;
	v6 =	vld.idx.msk [tilespmem:v9+s25+$0x0], $0xffff;
	[tilespmem:s2+$0x30] =	vst v3  }
0xae: {  	s28 =	simm.s32 $0xD;
	[tilespmem:s2+$0xFFFFFFD0] =	vst v4;
	v3 =	vld.idx.msk [tilespmem:v13+s25+$0x0], $0xffff;
	v13 =	vadd.s32 s24, v0  }
0xaf: {  	s30 =	simm.s32 $0xE;
	v5 =	vld.idx.msk [tilespmem:v10+s25+$0x0], $0xffff;
	v10 =	vadd.s32 s28, v0;
	[tilespmem:s2+$0xFFFFFFE0] =	vst v11  }
0xb0: {  	s29 =	simm.s32 $0x8;
	v8 =	vld.idx.msk [tilespmem:v17+s25+$0x0], $0xffff;
	[tilespmem:s2+$0xFFFFFFF0] =	vst v14;
	v11 =	vadd.s32 s30, v0  }
0xb1: {  	s5 =	simm.s32 $0x10;
	s6 =	simm.s32 $0x18;
	s7 =	simm.s32 $0x17;
	v9 =	vadd.s32 s29, v0;
	v4 =	vld.idx.msk [tilespmem:v15+s25+$0x0], $0xffff;
	[tilespmem:s2+$0x0] =	vst v16  }
.LBB2_2:
0xb2: {  	p0 =	slt.u32 s6, $0x278;
	s8 =	sadd.s32 $0x1, s5;
	v14 =	vadd.s32 s7, v0;
	v15 =	vld.idx.msk [tilespmem:v12+s25+$0x0], $0xffff;
	[tilespmem:s2+$0x10] =	vst v7  }
0xb3: {  	s7 =	sadd.s32 $0x2, s5;
	v16 =	vadd.s32 s8, v0;
	v17 =	vld.idx.msk [tilespmem:v13+s25+$0x0], $0xffff;
	[tilespmem:s2+$0x20] =	vst v6  }
0xb4: {  	v18 =	vadd.s32 s7, v0;
	s7 =	sadd.s32 $0x3, s5;
	v7 =	vld.idx.msk [tilespmem:v10+s25+$0x0], $0xffff;
	[tilespmem:s2+$0xFFFFFFC0] =	vst v5;
	s2 =	sadd.s32 $0x80, s2  }
.Ltmp0:
0xb5: {  	v12 =	vadd.s32 s7, v0;
	s7 =	sadd.s32 $0x4, s5;
	v6 =	vld.idx.msk [tilespmem:v11+s25+$0x0], $0xffff;
	[tilespmem:s2+$0x30] =	vst v3;
	(pc) =	sbr.rel @p0 .LBB2_2-.Ltmp0, $4  }
0xb6: {  	v13 =	vadd.s32 s7, v0;
	s7 =	sadd.s32 $0x5, s5;
	v5 =	vld.idx.msk [tilespmem:v9+s25+$0x0], $0xffff;
	[tilespmem:s2+$0xFFFFFFD0] =	vst v4  }
0xb7: {  	v10 =	vadd.s32 s7, v0;
	s7 =	sadd.s32 $0x6, s5;
	v3 =	vld.idx.msk [tilespmem:v14+s25+$0x0], $0xffff;
	[tilespmem:s2+$0xFFFFFFE0] =	vst v8  }
0xb8: {  	v11 =	vadd.s32 s7, v0;
	v4 =	vld.idx.msk [tilespmem:v16+s25+$0x0], $0xffff;
	[tilespmem:s2+$0xFFFFFFF0] =	vst v15  }
0xb9: {  	v9 =	vadd.s32 s5, v0;
	s5 =	smov.u32 s6;
	s7 =	sadd.s32 $0x7, s6;
	s6 =	sadd.s32 $0x8, s6;
	v8 =	vld.idx.msk [tilespmem:v18+s25+$0x0], $0xffff;
	[tilespmem:s2+$0x0] =	vst v17  }
0xba: {  	_ =	sdelay $0x2  }
0xbb: {  	[tilespmem:s2+$0x10] =	vst v7  }
0xbc: {  	v55 =	vadd.s32 s7, v0;
	v12 =	vld.idx.msk [tilespmem:v12+s25+$0x0], $0xffff;
	[tilespmem:s2+$0x20] =	vst v6  }
0xbd: {  	s6 =	sadd.s32 $0x1, s5;
	v13 =	vld.idx.msk [tilespmem:v13+s25+$0x0], $0xffff;
	s12 =	sadd.s32 $0x80, s2;
	v61 =	vadd.s32 s5, v0;
	[tilespmem:s2+$0xFFFFFFC0] =	vst v5  }
0xbe: {  	s11 =	sadd.s32 $0x2, s5;
	v10 =	vld.idx.msk [tilespmem:v10+s25+$0x0], $0xffff;
	v56 =	vadd.s32 s6, v0;
	[tilespmem:s12+$0x30] =	vst v3  }
0xbf: {  	s17 =	sadd.s32 $0x4, s5;
	v11 =	vld.idx.msk [tilespmem:v11+s25+$0x0], $0xffff;
	v57 =	vadd.s32 s11, v0;
	[tilespmem:s12+$0xFFFFFFD0] =	vst v4  }
0xc0: {  	s24 =	sadd.s32 $0x5, s5;
	v9 =	vld.idx.msk [tilespmem:v9+s25+$0x0], $0xffff;
	v58 =	vadd.s32 s17, v0;
	[tilespmem:s12+$0xFFFFFFE0] =	vst v8  }
0xc1: {  	s28 =	sadd.s32 $0x6, s5;
	v59 =	vadd.s32 s24, v0;
	v7 =	vld.idx.msk [tilespmem:v55+s25+$0x0], $0xffff;
	[tilespmem:s12+$0xFFFFFFF0] =	vst v12  }
0xc2: {  	s16 =	sadd.s32 $0x3, s5;
	v60 =	vadd.s32 s28, v0;
	[tilespmem:s12+$0x0] =	vst v13;
	v63 =	vld.idx.msk [tilespmem:v61+s25+$0x0], $0xffff  }
0xc3: {  	v3 =	vadd.s32 s16, v0;
	[tilespmem:s12+$0x10] =	vst v10;
	v6 =	vld.idx.msk [tilespmem:v56+s25+$0x0], $0xffff  }
0xc4: {  	[tilespmem:s12+$0x20] =	vst v11;
	v5 =	vld.idx.msk [tilespmem:v57+s25+$0x0], $0xffff  }
0xc5: {  	s2 =	sadd.s32 $0x80, s12;
	[tilespmem:s12+$0xFFFFFFC0] =	vst v9;
	v4 =	vld.idx.msk [tilespmem:v58+s25+$0x0], $0xffff  }
0xc6: {  	v8 =	vld.idx.msk [tilespmem:v59+s25+$0x0], $0xffff;
	[tilespmem:s2+$0x30] =	vst v7  }
0xc7: {  	v62 =	vld.idx.msk [tilespmem:v60+s25+$0x0], $0xffff;
	[tilespmem:s2+$0xFFFFFFC0] =	vst v63  }
0xc8: {  	v3 =	vld.idx.msk [tilespmem:v3+s25+$0x0], $0xffff;
	[tilespmem:s2+$0xFFFFFFD0] =	vst v6  }
0xc9: {  	[tilespmem:s2+$0xFFFFFFE0] =	vst v5  }
0xca: {  	[tilespmem:s2+$0x0] =	vst v4  }
0xcb: {  	[tilespmem:s2+$0x10] =	vst v8  }
0xcc: {  	[tilespmem:s2+$0x20] =	vst v62  }
0xcd: {  	[tilespmem:s2+$0xFFFFFFF0] =	vst v3  }
0xce: {  	s1 =	sld [smem:$0x7DF];
	_ =	sdelay $0x1  }
0xcf: {  	s29 =	simm.s32 $0x18470;
	s30 =	simm.s32 $0x4  }
0xd0: {  	[spmem:s1] =	stream.linear.scatter [tilespmem:s29], [sflag:$0x4], $0x2800, $0x38;
	[tilespmem:$0x1FC70] =	vst v63  }
0xd1: {  	_ =	swait.ge [sflag:s30], $0x2800  }
0xd2: {  	[sflag:s30] =	ssyncset.done $0x0  }
0xd3: {  	s5 =	simm.s32 $0x0;
	s2 =	simm.s32 $0x40;
	[sflag:s30] =	ssyncadd.s32 $0xFFFFD800  }
.LBB2_4:
0xd4: {  	p0 =	sne.s32 s2, $0x9FC0;
	[tilespmem:s5+$0x18470] =	vst v1;
	s5 =	smov.u32 s2;
	s2 =	sadd.s32 $0x40, s2  }
.Ltmp1:
0xd5: {  	(pc) =	sbr.rel @p0 .LBB2_4-.Ltmp1, $2  }
0xd6: {  	_ =	sdelay $0x2  }
0xd7: {  	s5 =	sshra.s32 s5, $0x2  }
0xd8: {  	s1 =	sld [smem:$0x7E0];
	_ =	sdelay $0x1  }
0xd9: {  	[tilespmem:s5+$0x18470] =	vst v1;
	s2 =	simm.s32 $0x18470;
	s16 =	simm.s32 $0x4  }
0xda: {  	[spmem:s1] =	stream.linear.scatter [tilespmem:s2], [sflag:$0x4], $0x2800, $0x38;
	[tilespmem:$0x1FC70] =	vst v63  }
0xdb: {  	_ =	swait.ge [sflag:s16], $0x2800  }
0xdc: {  	s17 =	sld [smem:$0x7E1]  }
0xdd: {  	[sflag:s16] =	ssyncset.done $0x0  }
0xde: {  	s29 =	simm.s32 $0x0;
	[sflag:s16] =	ssyncadd.s32 $0xFFFFD800  }
0xdf: {  	[tilespmem:s29], [sflag:$0x4] =	stream.linear.gather [hbm4b:s17+s29], $0x2710, $0x38;
	[tilespmem:$0x1FC70] =	vst v63  }
0xe0: {  	_ =	swait.ge [sflag:s16], $0x2710  }
0xe1: {  	s24 =	sld [smem:$0x7E2]  }
0xe2: {  	[sflag:s16] =	ssyncset.done $0x0  }
0xe3: {  	s28 =	simm.s32 $0x2710;
	[sflag:s16] =	ssyncadd.s32 $0xFFFFD8F0  }
0xe4: {  	[tilespmem:s28], [sflag:$0x4] =	stream.linear.gather [hbm4b:s24+s29], $0x2710, $0x38;
	[tilespmem:$0x1FC70] =	vst v63  }
0xe5: {  	_ =	swait.ge [sflag:s16], $0x2710  }
0xe6: {  	[sflag:s16] =	ssyncset.done $0x0  }
0xe7: {  	[sflag:s16] =	ssyncadd.s32 $0xFFFFD8F0  }
0xe8: {  	[bflag:$0x0] =	sbarrier.arrive $0xFFFF  }
0xe9: {  	s6 =	sld [smem:$0x7E4];
	_ =	sdelay $0x1  }
0xea: {  	s7 =	sld [smem:$0x7E6]  }
0xeb: {  	[tilespmem:s26], [sflag:$0x3] =	stream.linear.gather [hbm4b:s6+s29], $0x7D0, $0x38;
	[tilespmem:$0x1FC70] =	vst v63  }
0xec: {  	s8 =	simm.s32 $0x69F0;
	s9 =	sld [smem:$0x7E8]  }
0xed: {  	[tilespmem:s8], [sflag:$0x3] =	stream.linear.gather [hbm4b:s7+s29], $0x7D0, $0x38;
	[tilespmem:$0x1FC70] =	vst v63  }
0xee: {  	s10 =	simm.s32 $0x71C0;
	s11 =	sld [smem:$0x7EA]  }
0xef: {  	[tilespmem:s10], [sflag:$0x3] =	stream.linear.gather [hbm4b:s9+s29], $0x7D0, $0x38;
	[tilespmem:$0x1FC70] =	vst v63  }
0xf0: {  	s12 =	simm.s32 $0x7990;
	s16 =	sld [smem:$0x7EC]  }
0xf1: {  	[tilespmem:s12], [sflag:$0x3] =	stream.linear.gather [hbm4b:s11+s29], $0x7D0, $0x38;
	[tilespmem:$0x1FC70] =	vst v63  }
0xf2: {  	s17 =	simm.s32 $0x8160;
	s24 =	sld [smem:$0x7EE]  }
0xf3: {  	[tilespmem:s17], [sflag:$0x3] =	stream.linear.gather [hbm4b:s16+s29], $0x7D0, $0x38;
	[tilespmem:$0x1FC70] =	vst v63  }
0xf4: {  	s28 =	simm.s32 $0x8930;
	s5 =	sld [smem:$0x7F0]  }
0xf5: {  	[tilespmem:s28], [sflag:$0x3] =	stream.linear.gather [hbm4b:s24+s29], $0x7D0, $0x38;
	[tilespmem:$0x1FC70] =	vst v63  }
0xf6: {  	s6 =	simm.s32 $0x9100;
	s7 =	sld [smem:$0x7F2]  }
0xf7: {  	[tilespmem:s6], [sflag:$0x3] =	stream.linear.gather [hbm4b:s5+s29], $0x7D0, $0x38;
	[tilespmem:$0x1FC70] =	vst v63  }
0xf8: {  	s8 =	simm.s32 $0x98D0;
	s9 =	sld [smem:$0x7F3]  }
0xf9: {  	[tilespmem:s8], [sflag:$0x3] =	stream.linear.gather [hbm4b:s7+s29], $0x7D0, $0x38;
	[tilespmem:$0x1FC70] =	vst v63  }
0xfa: {  	s10 =	simm.s32 $0xA0A0;
	s11 =	sld [smem:$0x7F4]  }
0xfb: {  	[tilespmem:s10], [sflag:$0x3] =	stream.linear.gather [hbm4b:s9+s29], $0x7D0, $0x38;
	[tilespmem:$0x1FC70] =	vst v63  }
0xfc: {  	s12 =	simm.s32 $0xA870;
	s16 =	sld [smem:$0x7F5]  }
0xfd: {  	[tilespmem:s12], [sflag:$0x3] =	stream.linear.gather [hbm4b:s11+s29], $0x7D0, $0x38;
	[tilespmem:$0x1FC70] =	vst v63  }
0xfe: {  	s17 =	simm.s32 $0xB040;
	s24 =	sld [smem:$0x7F6]  }
0xff: {  	[tilespmem:s17], [sflag:$0x3] =	stream.linear.gather [hbm4b:s16+s29], $0x7D0, $0x38;
	[tilespmem:$0x1FC70] =	vst v63  }
0x100: {  	s28 =	simm.s32 $0xB810;
	s5 =	sld [smem:$0x7F7]  }
0x101: {  	[tilespmem:s28], [sflag:$0x3] =	stream.linear.gather [hbm4b:s24+s29], $0x7D0, $0x38;
	[tilespmem:$0x1FC70] =	vst v63  }
0x102: {  	s6 =	simm.s32 $0xBFE0;
	s7 =	sld [smem:$0x7F8]  }
0x103: {  	[tilespmem:s6], [sflag:$0x3] =	stream.linear.gather [hbm4b:s5+s29], $0x7D0, $0x38;
	[tilespmem:$0x1FC70] =	vst v63  }
0x104: {  	s8 =	simm.s32 $0xC7B0;
	s9 =	sld [smem:$0x7F9]  }
0x105: {  	[tilespmem:s8], [sflag:$0x3] =	stream.linear.gather [hbm4b:s7+s29], $0x7D0, $0x38;
	[tilespmem:$0x1FC70] =	vst v63  }
0x106: {  	s10 =	simm.s32 $0xCF80;
	s11 =	sld [smem:$0x7FA]  }
0x107: {  	[tilespmem:s10], [sflag:$0x3] =	stream.linear.gather [hbm4b:s9+s29], $0x7D0, $0x38;
	[tilespmem:$0x1FC70] =	vst v63  }
0x108: {  	s12 =	simm.s32 $0xD750  }
0x109: {  	[tilespmem:s12], [sflag:$0x3] =	stream.linear.gather [hbm4b:s11+s29], $0x7D0, $0x38;
	[tilespmem:$0x1FC70] =	vst v63  }
0x10a: {  	s16 =	simm.s32 $0x4E20  }
0x10b: {  	[tilespmem:s16], [sflag:$0x1] =	stream.indirect.gather [spmem:s0], $0x10, s29, s23, $0xb8;
	[tilespmem:$0x1FC70] =	vst v63  }
0x10c: {  	s17 =	simm.s32 $0x5320  }
0x10d: {  	[tilespmem:s17], [sflag:$0x1] =	stream.indirect.gather [spmem:s0], $0x10, s23, s23, $0xb8;
	[tilespmem:$0x1FC70] =	vst v63  }
0x10e: {  	s30 =	simm.s32 $0x0;
	s24 =	simm.s32 $0xA0;
	s28 =	simm.s32 $0x5820  }
0x10f: {  	[tilespmem:s28], [sflag:$0x1] =	stream.indirect.gather [spmem:s0], $0x10, s24, s23, $0xb8;
	[tilespmem:$0x1FC70] =	vst v63  }
.LBB2_7:
0x110: {  	s2 =	smov.u32 s30  }
0x111: {  	s5 =	sand.u32 $0x1, s30;
	s30 =	sadd.s32 $0x1, s30;
	p0 =	seq.s32 s2, $0x4  }
0x112: {  	s7 =	smul.u32 @!p0 $0x7D0, s30  }
0x113: {  	s1 =	rddreg [dreg:$0x13]  }
0x114: {  	s6 =	sxor.u32 @!p0 $0x1, s5;
	s7 =	sadd.s32 @!p0 s1, s7;
	s1 =	sld [smem:$0x7E3]  }
0x115: {  	s6 =	smul.u32 @!p0 $0x1F400, s6  }
0x116: {  	s7 =	sshrl.u32 @!p0 s7, $0x3  }
0x117: {  	s6 =	sshrl.u32 @!p0 s6, $0x2;
	s16 =	sadd.s32 @!p0 s1, s7;
	s1 =	sld [smem:$0x7E5]  }
0x118: {  	s17 =	simm.s32 @!p0 $0x0;
	s8 =	sadd.s32 @!p0 $0x6220, s6  }
0x119: {  	[tilespmem:s8], [sflag:$0x3] =	stream.linear.gather @!p0 [hbm4b:s16+s17], $0x7D0, $0x38;
	[tilespmem:$0x1FC70] =	vst v63  }
0x11a: {  	s16 =	sadd.s32 @!p0 s1, s7;
	s1 =	sld [smem:$0x7E7]  }
0x11b: {  	s8 =	sadd.s32 @!p0 $0x69F0, s6  }
0x11c: {  	[tilespmem:s8], [sflag:$0x3] =	stream.linear.gather @!p0 [hbm4b:s16+s17], $0x7D0, $0x38;
	[tilespmem:$0x1FC70] =	vst v63  }
0x11d: {  	s16 =	sadd.s32 @!p0 s1, s7;
	s1 =	sld [smem:$0x7E9]  }
0x11e: {  	s8 =	sadd.s32 @!p0 $0x71C0, s6  }
0x11f: {  	[tilespmem:s8], [sflag:$0x3] =	stream.linear.gather @!p0 [hbm4b:s16+s17], $0x7D0, $0x38;
	[tilespmem:$0x1FC70] =	vst v63  }
0x120: {  	s16 =	sadd.s32 @!p0 s1, s7;
	s1 =	sld [smem:$0x7EB]  }
0x121: {  	s8 =	sadd.s32 @!p0 $0x7990, s6  }
0x122: {  	[tilespmem:s8], [sflag:$0x3] =	stream.linear.gather @!p0 [hbm4b:s16+s17], $0x7D0, $0x38;
	[tilespmem:$0x1FC70] =	vst v63  }
0x123: {  	s16 =	sadd.s32 @!p0 s1, s7;
	s1 =	sld [smem:$0x7ED]  }
0x124: {  	s8 =	sadd.s32 @!p0 $0x8160, s6  }
0x125: {  	[tilespmem:s8], [sflag:$0x3] =	stream.linear.gather @!p0 [hbm4b:s16+s17], $0x7D0, $0x38;
	[tilespmem:$0x1FC70] =	vst v63  }
0x126: {  	s16 =	sadd.s32 @!p0 s1, s7;
	s1 =	sld [smem:$0x7EF]  }
0x127: {  	s8 =	sadd.s32 @!p0 $0x8930, s6  }
0x128: {  	[tilespmem:s8], [sflag:$0x3] =	stream.linear.gather @!p0 [hbm4b:s16+s17], $0x7D0, $0x38;
	[tilespmem:$0x1FC70] =	vst v63  }
0x129: {  	s16 =	sadd.s32 @!p0 s1, s7;
	s1 =	sld [smem:$0x7F1]  }
0x12a: {  	s8 =	sadd.s32 @!p0 $0x9100, s6  }
0x12b: {  	[tilespmem:s8], [sflag:$0x3] =	stream.linear.gather @!p0 [hbm4b:s16+s17], $0x7D0, $0x38;
	[tilespmem:$0x1FC70] =	vst v63  }
0x12c: {  	s8 =	sadd.s32 @!p0 $0x98D0, s6;
	s16 =	sadd.s32 @!p0 s1, s7  }
0x12d: {  	[tilespmem:s8], [sflag:$0x3] =	stream.linear.gather @!p0 [hbm4b:s16+s17], $0x7D0, $0x38;
	[tilespmem:$0x1FC70] =	vst v63  }
0x12e: {  	s8 =	sadd.s32 @!p0 $0xA0A0, s6;
	s16 =	sadd.s32 @!p0 s13, s7  }
0x12f: {  	[tilespmem:s8], [sflag:$0x3] =	stream.linear.gather @!p0 [hbm4b:s16+s17], $0x7D0, $0x38;
	[tilespmem:$0x1FC70] =	vst v63  }
0x130: {  	s8 =	sadd.s32 @!p0 $0xA870, s6;
	s16 =	sadd.s32 @!p0 s14, s7  }
0x131: {  	[tilespmem:s8], [sflag:$0x3] =	stream.linear.gather @!p0 [hbm4b:s16+s17], $0x7D0, $0x38;
	[tilespmem:$0x1FC70] =	vst v63  }
0x132: {  	s8 =	sadd.s32 @!p0 $0xB040, s6;
	s16 =	sadd.s32 @!p0 s15, s7  }
0x133: {  	[tilespmem:s8], [sflag:$0x3] =	stream.linear.gather @!p0 [hbm4b:s16+s17], $0x7D0, $0x38;
	[tilespmem:$0x1FC70] =	vst v63  }
0x134: {  	s8 =	sadd.s32 @!p0 $0xB810, s6;
	s16 =	sadd.s32 @!p0 s18, s7  }
0x135: {  	[tilespmem:s8], [sflag:$0x3] =	stream.linear.gather @!p0 [hbm4b:s16+s17], $0x7D0, $0x38;
	[tilespmem:$0x1FC70] =	vst v63  }
0x136: {  	s8 =	sadd.s32 @!p0 $0xBFE0, s6;
	s16 =	sadd.s32 @!p0 s19, s7  }
0x137: {  	[tilespmem:s8], [sflag:$0x3] =	stream.linear.gather @!p0 [hbm4b:s16+s17], $0x7D0, $0x38;
	[tilespmem:$0x1FC70] =	vst v63  }
0x138: {  	s8 =	sadd.s32 @!p0 $0xC7B0, s6;
	s16 =	sadd.s32 @!p0 s20, s7  }
0x139: {  	[tilespmem:s8], [sflag:$0x3] =	stream.linear.gather @!p0 [hbm4b:s16+s17], $0x7D0, $0x38;
	[tilespmem:$0x1FC70] =	vst v63  }
0x13a: {  	s8 =	sadd.s32 @!p0 $0xCF80, s6;
	s16 =	sadd.s32 @!p0 s21, s7  }
0x13b: {  	[tilespmem:s8], [sflag:$0x3] =	stream.linear.gather @!p0 [hbm4b:s16+s17], $0x7D0, $0x38;
	[tilespmem:$0x1FC70] =	vst v63  }
0x13c: {  	s6 =	sadd.s32 @!p0 $0xD750, s6;
	s7 =	sadd.s32 @!p0 s22, s7  }
0x13d: {  	[tilespmem:s6], [sflag:$0x3] =	stream.linear.gather @!p0 [hbm4b:s7+s17], $0x7D0, $0x38;
	[tilespmem:$0x1FC70] =	vst v63  }
0x13e: {  	_ =	swait.ge [sflag:s4], $0x7D0  }
0x13f: {  	[sflag:s4] =	ssyncset.done $0x0  }
0x140: {  	[sflag:s4] =	ssyncadd.s32 $0xFFFFF830  }
0x141: {  	_ =	swait.ge [sflag:s4], $0x7D0  }
0x142: {  	[sflag:s4] =	ssyncset.done $0x0  }
0x143: {  	[sflag:s4] =	ssyncadd.s32 $0xFFFFF830  }
0x144: {  	_ =	swait.ge [sflag:s4], $0x7D0  }
0x145: {  	[sflag:s4] =	ssyncset.done $0x0  }
0x146: {  	[sflag:s4] =	ssyncadd.s32 $0xFFFFF830  }
0x147: {  	_ =	swait.ge [sflag:s4], $0x7D0  }
0x148: {  	[sflag:s4] =	ssyncset.done $0x0  }
0x149: {  	[sflag:s4] =	ssyncadd.s32 $0xFFFFF830  }
0x14a: {  	_ =	swait.ge [sflag:s4], $0x7D0  }
0x14b: {  	[sflag:s4] =	ssyncset.done $0x0  }
0x14c: {  	[sflag:s4] =	ssyncadd.s32 $0xFFFFF830  }
0x14d: {  	_ =	swait.ge [sflag:s4], $0x7D0  }
0x14e: {  	[sflag:s4] =	ssyncset.done $0x0  }
0x14f: {  	[sflag:s4] =	ssyncadd.s32 $0xFFFFF830  }
0x150: {  	_ =	swait.ge [sflag:s4], $0x7D0  }
0x151: {  	[sflag:s4] =	ssyncset.done $0x0  }
0x152: {  	[sflag:s4] =	ssyncadd.s32 $0xFFFFF830  }
0x153: {  	_ =	swait.ge [sflag:s4], $0x7D0  }
0x154: {  	[sflag:s4] =	ssyncset.done $0x0  }
0x155: {  	[sflag:s4] =	ssyncadd.s32 $0xFFFFF830  }
0x156: {  	_ =	swait.ge [sflag:s4], $0x7D0  }
0x157: {  	[sflag:s4] =	ssyncset.done $0x0  }
0x158: {  	[sflag:s4] =	ssyncadd.s32 $0xFFFFF830  }
0x159: {  	_ =	swait.ge [sflag:s4], $0x7D0  }
0x15a: {  	[sflag:s4] =	ssyncset.done $0x0  }
0x15b: {  	[sflag:s4] =	ssyncadd.s32 $0xFFFFF830  }
0x15c: {  	_ =	swait.ge [sflag:s4], $0x7D0  }
0x15d: {  	[sflag:s4] =	ssyncset.done $0x0  }
0x15e: {  	[sflag:s4] =	ssyncadd.s32 $0xFFFFF830  }
0x15f: {  	_ =	swait.ge [sflag:s4], $0x7D0  }
0x160: {  	[sflag:s4] =	ssyncset.done $0x0  }
0x161: {  	[sflag:s4] =	ssyncadd.s32 $0xFFFFF830  }
0x162: {  	_ =	swait.ge [sflag:s4], $0x7D0  }
0x163: {  	[sflag:s4] =	ssyncset.done $0x0  }
0x164: {  	[sflag:s4] =	ssyncadd.s32 $0xFFFFF830  }
0x165: {  	_ =	swait.ge [sflag:s4], $0x7D0  }
0x166: {  	[sflag:s4] =	ssyncset.done $0x0  }
0x167: {  	s5 =	sshll.u32 s5, $0x4;
	[sflag:s4] =	ssyncadd.s32 $0xFFFFF830  }
0x168: {  	v3 =	vmov s5;
	_ =	swait.ge [sflag:s4], $0x7D0  }
0x169: {  	v3 =	vmul.u32 $0x7D0, v3;
	[sflag:s4] =	ssyncset.done $0x0  }
0x16a: {  	[sflag:s4] =	ssyncadd.s32 $0xFFFFF830  }
0x16b: {  	v3 =	vbroadcast v3, $0x0;
	_ =	swait.ge [sflag:s4], $0x7D0  }
0x16c: {  	s28 =	smov.u32 s29;
	s24 =	smul.u32 $0x19, s2;
	[sflag:s4] =	ssyncset.done $0x0  }
0x16d: {  	s2 =	simm.s32 $0x0;
	s5 =	simm.s32 $0x0;
	v3 =	vadd.s32 v2, v3;
	[sflag:s4] =	ssyncadd.s32 $0xFFFFF830  }
.LBB2_8:
0x16e: {  	s16 =	sadd.s32 s24, s5  }
0x16f: {  	p0 =	slt.u32 s16, $0x3  }
0x170: {  	s6 =	simm.s32 @!p0 $0x2  }
0x171: {  	p1 =	sgt.u32 @!p0 s16, $0x79;
	_ =	swait.ge @!p0 [sflag:s6], $0x500  }
0x172: {  	p1 =	por p0, !p1;
	[sflag:s6] =	ssyncset.done @!p0 $0x0  }
0x173: {  	[sflag:s6] =	ssyncadd.s32 @!p0 $0xFFFFFB00;
	s6 =	sadd.s32 @p1 $0x3, s16  }
0x174: {  	s7 =	sand.u32 @p1 $0x3, s6  }
0x175: {  	s7 =	smul.u32 @p1 $0x1400, s7  }
0x176: {  	s6 =	smul.u32 @p1 $0x140, s6  }
0x177: {  	s7 =	sshrl.u32 @p1 s7, $0x2  }
0x178: {  	s6 =	sshra.s32 @p1 s6, $0x2;
	s7 =	sadd.s32 @p1 $0x4E20, s7  }
0x179: {  	[tilespmem:s7], [sflag:$0x1] =	stream.indirect.gather @p1 [spmem:s0], $0x10, s6, s23, $0xb8;
	[tilespmem:$0x1FC70] =	vst v63  }
0x17a: {  	s7 =	sadd.s32 $0xFFFFFFF8, s2  }
0x17b: {  	s1 =	sand.u32 $0x3, s28;
	s17 =	sadd.s32 $0xF, s7  }
0x17c: {  	s6 =	smul.u32 $0x1400, s1;
	s8 =	sadd.s32 $0x8, s7;
	v4 =	vadd.s32 s17, v3  }
0x17d: {  	_ =	swait.ge [sflag:s31], $0x500;
	s9 =	sadd.s32 $0x9, s7;
	v5 =	vadd.s32 s8, v3  }
0x17e: {  	s11 =	sadd.s32 $0xC, s7;
	[sflag:s31] =	ssyncset.done $0x0;
	v6 =	vadd.s32 s9, v3;
	s6 =	sshrl.u32 s6, $0x2  }
0x17f: {  	s17 =	sadd.s32 $0xA, s7;
	v12 =	vadd.s32 s11, v3;
	[sflag:s31] =	ssyncadd.s32 $0xFFFFFB00;
	s6 =	sadd.s32 $0x4E60, s6  }
0x180: {  	s10 =	sadd.s32 $0xB, s7;
	v7 =	vadd.s32 s17, v3;
	v13 =	vld [tilespmem:s6+$0x30]  }
0x181: {  	s12 =	sadd.s32 $0xD, s7;
	v11 =	vadd.s32 s10, v3;
	v4 =	vld.idx.msk [tilespmem:v4+s26+$0x0], $0xffff  }
0x182: {  	s7 =	sadd.s32 $0xE, s7;
	v14 =	vadd.s32 s12, v3;
	v8 =	vld.idx.msk [tilespmem:v5+s26+$0x0], $0xffff  }
0x183: {  	v15 =	vadd.s32 s7, v3;
	v10 =	vld.idx.msk [tilespmem:v6+s26+$0x0], $0xffff  }
0x184: {  	s17 =	sand.u32 $0x3, s16;
	v5 =	vld.idx.msk [tilespmem:v12+s26+$0x0], $0xffff  }
0x185: {  	s7 =	smul.u32 $0x1400, s17;
	v9 =	vld.idx.msk [tilespmem:v7+s26+$0x0], $0xffff  }
0x186: {  	v7 =	vld.idx.msk [tilespmem:v11+s26+$0x0], $0xffff;
	v11 =	vadd.f32 v13, v4  }
0x187: {  	s7 =	sshrl.u32 s7, $0x2;
	v6 =	vld.idx.msk [tilespmem:v14+s26+$0x0], $0xffff  }
0x188: {  	s8 =	simm.s32 $0x0;
	s17 =	sadd.s32 $0x4E20, s7;
	s7 =	smov.u32 s6;
	v4 =	vld.idx.msk [tilespmem:v15+s26+$0x0], $0xffff;
	v11 =	vmax.f32 v11, $0.0e+00  }
.LBB2_9:
0x189: {  	s9 =	sadd.s32 s8, s2;
	s8 =	sadd.s32 $0x8, s8;
	v12 =	vld [tilespmem:s6+$0xFFFFFFC0];
	[tilespmem:s6+$0x30] =	vst v11  }
0x18a: {  	s10 =	sadd.s32 $0x8, s9;
	s1 =	sadd.s32 $0xF, s9;
	p0 =	slt.u32 s8, $0x48;
	v11 =	vld [tilespmem:s6+$0xFFFFFFD0]  }
0x18b: {  	s11 =	sadd.s32 $0xA, s9;
	s12 =	sadd.s32 $0xB, s9;
	v13 =	vadd.s32 s10, v3;
	s10 =	sadd.s32 $0x9, s9;
	v14 =	vadd.s32 s1, v3;
	v15 =	vld [tilespmem:s6+$0xFFFFFFE0]  }
0x18c: {  	v17 =	vadd.s32 s11, v3;
	v18 =	vadd.s32 s12, v3;
	s1 =	sadd.s32 $0xC, s9;
	v16 =	vadd.s32 s10, v3;
	s10 =	sadd.s32 $0xD, s9;
	s9 =	sadd.s32 $0xE, s9;
	v19 =	vld [tilespmem:s6+$0xFFFFFFF0]  }
0x18d: {  	v20 =	vadd.s32 s1, v3;
	v21 =	vadd.s32 s10, v3;
	v22 =	vadd.s32 s9, v3;
	v23 =	vld [tilespmem:s6+$0x0]  }
0x18e: {  	v8 =	vadd.f32 v12, v8;
	v12 =	vld [tilespmem:s6+$0x10]  }
0x18f: {  	v10 =	vadd.f32 v11, v10;
	v11 =	vld [tilespmem:s6+$0x20]  }
0x190: {  	s6 =	sadd.s32 $0x80, s6;
	v14 =	vld.idx.msk [tilespmem:v14+s26+$0x0], $0xffff;
	v8 =	vmax.f32 v8, $0.0e+00;
	v9 =	vadd.f32 v15, v9  }
0x191: {  	v15 =	vld [tilespmem:s6+$0x30];
	[tilespmem:s7+$0xFFFFFFC0] =	vst v8;
	v10 =	vmax.f32 v10, $0.0e+00;
	v7 =	vadd.f32 v19, v7  }
0x192: {  	v8 =	vld.idx.msk [tilespmem:v13+s26+$0x0], $0xffff;
	[tilespmem:s7+$0xFFFFFFD0] =	vst v10;
	v9 =	vmax.f32 v9, $0.0e+00;
	v5 =	vadd.f32 v23, v5  }
0x193: {  	v10 =	vld.idx.msk [tilespmem:v16+s26+$0x0], $0xffff;
	[tilespmem:s7+$0xFFFFFFE0] =	vst v9;
	v7 =	vmax.f32 v7, $0.0e+00;
	v6 =	vadd.f32 v12, v6  }
.Ltmp2:
0x194: {  	v9 =	vld.idx.msk [tilespmem:v17+s26+$0x0], $0xffff;
	[tilespmem:s7+$0xFFFFFFF0] =	vst v7;
	v5 =	vmax.f32 v5, $0.0e+00;
	v4 =	vadd.f32 v11, v4;
	(pc) =	sbr.rel @p0 .LBB2_9-.Ltmp2, $4  }
0x195: {  	v7 =	vld.idx.msk [tilespmem:v18+s26+$0x0], $0xffff;
	[tilespmem:s7+$0x0] =	vst v5;
	v6 =	vmax.f32 v6, $0.0e+00  }
0x196: {  	v5 =	vld.idx.msk [tilespmem:v20+s26+$0x0], $0xffff;
	v11 =	vadd.f32 v15, v14;
	[tilespmem:s7+$0x10] =	vst v6;
	v4 =	vmax.f32 v4, $0.0e+00  }
0x197: {  	v6 =	vld.idx.msk [tilespmem:v21+s26+$0x0], $0xffff;
	[tilespmem:s7+$0x20] =	vst v4;
	s7 =	smov.u32 s6  }
0x198: {  	v4 =	vld.idx.msk [tilespmem:v22+s26+$0x0], $0xffff;
	v11 =	vmax.f32 v11, $0.0e+00  }
0x199: {  	v12 =	vld [tilespmem:s6+$0xFFFFFFC0]  }
0x19a: {  	v13 =	vld [tilespmem:s6+$0xFFFFFFD0]  }
0x19b: {  	v14 =	vld [tilespmem:s6+$0xFFFFFFE0]  }
0x19c: {  	v15 =	vld [tilespmem:s6+$0xFFFFFFF0]  }
0x19d: {  	v16 =	vld [tilespmem:s6+$0x0]  }
0x19e: {  	v61 =	vld [tilespmem:s6+$0x20];
	v8 =	vadd.f32 v12, v8  }
0x19f: {  	v60 =	vld [tilespmem:s6+$0x10];
	v10 =	vadd.f32 v13, v10  }
0x1a0: {  	[tilespmem:s6+$0x30] =	vst v11;
	v9 =	vadd.f32 v14, v9;
	v8 =	vmax.f32 v8, $0.0e+00  }
0x1a1: {  	v7 =	vadd.f32 v15, v7;
	v62 =	vmax.f32 v10, $0.0e+00;
	[tilespmem:s7+$0xFFFFFFC0] =	vst v8  }
0x1a2: {  	s5 =	sadd.s32 $0x1, s5;
	v5 =	vadd.f32 v16, v5;
	v63 =	vmax.f32 v9, $0.0e+00;
	[tilespmem:s7+$0xFFFFFFD0] =	vst v62  }
0x1a3: {  	s1 =	smul.u32 $0x140, s16;
	p0 =	seq.s32 s5, $0x19;
	v4 =	vadd.f32 v61, v4;
	v7 =	vmax.f32 v7, $0.0e+00;
	[tilespmem:s7+$0xFFFFFFE0] =	vst v63  }
.Ltmp3:
0x1a4: {  	v6 =	vadd.f32 v60, v6;
	v5 =	vmax.f32 v5, $0.0e+00;
	[tilespmem:s7+$0xFFFFFFF0] =	vst v7;
	(pc) =	sbr.rel @!p0 .LBB2_8-.Ltmp3, $4  }
0x1a5: {  	v4 =	vmax.f32 v4, $0.0e+00;
	[tilespmem:s7+$0x0] =	vst v5  }
0x1a6: {  	s1 =	sshra.s32 s1, $0x2;
	v5 =	vmax.f32 v6, $0.0e+00;
	[tilespmem:s7+$0x20] =	vst v4  }
0x1a7: {  	s2 =	sadd.s32 $0x50, s2;
	s28 =	sadd.s32 $0x1, s28;
	s1 =	sadd.s32 $0x2710, s1;
	[tilespmem:s7+$0x10] =	vst v5  }
0x1a8: {  	[spmem:s3] =	stream.indirect.scatter.add.f32 [tilespmem:s17], [sflag:$0x2], $0x10, s1, s23, $0xb8;
	[tilespmem:$0x1FC70] =	vst v63  }
0x1a9: {  	p0 =	seq.s32 s30, $0x5  }
.Ltmp4:
0x1aa: {  	_ = 	snop;
	(pc) =	sbr.rel @!p0 .LBB2_7-.Ltmp4, $2  }
0x1ab: {  	_ =	sdelay $0x2  }
0x1ac: {  	s29 =	sadd.s32 $0x1, s29  }
0x1ad: {  	s1 =	simm.s32 $0x2  }
0x1ae: {  	_ =	swait.ge [sflag:s1], $0x500  }
0x1af: {  	[sflag:s1] =	ssyncset.done $0x0  }
0x1b0: {  	[sflag:s1] =	ssyncadd.s32 $0xFFFFFB00  }
0x1b1: {  	_ =	swait.ge [sflag:s1], $0x500  }
0x1b2: {  	[sflag:s1] =	ssyncset.done $0x0  }
0x1b3: {  	[sflag:s1] =	ssyncadd.s32 $0xFFFFFB00  }
0x1b4: {  	_ =	swait.ge [sflag:s1], $0x500  }
0x1b5: {  	[sflag:s1] =	ssyncset.done $0x0  }
0x1b6: {  	[sflag:s1] =	ssyncadd.s32 $0xFFFFFB00  }
0x1b7: {  	[bflag:$0x0] =	sbarrier.arrive $0xFFFF  }
0x1b8: {  	s11 =	sld [smem:$0x7E0];
	_ =	sdelay $0x1  }
0x1b9: {  	s2 =	simm.s32 $0x18470;
	s12 =	simm.s32 $0x4  }
0x1ba: {  	[tilespmem:s2], [sflag:$0x4] =	stream.linear.gather [spmem:s11], $0x2800, $0x38;
	[tilespmem:$0x1FC70] =	vst v63  }
0x1bb: {  	_ =	swait.ge [sflag:s12], $0x2800  }
0x1bc: {  	[sflag:s12] =	ssyncset.done $0x0  }
0x1bd: {  	s16 =	simm.s32 $0x184B0;
	s17 =	simm.s32 $0x7;
	[sflag:s12] =	ssyncadd.s32 $0xFFFFD800  }
0x1be: {  	s5 =	simm.s32 $0x0;
	v6 =	vadd.s32 s17, v0;
	v8 =	vld [tilespmem:s16+$0x30]  }
0x1bf: {  	s24 =	simm.s32 $0x1;
	v9 =	vadd.s32 s5, v0;
	v11 =	vld [tilespmem:s16+$0xFFFFFFC0]  }
0x1c0: {  	s28 =	simm.s32 $0x2;
	v12 =	vadd.s32 s24, v0;
	v13 =	vld [tilespmem:s16+$0xFFFFFFD0]  }
0x1c1: {  	s29 =	simm.s32 $0x3;
	v7 =	vadd.s32 s28, v0;
	v5 =	vld [tilespmem:s16+$0xFFFFFFE0]  }
0x1c2: {  	s6 =	simm.s32 $0x4;
	v10 =	vadd.s32 s29, v0;
	v3 =	vld [tilespmem:s16+$0xFFFFFFF0]  }
0x1c3: {  	s30 =	simm.s32 $0x5;
	v4 =	vld [tilespmem:s16+$0x0];
	[tilespmem:v6+s25+$0x0] =	vst.idx.msk $0xffff, v8;
	v6 =	vadd.s32 s6, v0  }
0x1c4: {  	s8 =	simm.s32 $0x6;
	s7 =	simm.s32 $0xF;
	[tilespmem:v9+s25+$0x0] =	vst.idx.msk $0xffff, v11;
	v8 =	vld [tilespmem:s16+$0x10];
	v9 =	vadd.s32 s30, v0  }
0x1c5: {  	s5 =	simm.s32 $0x18530;
	s2 =	simm.s32 $0x8;
	s6 =	simm.s32 $0x10;
	[tilespmem:v12+s25+$0x0] =	vst.idx.msk $0xffff, v13;
	v11 =	vadd.s32 s8, v0;
	v12 =	vld [tilespmem:s16+$0x20]  }
.LBB2_12:
0x1c6: {  	p0 =	slt.u32 s6, $0x278;
	v13 =	vadd.s32 s7, v0;
	v14 =	vld [tilespmem:s5+$0x30];
	[tilespmem:v7+s25+$0x0] =	vst.idx.msk $0xffff, v5  }
0x1c7: {  	v15 =	vadd.s32 s2, v0;
	s1 =	sadd.s32 $0x1, s2;
	v16 =	vld [tilespmem:s5+$0xFFFFFFC0];
	[tilespmem:v10+s25+$0x0] =	vst.idx.msk $0xffff, v3  }
0x1c8: {  	v17 =	vadd.s32 s1, v0;
	s1 =	sadd.s32 $0x2, s2;
	v18 =	vld [tilespmem:s5+$0xFFFFFFD0];
	[tilespmem:v6+s25+$0x0] =	vst.idx.msk $0xffff, v4  }
.Ltmp5:
0x1c9: {  	v7 =	vadd.s32 s1, v0;
	s1 =	sadd.s32 $0x3, s2;
	v5 =	vld [tilespmem:s5+$0xFFFFFFE0];
	[tilespmem:v9+s25+$0x0] =	vst.idx.msk $0xffff, v8;
	(pc) =	sbr.rel @p0 .LBB2_12-.Ltmp5, $4  }
0x1ca: {  	v10 =	vadd.s32 s1, v0;
	s1 =	sadd.s32 $0x4, s2;
	v3 =	vld [tilespmem:s5+$0xFFFFFFF0];
	[tilespmem:v11+s25+$0x0] =	vst.idx.msk $0xffff, v12  }
0x1cb: {  	v6 =	vadd.s32 s1, v0;
	s1 =	sadd.s32 $0x5, s2;
	v4 =	vld [tilespmem:s5+$0x0];
	[tilespmem:v13+s25+$0x0] =	vst.idx.msk $0xffff, v14  }
0x1cc: {  	v9 =	vadd.s32 s1, v0;
	s1 =	sadd.s32 $0x6, s2;
	s2 =	smov.u32 s6;
	[tilespmem:v15+s25+$0x0] =	vst.idx.msk $0xffff, v16;
	v8 =	vld [tilespmem:s5+$0x10]  }
0x1cd: {  	s6 =	sadd.s32 $0x8, s6;
	s7 =	sadd.s32 $0x7, s2;
	v11 =	vadd.s32 s1, v0;
	[tilespmem:v17+s25+$0x0] =	vst.idx.msk $0xffff, v18;
	v12 =	vld [tilespmem:s5+$0x20];
	s5 =	sadd.s32 $0x80, s5  }
0x1ce: {  	_ =	sdelay $0x3  }
0x1cf: {  	v13 =	vadd.s32 s7, v0;
	v14 =	vld [tilespmem:s5+$0x30];
	[tilespmem:v7+s25+$0x0] =	vst.idx.msk $0xffff, v5  }
0x1d0: {  	v51 =	vadd.s32 s2, v0;
	v52 =	vld [tilespmem:s5+$0xFFFFFFC0];
	s1 =	sadd.s32 $0x1, s2;
	[tilespmem:v10+s25+$0x0] =	vst.idx.msk $0xffff, v3  }
0x1d1: {  	v53 =	vld [tilespmem:s5+$0xFFFFFFD0];
	s9 =	sadd.s32 $0x2, s2;
	v3 =	vadd.s32 s1, v0;
	[tilespmem:v6+s25+$0x0] =	vst.idx.msk $0xffff, v4  }
0x1d2: {  	v55 =	vld [tilespmem:s5+$0xFFFFFFE0];
	s10 =	sadd.s32 $0x3, s2;
	v54 =	vadd.s32 s9, v0;
	[tilespmem:v9+s25+$0x0] =	vst.idx.msk $0xffff, v8  }
0x1d3: {  	v57 =	vld [tilespmem:s5+$0xFFFFFFF0];
	s11 =	sadd.s32 $0x4, s2;
	v56 =	vadd.s32 s10, v0;
	[tilespmem:v11+s25+$0x0] =	vst.idx.msk $0xffff, v12  }
0x1d4: {  	v59 =	vld [tilespmem:s5+$0x0];
	s12 =	sadd.s32 $0x5, s2;
	v58 =	vadd.s32 s11, v0;
	[tilespmem:v13+s25+$0x0] =	vst.idx.msk $0xffff, v14  }
0x1d5: {  	v61 =	vld [tilespmem:s5+$0x10];
	s16 =	sadd.s32 $0x6, s2;
	v60 =	vadd.s32 s12, v0;
	[tilespmem:v51+s25+$0x0] =	vst.idx.msk $0xffff, v52  }
0x1d6: {  	v63 =	vld [tilespmem:s5+$0x20];
	v62 =	vadd.s32 s16, v0;
	[tilespmem:v3+s25+$0x0] =	vst.idx.msk $0xffff, v53  }
0x1d7: {  	[tilespmem:v54+s25+$0x0] =	vst.idx.msk $0xffff, v55  }
0x1d8: {  	[tilespmem:v56+s25+$0x0] =	vst.idx.msk $0xffff, v57  }
0x1d9: {  	[tilespmem:v58+s25+$0x0] =	vst.idx.msk $0xffff, v59  }
0x1da: {  	[tilespmem:v60+s25+$0x0] =	vst.idx.msk $0xffff, v61  }
0x1db: {  	[tilespmem:v62+s25+$0x0] =	vst.idx.msk $0xffff, v63  }
0x1dc: {  	s17 =	rddreg [dreg:$0x14]  }
0x1dd: {  	s24 =	simm.s32 $0x0;
	s2 =	rddreg [dreg:$0x15]  }
0x1de: {  	[hbm4b:s17+s24] =	stream.linear.scatter [tilespmem:s25], [sflag:$0x3], $0x280, $0x38;
	[tilespmem:$0x1FC70] =	vst v63  }
0x1df: {  	s5 =	simm.s32 $0x15EF0;
	s6 =	rddreg [dreg:$0x16]  }
0x1e0: {  	[hbm4b:s2+s24] =	stream.linear.scatter [tilespmem:s5], [sflag:$0x3], $0x280, $0x38;
	[tilespmem:$0x1FC70] =	vst v63  }
0x1e1: {  	s7 =	simm.s32 $0x16170;
	s8 =	rddreg [dreg:$0x17]  }
0x1e2: {  	[hbm4b:s6+s24] =	stream.linear.scatter [tilespmem:s7], [sflag:$0x3], $0x280, $0x38;
	[tilespmem:$0x1FC70] =	vst v63  }
0x1e3: {  	s9 =	rddreg [dreg:$0x18];
	s6 =	simm.s32 $0x163F0  }
0x1e4: {  	[hbm4b:s8+s24] =	stream.linear.scatter [tilespmem:s6], [sflag:$0x3], $0x280, $0x38;
	[tilespmem:$0x1FC70] =	vst v63  }
0x1e5: {  	s10 =	rddreg [dreg:$0x19];
	s7 =	simm.s32 $0x16670  }
0x1e6: {  	[hbm4b:s9+s24] =	stream.linear.scatter [tilespmem:s7], [sflag:$0x3], $0x280, $0x38;
	[tilespmem:$0x1FC70] =	vst v63  }
0x1e7: {  	s11 =	rddreg [dreg:$0x1a];
	s8 =	simm.s32 $0x168F0  }
0x1e8: {  	[hbm4b:s10+s24] =	stream.linear.scatter [tilespmem:s8], [sflag:$0x3], $0x280, $0x38;
	[tilespmem:$0x1FC70] =	vst v63  }
0x1e9: {  	s12 =	rddreg [dreg:$0x1b];
	s9 =	simm.s32 $0x16B70  }
0x1ea: {  	[hbm4b:s11+s24] =	stream.linear.scatter [tilespmem:s9], [sflag:$0x3], $0x280, $0x38;
	[tilespmem:$0x1FC70] =	vst v63  }
0x1eb: {  	s16 =	rddreg [dreg:$0x1c];
	s10 =	simm.s32 $0x16DF0  }
0x1ec: {  	[hbm4b:s12+s24] =	stream.linear.scatter [tilespmem:s10], [sflag:$0x3], $0x280, $0x38;
	[tilespmem:$0x1FC70] =	vst v63  }
0x1ed: {  	s17 =	rddreg [dreg:$0x1d];
	s11 =	simm.s32 $0x17070  }
0x1ee: {  	[hbm4b:s16+s24] =	stream.linear.scatter [tilespmem:s11], [sflag:$0x3], $0x280, $0x38;
	[tilespmem:$0x1FC70] =	vst v63  }
0x1ef: {  	s2 =	rddreg [dreg:$0x1e];
	s12 =	simm.s32 $0x172F0  }
0x1f0: {  	[hbm4b:s17+s24] =	stream.linear.scatter [tilespmem:s12], [sflag:$0x3], $0x280, $0x38;
	[tilespmem:$0x1FC70] =	vst v63  }
0x1f1: {  	s5 =	rddreg [dreg:$0x1f];
	s16 =	simm.s32 $0x17570  }
0x1f2: {  	[hbm4b:s2+s24] =	stream.linear.scatter [tilespmem:s16], [sflag:$0x3], $0x280, $0x38;
	[tilespmem:$0x1FC70] =	vst v63  }
0x1f3: {  	s17 =	simm.s32 $0x177F0;
	s2 =	sld [smem:$0x7DB]  }
0x1f4: {  	[hbm4b:s5+s24] =	stream.linear.scatter [tilespmem:s17], [sflag:$0x3], $0x280, $0x38;
	[tilespmem:$0x1FC70] =	vst v63  }
0x1f5: {  	s28 =	simm.s32 $0x17A70;
	s5 =	sld [smem:$0x7DC]  }
0x1f6: {  	[hbm4b:s2+s24] =	stream.linear.scatter [tilespmem:s28], [sflag:$0x3], $0x280, $0x38;
	[tilespmem:$0x1FC70] =	vst v63  }
0x1f7: {  	s29 =	simm.s32 $0x17CF0;
	s2 =	sld [smem:$0x7DD]  }
0x1f8: {  	[hbm4b:s5+s24] =	stream.linear.scatter [tilespmem:s29], [sflag:$0x3], $0x280, $0x38;
	[tilespmem:$0x1FC70] =	vst v63  }
0x1f9: {  	s30 =	simm.s32 $0x17F70;
	s5 =	sld [smem:$0x7DE]  }
0x1fa: {  	[hbm4b:s2+s24] =	stream.linear.scatter [tilespmem:s30], [sflag:$0x3], $0x280, $0x38;
	[tilespmem:$0x1FC70] =	vst v63  }
0x1fb: {  	s2 =	simm.s32 $0x181F0  }
0x1fc: {  	[hbm4b:s5+s24] =	stream.linear.scatter [tilespmem:s2], [sflag:$0x3], $0x280, $0x38;
	[tilespmem:$0x1FC70] =	vst v63  }
0x1fd: {  	_ =	swait.ge [sflag:s4], $0x280  }
0x1fe: {  	[sflag:s4] =	ssyncset.done $0x0  }
0x1ff: {  	[sflag:s4] =	ssyncadd.s32 $0xFFFFFD80  }
0x200: {  	_ =	swait.ge [sflag:s4], $0x280  }
0x201: {  	[sflag:s4] =	ssyncset.done $0x0  }
0x202: {  	[sflag:s4] =	ssyncadd.s32 $0xFFFFFD80  }
0x203: {  	_ =	swait.ge [sflag:s4], $0x280  }
0x204: {  	[sflag:s4] =	ssyncset.done $0x0  }
0x205: {  	[sflag:s4] =	ssyncadd.s32 $0xFFFFFD80  }
0x206: {  	_ =	swait.ge [sflag:s4], $0x280  }
0x207: {  	[sflag:s4] =	ssyncset.done $0x0  }
0x208: {  	[sflag:s4] =	ssyncadd.s32 $0xFFFFFD80  }
0x209: {  	_ =	swait.ge [sflag:s4], $0x280  }
0x20a: {  	[sflag:s4] =	ssyncset.done $0x0  }
0x20b: {  	[sflag:s4] =	ssyncadd.s32 $0xFFFFFD80  }
0x20c: {  	_ =	swait.ge [sflag:s4], $0x280  }
0x20d: {  	[sflag:s4] =	ssyncset.done $0x0  }
0x20e: {  	[sflag:s4] =	ssyncadd.s32 $0xFFFFFD80  }
0x20f: {  	_ =	swait.ge [sflag:s4], $0x280  }
0x210: {  	[sflag:s4] =	ssyncset.done $0x0  }
0x211: {  	[sflag:s4] =	ssyncadd.s32 $0xFFFFFD80  }
0x212: {  	_ =	swait.ge [sflag:s4], $0x280  }
0x213: {  	[sflag:s4] =	ssyncset.done $0x0  }
0x214: {  	[sflag:s4] =	ssyncadd.s32 $0xFFFFFD80  }
0x215: {  	_ =	swait.ge [sflag:s4], $0x280  }
0x216: {  	[sflag:s4] =	ssyncset.done $0x0  }
0x217: {  	[sflag:s4] =	ssyncadd.s32 $0xFFFFFD80  }
0x218: {  	_ =	swait.ge [sflag:s4], $0x280  }
0x219: {  	[sflag:s4] =	ssyncset.done $0x0  }
0x21a: {  	[sflag:s4] =	ssyncadd.s32 $0xFFFFFD80  }
0x21b: {  	_ =	swait.ge [sflag:s4], $0x280  }
0x21c: {  	[sflag:s4] =	ssyncset.done $0x0  }
0x21d: {  	[sflag:s4] =	ssyncadd.s32 $0xFFFFFD80  }
0x21e: {  	_ =	swait.ge [sflag:s4], $0x280  }
0x21f: {  	[sflag:s4] =	ssyncset.done $0x0  }
0x220: {  	[sflag:s4] =	ssyncadd.s32 $0xFFFFFD80  }
0x221: {  	_ =	swait.ge [sflag:s4], $0x280  }
0x222: {  	[sflag:s4] =	ssyncset.done $0x0  }
0x223: {  	[sflag:s4] =	ssyncadd.s32 $0xFFFFFD80  }
0x224: {  	_ =	swait.ge [sflag:s4], $0x280  }
0x225: {  	[sflag:s4] =	ssyncset.done $0x0  }
0x226: {  	[sflag:s4] =	ssyncadd.s32 $0xFFFFFD80  }
0x227: {  	_ =	swait.ge [sflag:s4], $0x280  }
0x228: {  	[sflag:s4] =	ssyncset.done $0x0  }
0x229: {  	[sflag:s4] =	ssyncadd.s32 $0xFFFFFD80  }
0x22a: {  	_ =	swait.ge [sflag:s4], $0x280  }
0x22b: {  	s1 =	sld [smem:$0x7FD];
	_ =	sdelay $0x2  }
0x22c: {  	s5 =	sadd.s32 $0x1, s1;
	s1 =	sld [smem:$0x7FB];
	_ =	sdelay $0x2  }
0x22d: {  	p0 =	sne.s32 s5, s1  }
.Ltmp6:
0x22e: {  	_ = 	snop;
	(pc) =	sbr.rel @p0 .LBB2_1-.Ltmp6, $3  }
0x22f: {  	_ =	sdelay $0x1  }
0x230: {  	[sflag:s4] =	ssyncset.done $0x0  }
0x231: {  	[sflag:s4] =	ssyncadd.s32 $0xFFFFFD80;
	[smem:$0x7FD] =	sst s5;
	s5 =	simm.s32 $0x15EF0  }
0x232: {  	_ =	sfence.sel $0x180000  }
0x233: {  	[bflag:$0x0] =	sbarrier.arrive $0xFFFF  }
0x234: {  	_ =	strace $0x90000047  }
0x235: {  	s0 =	stileid.u32;
	[bflag:$0x2] =	sbarrier.arrive $0xFFFF  }
0x236: {  	p0 =	sne.s32 s0, $0x0;
	s0 =	rddreg [dreg:$0x3]  }
0x237: {  	s0 =	sadd.s32 @!p0 $0x100000, s0  }
0x238: {  	[sflag:s0] =	ssyncadd.tile.s32 @!p0 $0x1;
	_ =	shalt  }
.Lfunc_end2:
_tile_overlayer_lowered:
.L_overlay_start_2:
0x239: {  	(tag) =	ssettag $0x2  }
0x23a: {  	s0 =	rddreg [dreg:$0x0];
	s2 =	stileid.u32  }
0x23b: {  	s1 =	rddreg [dreg:$0x1];
	p0 =	sne.s32 s2, $0x0  }
0x23c: {  	s3 =	rddreg [dreg:$0x2];
	[bflag:$0x3] =	sbarrier.arrive $0xFFFF;
	s2 =	simm.s32 @!p0 $0x1C04  }
0x23d: {  	[timem:s3], [sflag:s2] =	dma.local @!p0 [hbm:s0], s1  }
0x23e: {  	s0 =	simm.s32 @!p0 $0x4  }
0x23f: {  	_ =	swait.ge @!p0 [sflag:s0], s1  }
0x240: {  	s1 =	ssub.s32 @!p0 $0x0, s1;
	[sflag:s0] =	ssyncset.done @!p0 $0x0  }
0x241: {  	[sflag:s0] =	ssyncadd.s32 @!p0 s1  }
0x242: {  	[bflag:$0x3] =	sbarrier.arrive $0xFFFF  }
0x243: {  	_ =	shalt  }

</sc_bundles>
